<compile_context>
chip_gen: v7x
topology: tpu7x:2x2x1
jax: 0.10.2.dev20260603
libtpu: 0.0.44.dev20260713+nightly
codegen_flags: <defaults>
</compile_context>

<pallas_src>
import functools

import jax
import jax.numpy as jnp
from jax import lax
from jax.experimental import pallas as pl
from jax.experimental.pallas import tpu as pltpu
from jax.experimental.pallas import tpu_sc as plsc

_C = 10000
_D = 128
_N = 131072
_NC = 2
_NS = 16
_NW = _NC * _NS
_RPW = _N // _NW
_CHUNK = 128
_NCHUNK = _RPW // _CHUNK
_CPT = 624
_CREM = _C - _NS * _CPT


_HC = 64
_NHC = _RPW // _HC


def _seg_body(feat_hbm, lab_hbm, zeros_hbm, psum_hbm, pcnt_hbm,
              idx_v, rows_a, rows_b, accum_sh, sem_a, sem_b):
    cid = lax.axis_index("c")
    sid = lax.axis_index("s")
    wid = sid * _NC + cid

    zeros16 = jnp.zeros((16,), jnp.float32)
    ones16 = jnp.ones((16,), jnp.float32)

    def _feat(h):
        return feat_hbm.at[pl.ds(wid * _RPW + h * _HC, _HC)]

    pltpu.sync_copy(zeros_hbm, rows_a)
    for j in range(9):
        pltpu.async_copy(
            rows_a, accum_sh.at[pl.ds(sid * _CPT + j * _HC, _HC)], sem_b)
    pltpu.async_copy(rows_a.at[pl.ds(0, 48)],
                     accum_sh.at[pl.ds(sid * _CPT + 576, 48)], sem_b)

    @pl.when(sid == 0)
    def _():
        pltpu.async_copy(rows_a.at[pl.ds(0, _CREM)],
                         accum_sh.at[pl.ds(_NS * _CPT, _CREM)], sem_b)

    pltpu.sync_copy(lab_hbm.at[wid], idx_v)

    for j in range(9):
        pltpu.make_async_copy(
            rows_a, accum_sh.at[pl.ds(sid * _CPT + j * _HC, _HC)],
            sem_b).wait()
    pltpu.make_async_copy(rows_a.at[pl.ds(0, 48)],
                          accum_sh.at[pl.ds(sid * _CPT + 576, 48)],
                          sem_b).wait()

    @pl.when(sid == 0)
    def _():
        pltpu.make_async_copy(rows_a.at[pl.ds(0, _CREM)],
                              accum_sh.at[pl.ds(_NS * _CPT, _CREM)],
                              sem_b).wait()

    plsc.subcore_barrier()

    pltpu.async_copy(_feat(0), rows_a, sem_a)

    def _pair(i, carry):
        h0 = 2 * i
        pltpu.async_copy(_feat(h0 + 1), rows_b, sem_b)
        pltpu.make_async_copy(_feat(h0), rows_a, sem_a).wait()
        pltpu.sync_copy(rows_a, accum_sh.at[idx_v.at[h0]], add=True)

        @pl.when(i + 1 < _NHC // 2)
        def _():
            pltpu.async_copy(_feat(h0 + 2), rows_a, sem_a)

        pltpu.make_async_copy(_feat(h0 + 1), rows_b, sem_b).wait()
        pltpu.sync_copy(rows_b, accum_sh.at[idx_v.at[h0 + 1]], add=True)
        return carry

    lax.fori_loop(0, _NHC // 2, _pair, 0)
    plsc.subcore_barrier()

    def _copy_out(dst_hbm):
        slices = [(sid * _CPT + j * _HC, _HC) for j in range(9)]
        slices.append((sid * _CPT + 576, 48))
        bufs = (rows_a, rows_b)
        sems = (sem_a, sem_b)

        def _hop2(k):
            off, size = slices[k]
            return (bufs[k % 2].at[pl.ds(0, size)],
                    dst_hbm.at[cid, pl.ds(off, size)], sems[k % 2])

        for k, (off, size) in enumerate(slices):
            if k >= 2:
                pltpu.make_async_copy(*_hop2(k - 2)).wait()
            pltpu.sync_copy(accum_sh.at[pl.ds(off, size)],
                            bufs[k % 2].at[pl.ds(0, size)])
            pltpu.async_copy(*_hop2(k))
        pltpu.make_async_copy(*_hop2(len(slices) - 2)).wait()
        pltpu.make_async_copy(*_hop2(len(slices) - 1)).wait()

        @pl.when(sid == 0)
        def _():
            pltpu.sync_copy(accum_sh.at[pl.ds(_NS * _CPT, _CREM)],
                            rows_a.at[pl.ds(0, _CREM)])
            pltpu.sync_copy(rows_a.at[pl.ds(0, _CREM)],
                            dst_hbm.at[cid, pl.ds(_NS * _CPT, _CREM)])

    _copy_out(psum_hbm)
    plsc.subcore_barrier()

    def _fill_ones(i, carry):
        for t in range(_D // 16):
            rows_a[i, pl.ds(t * 16, 16)] = ones16
        return carry

    lax.fori_loop(0, _HC, _fill_ones, 0)

    def _cfire(h, carry):
        pltpu.async_copy(rows_a, accum_sh.at[idx_v.at[h]], sem_a, add=True)
        return carry

    lax.fori_loop(0, _NHC, _cfire, 0)

    def _cdrain(h, carry):
        pltpu.make_async_copy(rows_a, accum_sh.at[idx_v.at[0]], sem_a).wait()
        return carry

    lax.fori_loop(0, _NHC, _cdrain, 0)
    plsc.subcore_barrier()
    _copy_out(pcnt_hbm)


@functools.cache
def _seg_call():
    return pl.kernel(
        _seg_body,
        out_type=(
            jax.ShapeDtypeStruct((_NC, _C, _D), jnp.float32),
            jax.ShapeDtypeStruct((_NC, _C, _D), jnp.float32),
        ),
        mesh=plsc.VectorSubcoreMesh(core_axis_name="c", subcore_axis_name="s",
                                    num_cores=_NC, num_subcores=_NS),
        scratch_types=[
            pltpu.VMEM((_NHC, _HC), jnp.int32),
            pltpu.VMEM((_HC, _D), jnp.float32),
            pltpu.VMEM((_HC, _D), jnp.float32),
            pltpu.VMEM_SHARED((_C, _D), jnp.float32),
            pltpu.SemaphoreType.DMA,
            pltpu.SemaphoreType.DMA,
        ],
    )


_BLK = 1000


def _loss_body(psum_ref, pcnt_ref, proto_ref, dphi_ref, loss_ref, acc_ref):
    i = pl.program_id(0)

    @pl.when(i == 0)
    def _():
        acc_ref[0] = 0.0
        acc_ref[1] = 0.0

    sums = psum_ref[0] + psum_ref[1]
    counts = (pcnt_ref[0] - psum_ref[0]
              + pcnt_ref[1] - psum_ref[1])[:, 0]
    present = counts > 0.0
    means = sums / jnp.maximum(counts, 1.0)[:, None]
    diff = means - (proto_ref[...] + dphi_ref[...])
    norms = jnp.sqrt(jnp.sum(diff * diff, axis=1))
    acc_ref[0] += jnp.sum(jnp.where(present, norms, 0.0))
    acc_ref[1] += jnp.sum(present.astype(jnp.float32))

    @pl.when(i == pl.num_programs(0) - 1)
    def _():
        val = acc_ref[0] / jnp.maximum(acc_ref[1], 1.0)
        loss_ref[...] = jnp.broadcast_to(val, (1, 1))


def _loss_call(psum, pcnt, prototypes, delta_phi):
    return pl.pallas_call(
        _loss_body,
        grid=(_C // _BLK,),
        in_specs=[
            pl.BlockSpec((_NC, _BLK, _D), lambda i: (0, i, 0)),
            pl.BlockSpec((_NC, _BLK, _D), lambda i: (0, i, 0)),
            pl.BlockSpec((_BLK, _D), lambda i: (i, 0)),
            pl.BlockSpec((_BLK, _D), lambda i: (i, 0)),
        ],
        out_specs=pl.BlockSpec((1, 1), lambda i: (0, 0)),
        out_shape=jax.ShapeDtypeStruct((1, 1), jnp.float32),
        scratch_shapes=[pltpu.SMEM((2,), jnp.float32)],
    )(psum, pcnt, prototypes, delta_phi)


@jax.jit
def kernel(t_features, t_pseudo_labels, prototypes, delta_phi):
    labels = t_pseudo_labels.reshape(_NW, _NHC, _HC)
    zeros = jnp.zeros((_HC, _D), jnp.float32)
    psum, pcnt = _seg_call()(t_features, labels, zeros)
    loss = _loss_call(psum, pcnt, prototypes, delta_phi)
    return loss[0, 0]

# --- scband reference (transcript-rebuilt; emitter-appended) ---
"""Pipeline reference for scband-temporal-prototype-manager-32693291057658 (READ-ONLY COPY).

The authoritative reference and input builder live on the scoring server;
editing this copy changes nothing except your own understanding.
"""

import jax, jax.numpy as jnp
import numpy as np

CLASS_NUM = 10000
FEATURE_DIM = 128
N = 131072


def setup_inputs(seed: int = 0) -> dict:
    key = jax.random.key(seed)
    k1, k2, k3, k4 = jax.random.split(key, 4)
    t_features = jax.random.normal(k1, (N, FEATURE_DIM), dtype=jnp.float32)
    t_pseudo_labels = jax.random.randint(k2, (N,), 0, CLASS_NUM, dtype=jnp.int32)
    # learned/buffer parameters sized per init_kwargs
    prototypes = jax.random.normal(k3, (CLASS_NUM, FEATURE_DIM), dtype=jnp.float32)
    delta_phi = jax.random.normal(k4, (CLASS_NUM, FEATURE_DIM), dtype=jnp.float32) * 0.01
    return {
        "t_features": t_features,
        "t_pseudo_labels": t_pseudo_labels,
        "prototypes": prototypes,
        "delta_phi": delta_phi,
    }


def reference(t_features, t_pseudo_labels, prototypes, delta_phi):
    # Faithful vectorization of get_aligned_loss:
    # per-class mean of t_features where labels == i, L2 distance to
    # (prototypes[i] + delta_phi[i]), averaged over classes that appear.
    ones = jnp.ones((t_features.shape[0],), dtype=t_features.dtype)
    sums = jax.ops.segment_sum(t_features, t_pseudo_labels, num_segments=CLASS_NUM)
    counts = jax.ops.segment_sum(ones, t_pseudo_labels, num_segments=CLASS_NUM)
    present = counts > 0
    safe_counts = jnp.maximum(counts, 1.0)
    t_means = sums / safe_counts[:, None]
    target_aligned = prototypes + delta_phi
    diff = t_means - target_aligned
    norms = jnp.sqrt(jnp.sum(diff * diff, axis=1))
    num_present = jnp.maximum(jnp.sum(present.astype(t_features.dtype)), 1.0)
    loss = jnp.sum(jnp.where(present, norms, 0.0)) / num_present
    return loss

if __name__ == "__main__":
    import jax
    _d = setup_inputs()
    print(jax.jit(kernel)(*tuple(_d.values())))

</pallas_src>

<mosaic_0001>
#map = affine_map<(d0, d1) -> (0, 0)>
#map1 = affine_map<(d0, d1) -> (0, 0, 0)>
module attributes {stable_mosaic.version = 14 : i64} {
  func.func @_seg_body(%arg0: i32, %arg1: i32, %arg2: memref<131072x128xf32, #tpu.memory_space<hbm>>, %arg3: memref<32x64x64xi32, #tpu.memory_space<hbm>>, %arg4: memref<64x128xf32, #tpu.memory_space<hbm>>, %arg5: memref<2x10000x128xf32, #tpu.memory_space<hbm>>, %arg6: memref<2x10000x128xf32, #tpu.memory_space<hbm>>, %arg7: memref<64x64xi32, #tpu.memory_space<vmem>>, %arg8: memref<64x128xf32, #tpu.memory_space<vmem>>, %arg9: memref<64x128xf32, #tpu.memory_space<vmem>>, %arg10: memref<10000x128xf32, #tpu.memory_space<vmem_shared>>, %arg11: memref<!tpu.dma_semaphore, #tpu.memory_space<semaphore_mem>>, %arg12: memref<!tpu.dma_semaphore, #tpu.memory_space<semaphore_mem>>) attributes {dimension_semantics = [#tpu.dimension_semantics<core_parallel>, #tpu.dimension_semantics<subcore_parallel>], iteration_bounds = array<i64: 2, 16>, scalar_prefetch = 0 : i64, scratch_operands = 6 : i64, tpu.core_type = #tpu.core_type<sc_vector_subcore>, window_params = [{transform_indices = #map}, {transform_indices = #map1}, {transform_indices = #map}, {transform_indices = #map1}, {transform_indices = #map1}]} {
    %mul3A = arith.constant 2 : i32
    %mul3A_0 = arith.muli %arg1, %mul3A : i32
    %add3A = arith.addi %mul3A_0, %arg0 : i32
    %broadcast_in_dim3A = arith.constant 0.000000e+00 : f32
    %broadcast_in_dim3A_1 = vector.broadcast %broadcast_in_dim3A : f32 to vector<16xf32>
    %broadcast_in_dim3A_2 = arith.constant 1.000000e+00 : f32
    %broadcast_in_dim3A_3 = vector.broadcast %broadcast_in_dim3A_2 : f32 to vector<16xf32>
    "tpu.region"() ({
      %run_scoped3A = tpu.sem_alloc : memref<!tpu.dma_semaphore, #tpu.memory_space<semaphore_mem>>
      tpu.enqueue_dma source(%arg4 : memref<64x128xf32, #tpu.memory_space<hbm>>) target(%arg8 : memref<64x128xf32, #tpu.memory_space<vmem>>) target_semaphore(%run_scoped3A : memref<!tpu.dma_semaphore, #tpu.memory_space<semaphore_mem>>)
      tpu.wait_dma2 semaphore(%run_scoped3A : memref<!tpu.dma_semaphore, #tpu.memory_space<semaphore_mem>>) src(%arg4 : memref<64x128xf32, #tpu.memory_space<hbm>>) dst(%arg8 : memref<64x128xf32, #tpu.memory_space<vmem>>)
      tpu.yield
    }) : () -> ()
    %mul3A_4 = arith.constant 624 : i32
    %mul3A_5 = arith.muli %arg1, %mul3A_4 : i32
    %add3A_6 = arith.constant 0 : i32
    %add3A_7 = arith.addi %mul3A_5, %add3A_6 : i32
    %dma_start3A = arith.constant 0 : i32
    %dma_start3A_8 = tpu.memref_slice %arg10[%add3A_7, %dma_start3A] : memref<10000x128xf32, #tpu.memory_space<vmem_shared>> -> memref<64x128xf32, #tpu.memory_space<vmem_shared>>
    %dma_start3A_9 = arith.constant 0 : i32
    %dma_start3A_10 = tpu.memref_slice %arg10[%add3A_7, %dma_start3A_9] : memref<10000x128xf32, #tpu.memory_space<vmem_shared>> -> memref<64x128xf32, #tpu.memory_space<vmem_shared>>
    tpu.enqueue_dma source(%arg8 : memref<64x128xf32, #tpu.memory_space<vmem>>) target(%dma_start3A_10 : memref<64x128xf32, #tpu.memory_space<vmem_shared>>) target_semaphore(%arg12 : memref<!tpu.dma_semaphore, #tpu.memory_space<semaphore_mem>>)
    %mul3A_11 = arith.constant 624 : i32
    %mul3A_12 = arith.muli %arg1, %mul3A_11 : i32
    %add3A_13 = arith.constant 64 : i32
    %add3A_14 = arith.addi %mul3A_12, %add3A_13 : i32
    %dma_start3A_15 = arith.constant 0 : i32
    %dma_start3A_16 = tpu.memref_slice %arg10[%add3A_14, %dma_start3A_15] : memref<10000x128xf32, #tpu.memory_space<vmem_shared>> -> memref<64x128xf32, #tpu.memory_space<vmem_shared>>
    %dma_start3A_17 = arith.constant 0 : i32
    %dma_start3A_18 = tpu.memref_slice %arg10[%add3A_14, %dma_start3A_17] : memref<10000x128xf32, #tpu.memory_space<vmem_shared>> -> memref<64x128xf32, #tpu.memory_space<vmem_shared>>
    tpu.enqueue_dma source(%arg8 : memref<64x128xf32, #tpu.memory_space<vmem>>) target(%dma_start3A_18 : memref<64x128xf32, #tpu.memory_space<vmem_shared>>) target_semaphore(%arg12 : memref<!tpu.dma_semaphore, #tpu.memory_space<semaphore_mem>>)
    %mul3A_19 = arith.constant 624 : i32
    %mul3A_20 = arith.muli %arg1, %mul3A_19 : i32
    %add3A_21 = arith.constant 128 : i32
    %add3A_22 = arith.addi %mul3A_20, %add3A_21 : i32
    %dma_start3A_23 = arith.constant 0 : i32
    %dma_start3A_24 = tpu.memref_slice %arg10[%add3A_22, %dma_start3A_23] : memref<10000x128xf32, #tpu.memory_space<vmem_shared>> -> memref<64x128xf32, #tpu.memory_space<vmem_shared>>
    %dma_start3A_25 = arith.constant 0 : i32
    %dma_start3A_26 = tpu.memref_slice %arg10[%add3A_22, %dma_start3A_25] : memref<10000x128xf32, #tpu.memory_space<vmem_shared>> -> memref<64x128xf32, #tpu.memory_space<vmem_shared>>
    tpu.enqueue_dma source(%arg8 : memref<64x128xf32, #tpu.memory_space<vmem>>) target(%dma_start3A_26 : memref<64x128xf32, #tpu.memory_space<vmem_shared>>) target_semaphore(%arg12 : memref<!tpu.dma_semaphore, #tpu.memory_space<semaphore_mem>>)
    %mul3A_27 = arith.constant 624 : i32
    %mul3A_28 = arith.muli %arg1, %mul3A_27 : i32
    %add3A_29 = arith.constant 192 : i32
    %add3A_30 = arith.addi %mul3A_28, %add3A_29 : i32
    %dma_start3A_31 = arith.constant 0 : i32
    %dma_start3A_32 = tpu.memref_slice %arg10[%add3A_30, %dma_start3A_31] : memref<10000x128xf32, #tpu.memory_space<vmem_shared>> -> memref<64x128xf32, #tpu.memory_space<vmem_shared>>
    %dma_start3A_33 = arith.constant 0 : i32
    %dma_start3A_34 = tpu.memref_slice %arg10[%add3A_30, %dma_start3A_33] : memref<10000x128xf32, #tpu.memory_space<vmem_shared>> -> memref<64x128xf32, #tpu.memory_space<vmem_shared>>
    tpu.enqueue_dma source(%arg8 : memref<64x128xf32, #tpu.memory_space<vmem>>) target(%dma_start3A_34 : memref<64x128xf32, #tpu.memory_space<vmem_shared>>) target_semaphore(%arg12 : memref<!tpu.dma_semaphore, #tpu.memory_space<semaphore_mem>>)
    %mul3A_35 = arith.constant 624 : i32
    %mul3A_36 = arith.muli %arg1, %mul3A_35 : i32
    %add3A_37 = arith.constant 256 : i32
    %add3A_38 = arith.addi %mul3A_36, %add3A_37 : i32
    %dma_start3A_39 = arith.constant 0 : i32
    %dma_start3A_40 = tpu.memref_slice %arg10[%add3A_38, %dma_start3A_39] : memref<10000x128xf32, #tpu.memory_space<vmem_shared>> -> memref<64x128xf32, #tpu.memory_space<vmem_shared>>
    %dma_start3A_41 = arith.constant 0 : i32
    %dma_start3A_42 = tpu.memref_slice %arg10[%add3A_38, %dma_start3A_41] : memref<10000x128xf32, #tpu.memory_space<vmem_shared>> -> memref<64x128xf32, #tpu.memory_space<vmem_shared>>
    tpu.enqueue_dma source(%arg8 : memref<64x128xf32, #tpu.memory_space<vmem>>) target(%dma_start3A_42 : memref<64x128xf32, #tpu.memory_space<vmem_shared>>) target_semaphore(%arg12 : memref<!tpu.dma_semaphore, #tpu.memory_space<semaphore_mem>>)
    %mul3A_43 = arith.constant 624 : i32
    %mul3A_44 = arith.muli %arg1, %mul3A_43 : i32
    %add3A_45 = arith.constant 320 : i32
    %add3A_46 = arith.addi %mul3A_44, %add3A_45 : i32
    %dma_start3A_47 = arith.constant 0 : i32
    %dma_start3A_48 = tpu.memref_slice %arg10[%add3A_46, %dma_start3A_47] : memref<10000x128xf32, #tpu.memory_space<vmem_shared>> -> memref<64x128xf32, #tpu.memory_space<vmem_shared>>
    %dma_start3A_49 = arith.constant 0 : i32
    %dma_start3A_50 = tpu.memref_slice %arg10[%add3A_46, %dma_start3A_49] : memref<10000x128xf32, #tpu.memory_space<vmem_shared>> -> memref<64x128xf32, #tpu.memory_space<vmem_shared>>
    tpu.enqueue_dma source(%arg8 : memref<64x128xf32, #tpu.memory_space<vmem>>) target(%dma_start3A_50 : memref<64x128xf32, #tpu.memory_space<vmem_shared>>) target_semaphore(%arg12 : memref<!tpu.dma_semaphore, #tpu.memory_space<semaphore_mem>>)
    %mul3A_51 = arith.constant 624 : i32
    %mul3A_52 = arith.muli %arg1, %mul3A_51 : i32
    %add3A_53 = arith.constant 384 : i32
    %add3A_54 = arith.addi %mul3A_52, %add3A_53 : i32
    %dma_start3A_55 = arith.constant 0 : i32
    %dma_start3A_56 = tpu.memref_slice %arg10[%add3A_54, %dma_start3A_55] : memref<10000x128xf32, #tpu.memory_space<vmem_shared>> -> memref<64x128xf32, #tpu.memory_space<vmem_shared>>
    %dma_start3A_57 = arith.constant 0 : i32
    %dma_start3A_58 = tpu.memref_slice %arg10[%add3A_54, %dma_start3A_57] : memref<10000x128xf32, #tpu.memory_space<vmem_shared>> -> memref<64x128xf32, #tpu.memory_space<vmem_shared>>
    tpu.enqueue_dma source(%arg8 : memref<64x128xf32, #tpu.memory_space<vmem>>) target(%dma_start3A_58 : memref<64x128xf32, #tpu.memory_space<vmem_shared>>) target_semaphore(%arg12 : memref<!tpu.dma_semaphore, #tpu.memory_space<semaphore_mem>>)
    %mul3A_59 = arith.constant 624 : i32
    %mul3A_60 = arith.muli %arg1, %mul3A_59 : i32
    %add3A_61 = arith.constant 448 : i32
    %add3A_62 = arith.addi %mul3A_60, %add3A_61 : i32
    %dma_start3A_63 = arith.constant 0 : i32
    %dma_start3A_64 = tpu.memref_slice %arg10[%add3A_62, %dma_start3A_63] : memref<10000x128xf32, #tpu.memory_space<vmem_shared>> -> memref<64x128xf32, #tpu.memory_space<vmem_shared>>
    %dma_start3A_65 = arith.constant 0 : i32
    %dma_start3A_66 = tpu.memref_slice %arg10[%add3A_62, %dma_start3A_65] : memref<10000x128xf32, #tpu.memory_space<vmem_shared>> -> memref<64x128xf32, #tpu.memory_space<vmem_shared>>
    tpu.enqueue_dma source(%arg8 : memref<64x128xf32, #tpu.memory_space<vmem>>) target(%dma_start3A_66 : memref<64x128xf32, #tpu.memory_space<vmem_shared>>) target_semaphore(%arg12 : memref<!tpu.dma_semaphore, #tpu.memory_space<semaphore_mem>>)
    %mul3A_67 = arith.constant 624 : i32
    %mul3A_68 = arith.muli %arg1, %mul3A_67 : i32
    %add3A_69 = arith.constant 512 : i32
    %add3A_70 = arith.addi %mul3A_68, %add3A_69 : i32
    %dma_start3A_71 = arith.constant 0 : i32
    %dma_start3A_72 = tpu.memref_slice %arg10[%add3A_70, %dma_start3A_71] : memref<10000x128xf32, #tpu.memory_space<vmem_shared>> -> memref<64x128xf32, #tpu.memory_space<vmem_shared>>
    %dma_start3A_73 = arith.constant 0 : i32
    %dma_start3A_74 = tpu.memref_slice %arg10[%add3A_70, %dma_start3A_73] : memref<10000x128xf32, #tpu.memory_space<vmem_shared>> -> memref<64x128xf32, #tpu.memory_space<vmem_shared>>
    tpu.enqueue_dma source(%arg8 : memref<64x128xf32, #tpu.memory_space<vmem>>) target(%dma_start3A_74 : memref<64x128xf32, #tpu.memory_space<vmem_shared>>) target_semaphore(%arg12 : memref<!tpu.dma_semaphore, #tpu.memory_space<semaphore_mem>>)
    %mul3A_75 = arith.constant 624 : i32
    %mul3A_76 = arith.muli %arg1, %mul3A_75 : i32
    %add3A_77 = arith.constant 576 : i32
    %add3A_78 = arith.addi %mul3A_76, %add3A_77 : i32
    %dma_start3A_79 = arith.constant 0 : i32
    %dma_start3A_80 = arith.constant 0 : i32
    %dma_start3A_81 = tpu.memref_slice %arg8[%dma_start3A_79, %dma_start3A_80] : memref<64x128xf32, #tpu.memory_space<vmem>> -> memref<48x128xf32, #tpu.memory_space<vmem>>
    %dma_start3A_82 = arith.constant 0 : i32
    %dma_start3A_83 = tpu.memref_slice %arg10[%add3A_78, %dma_start3A_82] : memref<10000x128xf32, #tpu.memory_space<vmem_shared>> -> memref<48x128xf32, #tpu.memory_space<vmem_shared>>
    %dma_start3A_84 = arith.constant 0 : i32
    %dma_start3A_85 = tpu.memref_slice %arg10[%add3A_78, %dma_start3A_84] : memref<10000x128xf32, #tpu.memory_space<vmem_shared>> -> memref<48x128xf32, #tpu.memory_space<vmem_shared>>
    %dma_start3A_86 = arith.constant 0 : i32
    %dma_start3A_87 = arith.constant 0 : i32
    %dma_start3A_88 = tpu.memref_slice %arg8[%dma_start3A_86, %dma_start3A_87] : memref<64x128xf32, #tpu.memory_space<vmem>> -> memref<48x128xf32, #tpu.memory_space<vmem>>
    tpu.enqueue_dma source(%dma_start3A_88 : memref<48x128xf32, #tpu.memory_space<vmem>>) target(%dma_start3A_85 : memref<48x128xf32, #tpu.memory_space<vmem_shared>>) target_semaphore(%arg12 : memref<!tpu.dma_semaphore, #tpu.memory_space<semaphore_mem>>)
    %eq3A = arith.constant 0 : i32
    %eq3A_89 = arith.cmpi eq, %arg1, %eq3A : i32
    %convert_element_type3A = arith.extui %eq3A_89 : i1 to i32
    %cond3A = arith.constant 0 : i32
    %cond3A_90 = arith.cmpi ne, %convert_element_type3A, %cond3A : i32
    scf.if %cond3A_90 {
      %dma_start3A_785 = arith.constant 0 : i32
      %dma_start3A_786 = arith.constant 0 : i32
      %dma_start3A_787 = tpu.memref_slice %arg8[%dma_start3A_785, %dma_start3A_786] : memref<64x128xf32, #tpu.memory_space<vmem>> -> memref<16x128xf32, #tpu.memory_space<vmem>>
      %dma_start3A_788 = arith.constant 9984 : i32
      %dma_start3A_789 = arith.constant 0 : i32
      %dma_start3A_790 = tpu.memref_slice %arg10[%dma_start3A_788, %dma_start3A_789] : memref<10000x128xf32, #tpu.memory_space<vmem_shared>> -> memref<16x128xf32, #tpu.memory_space<vmem_shared>>
      %dma_start3A_791 = arith.constant 9984 : i32
      %dma_start3A_792 = arith.constant 0 : i32
      %dma_start3A_793 = tpu.memref_slice %arg10[%dma_start3A_791, %dma_start3A_792] : memref<10000x128xf32, #tpu.memory_space<vmem_shared>> -> memref<16x128xf32, #tpu.memory_space<vmem_shared>>
      %dma_start3A_794 = arith.constant 0 : i32
      %dma_start3A_795 = arith.constant 0 : i32
      %dma_start3A_796 = tpu.memref_slice %arg8[%dma_start3A_794, %dma_start3A_795] : memref<64x128xf32, #tpu.memory_space<vmem>> -> memref<16x128xf32, #tpu.memory_space<vmem>>
      tpu.enqueue_dma source(%dma_start3A_796 : memref<16x128xf32, #tpu.memory_space<vmem>>) target(%dma_start3A_793 : memref<16x128xf32, #tpu.memory_space<vmem_shared>>) target_semaphore(%arg12 : memref<!tpu.dma_semaphore, #tpu.memory_space<semaphore_mem>>)
    } else {
    }
    "tpu.region"() ({
      %run_scoped3A = tpu.sem_alloc : memref<!tpu.dma_semaphore, #tpu.memory_space<semaphore_mem>>
      %dma_start3A_785 = arith.constant 0 : i32
      %dma_start3A_786 = arith.constant 0 : i32
      %dma_start3A_787 = tpu.memref_slice %arg3[%add3A, %dma_start3A_785, %dma_start3A_786] : memref<32x64x64xi32, #tpu.memory_space<hbm>> -> memref<1x64x64xi32, #tpu.memory_space<hbm>>
      %dma_start3A_788 = tpu.memref_squeeze %dma_start3A_787 : memref<1x64x64xi32, #tpu.memory_space<hbm>> -> memref<64x64xi32, #tpu.memory_space<hbm>>
      %dma_start3A_789 = arith.constant 0 : i32
      %dma_start3A_790 = arith.constant 0 : i32
      %dma_start3A_791 = tpu.memref_slice %arg3[%add3A, %dma_start3A_789, %dma_start3A_790] : memref<32x64x64xi32, #tpu.memory_space<hbm>> -> memref<1x64x64xi32, #tpu.memory_space<hbm>>
      %dma_start3A_792 = tpu.memref_squeeze %dma_start3A_791 : memref<1x64x64xi32, #tpu.memory_space<hbm>> -> memref<64x64xi32, #tpu.memory_space<hbm>>
      tpu.enqueue_dma source(%dma_start3A_792 : memref<64x64xi32, #tpu.memory_space<hbm>>) target(%arg7 : memref<64x64xi32, #tpu.memory_space<vmem>>) target_semaphore(%run_scoped3A : memref<!tpu.dma_semaphore, #tpu.memory_space<semaphore_mem>>)
      %dma_wait3A_793 = arith.constant 0 : i32
      %dma_wait3A_794 = arith.constant 0 : i32
      %dma_wait3A_795 = tpu.memref_slice %arg3[%add3A, %dma_wait3A_793, %dma_wait3A_794] : memref<32x64x64xi32, #tpu.memory_space<hbm>> -> memref<1x64x64xi32, #tpu.memory_space<hbm>>
      %dma_wait3A_796 = tpu.memref_squeeze %dma_wait3A_795 : memref<1x64x64xi32, #tpu.memory_space<hbm>> -> memref<64x64xi32, #tpu.memory_space<hbm>>
      %dma_wait3A_797 = arith.constant 0 : i32
      %dma_wait3A_798 = arith.constant 0 : i32
      %dma_wait3A_799 = tpu.memref_slice %arg3[%add3A, %dma_wait3A_797, %dma_wait3A_798] : memref<32x64x64xi32, #tpu.memory_space<hbm>> -> memref<1x64x64xi32, #tpu.memory_space<hbm>>
      %dma_wait3A_800 = tpu.memref_squeeze %dma_wait3A_799 : memref<1x64x64xi32, #tpu.memory_space<hbm>> -> memref<64x64xi32, #tpu.memory_space<hbm>>
      tpu.wait_dma2 semaphore(%run_scoped3A : memref<!tpu.dma_semaphore, #tpu.memory_space<semaphore_mem>>) src(%dma_wait3A_800 : memref<64x64xi32, #tpu.memory_space<hbm>>) dst(%arg7 : memref<64x64xi32, #tpu.memory_space<vmem>>)
      tpu.yield
    }) : () -> ()
    %mul3A_91 = arith.constant 624 : i32
    %mul3A_92 = arith.muli %arg1, %mul3A_91 : i32
    %add3A_93 = arith.constant 0 : i32
    %add3A_94 = arith.addi %mul3A_92, %add3A_93 : i32
    %dma_wait3A = arith.constant 0 : i32
    %dma_wait3A_95 = tpu.memref_slice %arg10[%add3A_94, %dma_wait3A] : memref<10000x128xf32, #tpu.memory_space<vmem_shared>> -> memref<64x128xf32, #tpu.memory_space<vmem_shared>>
    %dma_wait3A_96 = arith.constant 0 : i32
    %dma_wait3A_97 = tpu.memref_slice %arg10[%add3A_94, %dma_wait3A_96] : memref<10000x128xf32, #tpu.memory_space<vmem_shared>> -> memref<64x128xf32, #tpu.memory_space<vmem_shared>>
    tpu.wait_dma2 semaphore(%arg12 : memref<!tpu.dma_semaphore, #tpu.memory_space<semaphore_mem>>) src(%arg8 : memref<64x128xf32, #tpu.memory_space<vmem>>) dst(%dma_wait3A_97 : memref<64x128xf32, #tpu.memory_space<vmem_shared>>)
    %mul3A_98 = arith.constant 624 : i32
    %mul3A_99 = arith.muli %arg1, %mul3A_98 : i32
    %add3A_100 = arith.constant 64 : i32
    %add3A_101 = arith.addi %mul3A_99, %add3A_100 : i32
    %dma_wait3A_102 = arith.constant 0 : i32
    %dma_wait3A_103 = tpu.memref_slice %arg10[%add3A_101, %dma_wait3A_102] : memref<10000x128xf32, #tpu.memory_space<vmem_shared>> -> memref<64x128xf32, #tpu.memory_space<vmem_shared>>
    %dma_wait3A_104 = arith.constant 0 : i32
    %dma_wait3A_105 = tpu.memref_slice %arg10[%add3A_101, %dma_wait3A_104] : memref<10000x128xf32, #tpu.memory_space<vmem_shared>> -> memref<64x128xf32, #tpu.memory_space<vmem_shared>>
    tpu.wait_dma2 semaphore(%arg12 : memref<!tpu.dma_semaphore, #tpu.memory_space<semaphore_mem>>) src(%arg8 : memref<64x128xf32, #tpu.memory_space<vmem>>) dst(%dma_wait3A_105 : memref<64x128xf32, #tpu.memory_space<vmem_shared>>)
    %mul3A_106 = arith.constant 624 : i32
    %mul3A_107 = arith.muli %arg1, %mul3A_106 : i32
    %add3A_108 = arith.constant 128 : i32
    %add3A_109 = arith.addi %mul3A_107, %add3A_108 : i32
    %dma_wait3A_110 = arith.constant 0 : i32
    %dma_wait3A_111 = tpu.memref_slice %arg10[%add3A_109, %dma_wait3A_110] : memref<10000x128xf32, #tpu.memory_space<vmem_shared>> -> memref<64x128xf32, #tpu.memory_space<vmem_shared>>
    %dma_wait3A_112 = arith.constant 0 : i32
    %dma_wait3A_113 = tpu.memref_slice %arg10[%add3A_109, %dma_wait3A_112] : memref<10000x128xf32, #tpu.memory_space<vmem_shared>> -> memref<64x128xf32, #tpu.memory_space<vmem_shared>>
    tpu.wait_dma2 semaphore(%arg12 : memref<!tpu.dma_semaphore, #tpu.memory_space<semaphore_mem>>) src(%arg8 : memref<64x128xf32, #tpu.memory_space<vmem>>) dst(%dma_wait3A_113 : memref<64x128xf32, #tpu.memory_space<vmem_shared>>)
    %mul3A_114 = arith.constant 624 : i32
    %mul3A_115 = arith.muli %arg1, %mul3A_114 : i32
    %add3A_116 = arith.constant 192 : i32
    %add3A_117 = arith.addi %mul3A_115, %add3A_116 : i32
    %dma_wait3A_118 = arith.constant 0 : i32
    %dma_wait3A_119 = tpu.memref_slice %arg10[%add3A_117, %dma_wait3A_118] : memref<10000x128xf32, #tpu.memory_space<vmem_shared>> -> memref<64x128xf32, #tpu.memory_space<vmem_shared>>
    %dma_wait3A_120 = arith.constant 0 : i32
    %dma_wait3A_121 = tpu.memref_slice %arg10[%add3A_117, %dma_wait3A_120] : memref<10000x128xf32, #tpu.memory_space<vmem_shared>> -> memref<64x128xf32, #tpu.memory_space<vmem_shared>>
    tpu.wait_dma2 semaphore(%arg12 : memref<!tpu.dma_semaphore, #tpu.memory_space<semaphore_mem>>) src(%arg8 : memref<64x128xf32, #tpu.memory_space<vmem>>) dst(%dma_wait3A_121 : memref<64x128xf32, #tpu.memory_space<vmem_shared>>)
    %mul3A_122 = arith.constant 624 : i32
    %mul3A_123 = arith.muli %arg1, %mul3A_122 : i32
    %add3A_124 = arith.constant 256 : i32
    %add3A_125 = arith.addi %mul3A_123, %add3A_124 : i32
    %dma_wait3A_126 = arith.constant 0 : i32
    %dma_wait3A_127 = tpu.memref_slice %arg10[%add3A_125, %dma_wait3A_126] : memref<10000x128xf32, #tpu.memory_space<vmem_shared>> -> memref<64x128xf32, #tpu.memory_space<vmem_shared>>
    %dma_wait3A_128 = arith.constant 0 : i32
    %dma_wait3A_129 = tpu.memref_slice %arg10[%add3A_125, %dma_wait3A_128] : memref<10000x128xf32, #tpu.memory_space<vmem_shared>> -> memref<64x128xf32, #tpu.memory_space<vmem_shared>>
    tpu.wait_dma2 semaphore(%arg12 : memref<!tpu.dma_semaphore, #tpu.memory_space<semaphore_mem>>) src(%arg8 : memref<64x128xf32, #tpu.memory_space<vmem>>) dst(%dma_wait3A_129 : memref<64x128xf32, #tpu.memory_space<vmem_shared>>)
    %mul3A_130 = arith.constant 624 : i32
    %mul3A_131 = arith.muli %arg1, %mul3A_130 : i32
    %add3A_132 = arith.constant 320 : i32
    %add3A_133 = arith.addi %mul3A_131, %add3A_132 : i32
    %dma_wait3A_134 = arith.constant 0 : i32
    %dma_wait3A_135 = tpu.memref_slice %arg10[%add3A_133, %dma_wait3A_134] : memref<10000x128xf32, #tpu.memory_space<vmem_shared>> -> memref<64x128xf32, #tpu.memory_space<vmem_shared>>
    %dma_wait3A_136 = arith.constant 0 : i32
    %dma_wait3A_137 = tpu.memref_slice %arg10[%add3A_133, %dma_wait3A_136] : memref<10000x128xf32, #tpu.memory_space<vmem_shared>> -> memref<64x128xf32, #tpu.memory_space<vmem_shared>>
    tpu.wait_dma2 semaphore(%arg12 : memref<!tpu.dma_semaphore, #tpu.memory_space<semaphore_mem>>) src(%arg8 : memref<64x128xf32, #tpu.memory_space<vmem>>) dst(%dma_wait3A_137 : memref<64x128xf32, #tpu.memory_space<vmem_shared>>)
    %mul3A_138 = arith.constant 624 : i32
    %mul3A_139 = arith.muli %arg1, %mul3A_138 : i32
    %add3A_140 = arith.constant 384 : i32
    %add3A_141 = arith.addi %mul3A_139, %add3A_140 : i32
    %dma_wait3A_142 = arith.constant 0 : i32
    %dma_wait3A_143 = tpu.memref_slice %arg10[%add3A_141, %dma_wait3A_142] : memref<10000x128xf32, #tpu.memory_space<vmem_shared>> -> memref<64x128xf32, #tpu.memory_space<vmem_shared>>
    %dma_wait3A_144 = arith.constant 0 : i32
    %dma_wait3A_145 = tpu.memref_slice %arg10[%add3A_141, %dma_wait3A_144] : memref<10000x128xf32, #tpu.memory_space<vmem_shared>> -> memref<64x128xf32, #tpu.memory_space<vmem_shared>>
    tpu.wait_dma2 semaphore(%arg12 : memref<!tpu.dma_semaphore, #tpu.memory_space<semaphore_mem>>) src(%arg8 : memref<64x128xf32, #tpu.memory_space<vmem>>) dst(%dma_wait3A_145 : memref<64x128xf32, #tpu.memory_space<vmem_shared>>)
    %mul3A_146 = arith.constant 624 : i32
    %mul3A_147 = arith.muli %arg1, %mul3A_146 : i32
    %add3A_148 = arith.constant 448 : i32
    %add3A_149 = arith.addi %mul3A_147, %add3A_148 : i32
    %dma_wait3A_150 = arith.constant 0 : i32
    %dma_wait3A_151 = tpu.memref_slice %arg10[%add3A_149, %dma_wait3A_150] : memref<10000x128xf32, #tpu.memory_space<vmem_shared>> -> memref<64x128xf32, #tpu.memory_space<vmem_shared>>
    %dma_wait3A_152 = arith.constant 0 : i32
    %dma_wait3A_153 = tpu.memref_slice %arg10[%add3A_149, %dma_wait3A_152] : memref<10000x128xf32, #tpu.memory_space<vmem_shared>> -> memref<64x128xf32, #tpu.memory_space<vmem_shared>>
    tpu.wait_dma2 semaphore(%arg12 : memref<!tpu.dma_semaphore, #tpu.memory_space<semaphore_mem>>) src(%arg8 : memref<64x128xf32, #tpu.memory_space<vmem>>) dst(%dma_wait3A_153 : memref<64x128xf32, #tpu.memory_space<vmem_shared>>)
    %mul3A_154 = arith.constant 624 : i32
    %mul3A_155 = arith.muli %arg1, %mul3A_154 : i32
    %add3A_156 = arith.constant 512 : i32
    %add3A_157 = arith.addi %mul3A_155, %add3A_156 : i32
    %dma_wait3A_158 = arith.constant 0 : i32
    %dma_wait3A_159 = tpu.memref_slice %arg10[%add3A_157, %dma_wait3A_158] : memref<10000x128xf32, #tpu.memory_space<vmem_shared>> -> memref<64x128xf32, #tpu.memory_space<vmem_shared>>
    %dma_wait3A_160 = arith.constant 0 : i32
    %dma_wait3A_161 = tpu.memref_slice %arg10[%add3A_157, %dma_wait3A_160] : memref<10000x128xf32, #tpu.memory_space<vmem_shared>> -> memref<64x128xf32, #tpu.memory_space<vmem_shared>>
    tpu.wait_dma2 semaphore(%arg12 : memref<!tpu.dma_semaphore, #tpu.memory_space<semaphore_mem>>) src(%arg8 : memref<64x128xf32, #tpu.memory_space<vmem>>) dst(%dma_wait3A_161 : memref<64x128xf32, #tpu.memory_space<vmem_shared>>)
    %mul3A_162 = arith.constant 624 : i32
    %mul3A_163 = arith.muli %arg1, %mul3A_162 : i32
    %add3A_164 = arith.constant 576 : i32
    %add3A_165 = arith.addi %mul3A_163, %add3A_164 : i32
    %dma_wait3A_166 = arith.constant 0 : i32
    %dma_wait3A_167 = arith.constant 0 : i32
    %dma_wait3A_168 = tpu.memref_slice %arg8[%dma_wait3A_166, %dma_wait3A_167] : memref<64x128xf32, #tpu.memory_space<vmem>> -> memref<48x128xf32, #tpu.memory_space<vmem>>
    %dma_wait3A_169 = arith.constant 0 : i32
    %dma_wait3A_170 = tpu.memref_slice %arg10[%add3A_165, %dma_wait3A_169] : memref<10000x128xf32, #tpu.memory_space<vmem_shared>> -> memref<48x128xf32, #tpu.memory_space<vmem_shared>>
    %dma_wait3A_171 = arith.constant 0 : i32
    %dma_wait3A_172 = tpu.memref_slice %arg10[%add3A_165, %dma_wait3A_171] : memref<10000x128xf32, #tpu.memory_space<vmem_shared>> -> memref<48x128xf32, #tpu.memory_space<vmem_shared>>
    %dma_wait3A_173 = arith.constant 0 : i32
    %dma_wait3A_174 = arith.constant 0 : i32
    %dma_wait3A_175 = tpu.memref_slice %arg8[%dma_wait3A_173, %dma_wait3A_174] : memref<64x128xf32, #tpu.memory_space<vmem>> -> memref<48x128xf32, #tpu.memory_space<vmem>>
    tpu.wait_dma2 semaphore(%arg12 : memref<!tpu.dma_semaphore, #tpu.memory_space<semaphore_mem>>) src(%dma_wait3A_175 : memref<48x128xf32, #tpu.memory_space<vmem>>) dst(%dma_wait3A_172 : memref<48x128xf32, #tpu.memory_space<vmem_shared>>)
    %eq3A_176 = arith.constant 0 : i32
    %eq3A_177 = arith.cmpi eq, %arg1, %eq3A_176 : i32
    %convert_element_type3A_178 = arith.extui %eq3A_177 : i1 to i32
    %cond3A_179 = arith.constant 0 : i32
    %cond3A_180 = arith.cmpi ne, %convert_element_type3A_178, %cond3A_179 : i32
    scf.if %cond3A_180 {
      %dma_wait3A_785 = arith.constant 0 : i32
      %dma_wait3A_786 = arith.constant 0 : i32
      %dma_wait3A_787 = tpu.memref_slice %arg8[%dma_wait3A_785, %dma_wait3A_786] : memref<64x128xf32, #tpu.memory_space<vmem>> -> memref<16x128xf32, #tpu.memory_space<vmem>>
      %dma_wait3A_788 = arith.constant 9984 : i32
      %dma_wait3A_789 = arith.constant 0 : i32
      %dma_wait3A_790 = tpu.memref_slice %arg10[%dma_wait3A_788, %dma_wait3A_789] : memref<10000x128xf32, #tpu.memory_space<vmem_shared>> -> memref<16x128xf32, #tpu.memory_space<vmem_shared>>
      %dma_wait3A_791 = arith.constant 9984 : i32
      %dma_wait3A_792 = arith.constant 0 : i32
      %dma_wait3A_793 = tpu.memref_slice %arg10[%dma_wait3A_791, %dma_wait3A_792] : memref<10000x128xf32, #tpu.memory_space<vmem_shared>> -> memref<16x128xf32, #tpu.memory_space<vmem_shared>>
      %dma_wait3A_794 = arith.constant 0 : i32
      %dma_wait3A_795 = arith.constant 0 : i32
      %dma_wait3A_796 = tpu.memref_slice %arg8[%dma_wait3A_794, %dma_wait3A_795] : memref<64x128xf32, #tpu.memory_space<vmem>> -> memref<16x128xf32, #tpu.memory_space<vmem>>
      tpu.wait_dma2 semaphore(%arg12 : memref<!tpu.dma_semaphore, #tpu.memory_space<semaphore_mem>>) src(%dma_wait3A_796 : memref<16x128xf32, #tpu.memory_space<vmem>>) dst(%dma_wait3A_793 : memref<16x128xf32, #tpu.memory_space<vmem_shared>>)
    } else {
    }
    %barrier3A = arith.constant 0 : index
    tpu.barrier barrier_id(%barrier3A)
    %mul3A_181 = arith.constant 4096 : i32
    %mul3A_182 = arith.muli %add3A, %mul3A_181 : i32
    %add3A_183 = arith.constant 0 : i32
    %add3A_184 = arith.addi %mul3A_182, %add3A_183 : i32
    %dma_start3A_185 = arith.constant 0 : i32
    %dma_start3A_186 = tpu.memref_slice %arg2[%add3A_184, %dma_start3A_185] : memref<131072x128xf32, #tpu.memory_space<hbm>> -> memref<64x128xf32, #tpu.memory_space<hbm>>
    %dma_start3A_187 = arith.constant 0 : i32
    %dma_start3A_188 = tpu.memref_slice %arg2[%add3A_184, %dma_start3A_187] : memref<131072x128xf32, #tpu.memory_space<hbm>> -> memref<64x128xf32, #tpu.memory_space<hbm>>
    tpu.enqueue_dma source(%dma_start3A_188 : memref<64x128xf32, #tpu.memory_space<hbm>>) target(%arg8 : memref<64x128xf32, #tpu.memory_space<vmem>>) target_semaphore(%arg11 : memref<!tpu.dma_semaphore, #tpu.memory_space<semaphore_mem>>)
    %scan3A = arith.constant 0 : i32
    %scan3A_189 = arith.constant 0 : i32
    %scan3A_190 = arith.constant 32 : i32
    %scan3A_191 = arith.addi %scan3A_189, %scan3A_190 : i32
    %scan3A_192 = arith.constant 1 : i32
    scf.for %scan3A_785 = %scan3A_189 to %scan3A_191 step %scan3A_192  : i32 {
      %mul3A_786 = arith.constant 2 : i32
      %mul3A_787 = arith.muli %mul3A_786, %scan3A_785 : i32
      %add3A_788 = arith.constant 1 : i32
      %add3A_789 = arith.addi %mul3A_787, %add3A_788 : i32
      %mul3A_790 = arith.constant 4096 : i32
      %mul3A_791 = arith.muli %add3A, %mul3A_790 : i32
      %mul3A_792 = arith.constant 64 : i32
      %mul3A_793 = arith.muli %add3A_789, %mul3A_792 : i32
      %add3A_794 = arith.addi %mul3A_791, %mul3A_793 : i32
      %dma_start3A_795 = arith.constant 0 : i32
      %dma_start3A_796 = tpu.memref_slice %arg2[%add3A_794, %dma_start3A_795] : memref<131072x128xf32, #tpu.memory_space<hbm>> -> memref<64x128xf32, #tpu.memory_space<hbm>>
      %dma_start3A_797 = arith.constant 0 : i32
      %dma_start3A_798 = tpu.memref_slice %arg2[%add3A_794, %dma_start3A_797] : memref<131072x128xf32, #tpu.memory_space<hbm>> -> memref<64x128xf32, #tpu.memory_space<hbm>>
      tpu.enqueue_dma source(%dma_start3A_798 : memref<64x128xf32, #tpu.memory_space<hbm>>) target(%arg9 : memref<64x128xf32, #tpu.memory_space<vmem>>) target_semaphore(%arg12 : memref<!tpu.dma_semaphore, #tpu.memory_space<semaphore_mem>>)
      %mul3A_799 = arith.constant 4096 : i32
      %mul3A_800 = arith.muli %add3A, %mul3A_799 : i32
      %mul3A_801 = arith.constant 64 : i32
      %mul3A_802 = arith.muli %mul3A_787, %mul3A_801 : i32
      %add3A_803 = arith.addi %mul3A_800, %mul3A_802 : i32
      %dma_wait3A_804 = arith.constant 0 : i32
      %dma_wait3A_805 = tpu.memref_slice %arg2[%add3A_803, %dma_wait3A_804] : memref<131072x128xf32, #tpu.memory_space<hbm>> -> memref<64x128xf32, #tpu.memory_space<hbm>>
      %dma_wait3A_806 = arith.constant 0 : i32
      %dma_wait3A_807 = tpu.memref_slice %arg2[%add3A_803, %dma_wait3A_806] : memref<131072x128xf32, #tpu.memory_space<hbm>> -> memref<64x128xf32, #tpu.memory_space<hbm>>
      tpu.wait_dma2 semaphore(%arg11 : memref<!tpu.dma_semaphore, #tpu.memory_space<semaphore_mem>>) src(%dma_wait3A_807 : memref<64x128xf32, #tpu.memory_space<hbm>>) dst(%arg8 : memref<64x128xf32, #tpu.memory_space<vmem>>)
      "tpu.region"() ({
        %run_scoped3A = tpu.sem_alloc : memref<!tpu.dma_semaphore, #tpu.memory_space<semaphore_mem>>
        %dma_start3A_827 = arith.constant 0 : i32
        %dma_start3A_828 = tpu.memref_slice %arg7[%mul3A_787, %dma_start3A_827] : memref<64x64xi32, #tpu.memory_space<vmem>> -> memref<1x64xi32, #tpu.memory_space<vmem>>
        %dma_start3A_829 = tpu.memref_squeeze %dma_start3A_828 : memref<1x64xi32, #tpu.memory_space<vmem>> -> memref<64xi32, #tpu.memory_space<vmem>>
        %dma_start3A_830 = arith.constant 0 : i32
        %dma_start3A_831 = arith.constant 0 : i32
        %dma_start3A_832 = tpu.memref_slice %arg10[%dma_start3A_830, %dma_start3A_831] : memref<10000x128xf32, #tpu.memory_space<vmem_shared>> -> memref<10000x128xf32, #tpu.memory_space<vmem_shared>>
        tpu.enqueue_indirect_dma source(%arg8 : memref<64x128xf32, #tpu.memory_space<vmem>>) target(%dma_start3A_832 : memref<10000x128xf32, #tpu.memory_space<vmem_shared>>) offsets(%dma_start3A_829 : memref<64xi32, #tpu.memory_space<vmem>>) semaphore(%run_scoped3A : memref<!tpu.dma_semaphore, #tpu.memory_space<semaphore_mem>>) {add = true}
        %dma_wait3A_833 = arith.constant 0 : i32
        %dma_wait3A_834 = tpu.memref_slice %arg7[%mul3A_787, %dma_wait3A_833] : memref<64x64xi32, #tpu.memory_space<vmem>> -> memref<1x64xi32, #tpu.memory_space<vmem>>
        %dma_wait3A_835 = tpu.memref_squeeze %dma_wait3A_834 : memref<1x64xi32, #tpu.memory_space<vmem>> -> memref<64xi32, #tpu.memory_space<vmem>>
        %dma_wait3A_836 = arith.constant 0 : i32
        %dma_wait3A_837 = arith.constant 0 : i32
        %dma_wait3A_838 = tpu.memref_slice %arg10[%dma_wait3A_836, %dma_wait3A_837] : memref<10000x128xf32, #tpu.memory_space<vmem_shared>> -> memref<10000x128xf32, #tpu.memory_space<vmem_shared>>
        tpu.wait_indirect_dma semaphore(%run_scoped3A : memref<!tpu.dma_semaphore, #tpu.memory_space<semaphore_mem>>) src(%arg8 : memref<64x128xf32, #tpu.memory_space<vmem>>) dst(%dma_wait3A_838 : memref<10000x128xf32, #tpu.memory_space<vmem_shared>>)
        tpu.yield
      }) : () -> ()
      %add3A_808 = arith.constant 1 : i32
      %add3A_809 = arith.addi %scan3A_785, %add3A_808 : i32
      %lt3A = arith.constant 32 : i32
      %lt3A_810 = arith.cmpi slt, %add3A_809, %lt3A : i32
      %convert_element_type3A_811 = arith.extui %lt3A_810 : i1 to i32
      %cond3A_812 = arith.constant 0 : i32
      %cond3A_813 = arith.cmpi ne, %convert_element_type3A_811, %cond3A_812 : i32
      scf.if %cond3A_813 {
        %add3A_827 = arith.constant 2 : i32
        %add3A_828 = arith.addi %mul3A_787, %add3A_827 : i32
        %mul3A_829 = arith.constant 4096 : i32
        %mul3A_830 = arith.muli %add3A, %mul3A_829 : i32
        %mul3A_831 = arith.constant 64 : i32
        %mul3A_832 = arith.muli %add3A_828, %mul3A_831 : i32
        %add3A_833 = arith.addi %mul3A_830, %mul3A_832 : i32
        %dma_start3A_834 = arith.constant 0 : i32
        %dma_start3A_835 = tpu.memref_slice %arg2[%add3A_833, %dma_start3A_834] : memref<131072x128xf32, #tpu.memory_space<hbm>> -> memref<64x128xf32, #tpu.memory_space<hbm>>
        %dma_start3A_836 = arith.constant 0 : i32
        %dma_start3A_837 = tpu.memref_slice %arg2[%add3A_833, %dma_start3A_836] : memref<131072x128xf32, #tpu.memory_space<hbm>> -> memref<64x128xf32, #tpu.memory_space<hbm>>
        tpu.enqueue_dma source(%dma_start3A_837 : memref<64x128xf32, #tpu.memory_space<hbm>>) target(%arg8 : memref<64x128xf32, #tpu.memory_space<vmem>>) target_semaphore(%arg11 : memref<!tpu.dma_semaphore, #tpu.memory_space<semaphore_mem>>)
      } else {
      }
      %add3A_814 = arith.constant 1 : i32
      %add3A_815 = arith.addi %mul3A_787, %add3A_814 : i32
      %mul3A_816 = arith.constant 4096 : i32
      %mul3A_817 = arith.muli %add3A, %mul3A_816 : i32
      %mul3A_818 = arith.constant 64 : i32
      %mul3A_819 = arith.muli %add3A_815, %mul3A_818 : i32
      %add3A_820 = arith.addi %mul3A_817, %mul3A_819 : i32
      %dma_wait3A_821 = arith.constant 0 : i32
      %dma_wait3A_822 = tpu.memref_slice %arg2[%add3A_820, %dma_wait3A_821] : memref<131072x128xf32, #tpu.memory_space<hbm>> -> memref<64x128xf32, #tpu.memory_space<hbm>>
      %dma_wait3A_823 = arith.constant 0 : i32
      %dma_wait3A_824 = tpu.memref_slice %arg2[%add3A_820, %dma_wait3A_823] : memref<131072x128xf32, #tpu.memory_space<hbm>> -> memref<64x128xf32, #tpu.memory_space<hbm>>
      tpu.wait_dma2 semaphore(%arg12 : memref<!tpu.dma_semaphore, #tpu.memory_space<semaphore_mem>>) src(%dma_wait3A_824 : memref<64x128xf32, #tpu.memory_space<hbm>>) dst(%arg9 : memref<64x128xf32, #tpu.memory_space<vmem>>)
      %add3A_825 = arith.constant 1 : i32
      %add3A_826 = arith.addi %mul3A_787, %add3A_825 : i32
      "tpu.region"() ({
        %run_scoped3A = tpu.sem_alloc : memref<!tpu.dma_semaphore, #tpu.memory_space<semaphore_mem>>
        %dma_start3A_827 = arith.constant 0 : i32
        %dma_start3A_828 = tpu.memref_slice %arg7[%add3A_826, %dma_start3A_827] : memref<64x64xi32, #tpu.memory_space<vmem>> -> memref<1x64xi32, #tpu.memory_space<vmem>>
        %dma_start3A_829 = tpu.memref_squeeze %dma_start3A_828 : memref<1x64xi32, #tpu.memory_space<vmem>> -> memref<64xi32, #tpu.memory_space<vmem>>
        %dma_start3A_830 = arith.constant 0 : i32
        %dma_start3A_831 = arith.constant 0 : i32
        %dma_start3A_832 = tpu.memref_slice %arg10[%dma_start3A_830, %dma_start3A_831] : memref<10000x128xf32, #tpu.memory_space<vmem_shared>> -> memref<10000x128xf32, #tpu.memory_space<vmem_shared>>
        tpu.enqueue_indirect_dma source(%arg9 : memref<64x128xf32, #tpu.memory_space<vmem>>) target(%dma_start3A_832 : memref<10000x128xf32, #tpu.memory_space<vmem_shared>>) offsets(%dma_start3A_829 : memref<64xi32, #tpu.memory_space<vmem>>) semaphore(%run_scoped3A : memref<!tpu.dma_semaphore, #tpu.memory_space<semaphore_mem>>) {add = true}
        %dma_wait3A_833 = arith.constant 0 : i32
        %dma_wait3A_834 = tpu.memref_slice %arg7[%add3A_826, %dma_wait3A_833] : memref<64x64xi32, #tpu.memory_space<vmem>> -> memref<1x64xi32, #tpu.memory_space<vmem>>
        %dma_wait3A_835 = tpu.memref_squeeze %dma_wait3A_834 : memref<1x64xi32, #tpu.memory_space<vmem>> -> memref<64xi32, #tpu.memory_space<vmem>>
        %dma_wait3A_836 = arith.constant 0 : i32
        %dma_wait3A_837 = arith.constant 0 : i32
        %dma_wait3A_838 = tpu.memref_slice %arg10[%dma_wait3A_836, %dma_wait3A_837] : memref<10000x128xf32, #tpu.memory_space<vmem_shared>> -> memref<10000x128xf32, #tpu.memory_space<vmem_shared>>
        tpu.wait_indirect_dma semaphore(%run_scoped3A : memref<!tpu.dma_semaphore, #tpu.memory_space<semaphore_mem>>) src(%arg9 : memref<64x128xf32, #tpu.memory_space<vmem>>) dst(%dma_wait3A_838 : memref<10000x128xf32, #tpu.memory_space<vmem_shared>>)
        tpu.yield
      }) : () -> ()
    }
    %scan3A_193 = arith.constant 32 : i32
    %barrier3A_194 = arith.constant 0 : index
    tpu.barrier barrier_id(%barrier3A_194)
    %mul3A_195 = arith.constant 624 : i32
    %mul3A_196 = arith.muli %arg1, %mul3A_195 : i32
    %add3A_197 = arith.constant 0 : i32
    %add3A_198 = arith.addi %mul3A_196, %add3A_197 : i32
    %mul3A_199 = arith.constant 624 : i32
    %mul3A_200 = arith.muli %arg1, %mul3A_199 : i32
    %add3A_201 = arith.constant 64 : i32
    %add3A_202 = arith.addi %mul3A_200, %add3A_201 : i32
    %mul3A_203 = arith.constant 624 : i32
    %mul3A_204 = arith.muli %arg1, %mul3A_203 : i32
    %add3A_205 = arith.constant 128 : i32
    %add3A_206 = arith.addi %mul3A_204, %add3A_205 : i32
    %mul3A_207 = arith.constant 624 : i32
    %mul3A_208 = arith.muli %arg1, %mul3A_207 : i32
    %add3A_209 = arith.constant 192 : i32
    %add3A_210 = arith.addi %mul3A_208, %add3A_209 : i32
    %mul3A_211 = arith.constant 624 : i32
    %mul3A_212 = arith.muli %arg1, %mul3A_211 : i32
    %add3A_213 = arith.constant 256 : i32
    %add3A_214 = arith.addi %mul3A_212, %add3A_213 : i32
    %mul3A_215 = arith.constant 624 : i32
    %mul3A_216 = arith.muli %arg1, %mul3A_215 : i32
    %add3A_217 = arith.constant 320 : i32
    %add3A_218 = arith.addi %mul3A_216, %add3A_217 : i32
    %mul3A_219 = arith.constant 624 : i32
    %mul3A_220 = arith.muli %arg1, %mul3A_219 : i32
    %add3A_221 = arith.constant 384 : i32
    %add3A_222 = arith.addi %mul3A_220, %add3A_221 : i32
    %mul3A_223 = arith.constant 624 : i32
    %mul3A_224 = arith.muli %arg1, %mul3A_223 : i32
    %add3A_225 = arith.constant 448 : i32
    %add3A_226 = arith.addi %mul3A_224, %add3A_225 : i32
    %mul3A_227 = arith.constant 624 : i32
    %mul3A_228 = arith.muli %arg1, %mul3A_227 : i32
    %add3A_229 = arith.constant 512 : i32
    %add3A_230 = arith.addi %mul3A_228, %add3A_229 : i32
    %mul3A_231 = arith.constant 624 : i32
    %mul3A_232 = arith.muli %arg1, %mul3A_231 : i32
    %add3A_233 = arith.constant 576 : i32
    %add3A_234 = arith.addi %mul3A_232, %add3A_233 : i32
    "tpu.region"() ({
      %run_scoped3A = tpu.sem_alloc : memref<!tpu.dma_semaphore, #tpu.memory_space<semaphore_mem>>
      %dma_start3A_785 = arith.constant 0 : i32
      %dma_start3A_786 = arith.constant 0 : i32
      %dma_start3A_787 = tpu.memref_slice %arg8[%dma_start3A_785, %dma_start3A_786] : memref<64x128xf32, #tpu.memory_space<vmem>> -> memref<64x128xf32, #tpu.memory_space<vmem>>
      %dma_start3A_788 = arith.constant 0 : i32
      %dma_start3A_789 = tpu.memref_slice %arg10[%add3A_198, %dma_start3A_788] : memref<10000x128xf32, #tpu.memory_space<vmem_shared>> -> memref<64x128xf32, #tpu.memory_space<vmem_shared>>
      %dma_start3A_790 = arith.constant 0 : i32
      %dma_start3A_791 = arith.constant 0 : i32
      %dma_start3A_792 = tpu.memref_slice %arg8[%dma_start3A_790, %dma_start3A_791] : memref<64x128xf32, #tpu.memory_space<vmem>> -> memref<64x128xf32, #tpu.memory_space<vmem>>
      %dma_start3A_793 = arith.constant 0 : i32
      %dma_start3A_794 = tpu.memref_slice %arg10[%add3A_198, %dma_start3A_793] : memref<10000x128xf32, #tpu.memory_space<vmem_shared>> -> memref<64x128xf32, #tpu.memory_space<vmem_shared>>
      tpu.enqueue_dma source(%dma_start3A_794 : memref<64x128xf32, #tpu.memory_space<vmem_shared>>) target(%dma_start3A_792 : memref<64x128xf32, #tpu.memory_space<vmem>>) target_semaphore(%run_scoped3A : memref<!tpu.dma_semaphore, #tpu.memory_space<semaphore_mem>>)
      %dma_wait3A_795 = arith.constant 0 : i32
      %dma_wait3A_796 = arith.constant 0 : i32
      %dma_wait3A_797 = tpu.memref_slice %arg8[%dma_wait3A_795, %dma_wait3A_796] : memref<64x128xf32, #tpu.memory_space<vmem>> -> memref<64x128xf32, #tpu.memory_space<vmem>>
      %dma_wait3A_798 = arith.constant 0 : i32
      %dma_wait3A_799 = tpu.memref_slice %arg10[%add3A_198, %dma_wait3A_798] : memref<10000x128xf32, #tpu.memory_space<vmem_shared>> -> memref<64x128xf32, #tpu.memory_space<vmem_shared>>
      %dma_wait3A_800 = arith.constant 0 : i32
      %dma_wait3A_801 = arith.constant 0 : i32
      %dma_wait3A_802 = tpu.memref_slice %arg8[%dma_wait3A_800, %dma_wait3A_801] : memref<64x128xf32, #tpu.memory_space<vmem>> -> memref<64x128xf32, #tpu.memory_space<vmem>>
      %dma_wait3A_803 = arith.constant 0 : i32
      %dma_wait3A_804 = tpu.memref_slice %arg10[%add3A_198, %dma_wait3A_803] : memref<10000x128xf32, #tpu.memory_space<vmem_shared>> -> memref<64x128xf32, #tpu.memory_space<vmem_shared>>
      tpu.wait_dma2 semaphore(%run_scoped3A : memref<!tpu.dma_semaphore, #tpu.memory_space<semaphore_mem>>) src(%dma_wait3A_804 : memref<64x128xf32, #tpu.memory_space<vmem_shared>>) dst(%dma_wait3A_802 : memref<64x128xf32, #tpu.memory_space<vmem>>)
      tpu.yield
    }) : () -> ()
    %dma_start3A_235 = arith.constant 0 : i32
    %dma_start3A_236 = arith.constant 0 : i32
    %dma_start3A_237 = tpu.memref_slice %arg8[%dma_start3A_235, %dma_start3A_236] : memref<64x128xf32, #tpu.memory_space<vmem>> -> memref<64x128xf32, #tpu.memory_space<vmem>>
    %dma_start3A_238 = arith.constant 0 : i32
    %dma_start3A_239 = tpu.memref_slice %arg5[%arg0, %add3A_198, %dma_start3A_238] : memref<2x10000x128xf32, #tpu.memory_space<hbm>> -> memref<1x64x128xf32, #tpu.memory_space<hbm>>
    %dma_start3A_240 = tpu.memref_squeeze %dma_start3A_239 : memref<1x64x128xf32, #tpu.memory_space<hbm>> -> memref<64x128xf32, #tpu.memory_space<hbm>>
    %dma_start3A_241 = arith.constant 0 : i32
    %dma_start3A_242 = tpu.memref_slice %arg5[%arg0, %add3A_198, %dma_start3A_241] : memref<2x10000x128xf32, #tpu.memory_space<hbm>> -> memref<1x64x128xf32, #tpu.memory_space<hbm>>
    %dma_start3A_243 = tpu.memref_squeeze %dma_start3A_242 : memref<1x64x128xf32, #tpu.memory_space<hbm>> -> memref<64x128xf32, #tpu.memory_space<hbm>>
    %dma_start3A_244 = arith.constant 0 : i32
    %dma_start3A_245 = arith.constant 0 : i32
    %dma_start3A_246 = tpu.memref_slice %arg8[%dma_start3A_244, %dma_start3A_245] : memref<64x128xf32, #tpu.memory_space<vmem>> -> memref<64x128xf32, #tpu.memory_space<vmem>>
    tpu.enqueue_dma source(%dma_start3A_246 : memref<64x128xf32, #tpu.memory_space<vmem>>) target(%dma_start3A_243 : memref<64x128xf32, #tpu.memory_space<hbm>>) target_semaphore(%arg11 : memref<!tpu.dma_semaphore, #tpu.memory_space<semaphore_mem>>)
    "tpu.region"() ({
      %run_scoped3A = tpu.sem_alloc : memref<!tpu.dma_semaphore, #tpu.memory_space<semaphore_mem>>
      %dma_start3A_785 = arith.constant 0 : i32
      %dma_start3A_786 = arith.constant 0 : i32
      %dma_start3A_787 = tpu.memref_slice %arg9[%dma_start3A_785, %dma_start3A_786] : memref<64x128xf32, #tpu.memory_space<vmem>> -> memref<64x128xf32, #tpu.memory_space<vmem>>
      %dma_start3A_788 = arith.constant 0 : i32
      %dma_start3A_789 = tpu.memref_slice %arg10[%add3A_202, %dma_start3A_788] : memref<10000x128xf32, #tpu.memory_space<vmem_shared>> -> memref<64x128xf32, #tpu.memory_space<vmem_shared>>
      %dma_start3A_790 = arith.constant 0 : i32
      %dma_start3A_791 = arith.constant 0 : i32
      %dma_start3A_792 = tpu.memref_slice %arg9[%dma_start3A_790, %dma_start3A_791] : memref<64x128xf32, #tpu.memory_space<vmem>> -> memref<64x128xf32, #tpu.memory_space<vmem>>
      %dma_start3A_793 = arith.constant 0 : i32
      %dma_start3A_794 = tpu.memref_slice %arg10[%add3A_202, %dma_start3A_793] : memref<10000x128xf32, #tpu.memory_space<vmem_shared>> -> memref<64x128xf32, #tpu.memory_space<vmem_shared>>
      tpu.enqueue_dma source(%dma_start3A_794 : memref<64x128xf32, #tpu.memory_space<vmem_shared>>) target(%dma_start3A_792 : memref<64x128xf32, #tpu.memory_space<vmem>>) target_semaphore(%run_scoped3A : memref<!tpu.dma_semaphore, #tpu.memory_space<semaphore_mem>>)
      %dma_wait3A_795 = arith.constant 0 : i32
      %dma_wait3A_796 = arith.constant 0 : i32
      %dma_wait3A_797 = tpu.memref_slice %arg9[%dma_wait3A_795, %dma_wait3A_796] : memref<64x128xf32, #tpu.memory_space<vmem>> -> memref<64x128xf32, #tpu.memory_space<vmem>>
      %dma_wait3A_798 = arith.constant 0 : i32
      %dma_wait3A_799 = tpu.memref_slice %arg10[%add3A_202, %dma_wait3A_798] : memref<10000x128xf32, #tpu.memory_space<vmem_shared>> -> memref<64x128xf32, #tpu.memory_space<vmem_shared>>
      %dma_wait3A_800 = arith.constant 0 : i32
      %dma_wait3A_801 = arith.constant 0 : i32
      %dma_wait3A_802 = tpu.memref_slice %arg9[%dma_wait3A_800, %dma_wait3A_801] : memref<64x128xf32, #tpu.memory_space<vmem>> -> memref<64x128xf32, #tpu.memory_space<vmem>>
      %dma_wait3A_803 = arith.constant 0 : i32
      %dma_wait3A_804 = tpu.memref_slice %arg10[%add3A_202, %dma_wait3A_803] : memref<10000x128xf32, #tpu.memory_space<vmem_shared>> -> memref<64x128xf32, #tpu.memory_space<vmem_shared>>
      tpu.wait_dma2 semaphore(%run_scoped3A : memref<!tpu.dma_semaphore, #tpu.memory_space<semaphore_mem>>) src(%dma_wait3A_804 : memref<64x128xf32, #tpu.memory_space<vmem_shared>>) dst(%dma_wait3A_802 : memref<64x128xf32, #tpu.memory_space<vmem>>)
      tpu.yield
    }) : () -> ()
    %dma_start3A_247 = arith.constant 0 : i32
    %dma_start3A_248 = arith.constant 0 : i32
    %dma_start3A_249 = tpu.memref_slice %arg9[%dma_start3A_247, %dma_start3A_248] : memref<64x128xf32, #tpu.memory_space<vmem>> -> memref<64x128xf32, #tpu.memory_space<vmem>>
    %dma_start3A_250 = arith.constant 0 : i32
    %dma_start3A_251 = tpu.memref_slice %arg5[%arg0, %add3A_202, %dma_start3A_250] : memref<2x10000x128xf32, #tpu.memory_space<hbm>> -> memref<1x64x128xf32, #tpu.memory_space<hbm>>
    %dma_start3A_252 = tpu.memref_squeeze %dma_start3A_251 : memref<1x64x128xf32, #tpu.memory_space<hbm>> -> memref<64x128xf32, #tpu.memory_space<hbm>>
    %dma_start3A_253 = arith.constant 0 : i32
    %dma_start3A_254 = tpu.memref_slice %arg5[%arg0, %add3A_202, %dma_start3A_253] : memref<2x10000x128xf32, #tpu.memory_space<hbm>> -> memref<1x64x128xf32, #tpu.memory_space<hbm>>
    %dma_start3A_255 = tpu.memref_squeeze %dma_start3A_254 : memref<1x64x128xf32, #tpu.memory_space<hbm>> -> memref<64x128xf32, #tpu.memory_space<hbm>>
    %dma_start3A_256 = arith.constant 0 : i32
    %dma_start3A_257 = arith.constant 0 : i32
    %dma_start3A_258 = tpu.memref_slice %arg9[%dma_start3A_256, %dma_start3A_257] : memref<64x128xf32, #tpu.memory_space<vmem>> -> memref<64x128xf32, #tpu.memory_space<vmem>>
    tpu.enqueue_dma source(%dma_start3A_258 : memref<64x128xf32, #tpu.memory_space<vmem>>) target(%dma_start3A_255 : memref<64x128xf32, #tpu.memory_space<hbm>>) target_semaphore(%arg12 : memref<!tpu.dma_semaphore, #tpu.memory_space<semaphore_mem>>)
    %dma_wait3A_259 = arith.constant 0 : i32
    %dma_wait3A_260 = arith.constant 0 : i32
    %dma_wait3A_261 = tpu.memref_slice %arg8[%dma_wait3A_259, %dma_wait3A_260] : memref<64x128xf32, #tpu.memory_space<vmem>> -> memref<64x128xf32, #tpu.memory_space<vmem>>
    %dma_wait3A_262 = arith.constant 0 : i32
    %dma_wait3A_263 = tpu.memref_slice %arg5[%arg0, %add3A_198, %dma_wait3A_262] : memref<2x10000x128xf32, #tpu.memory_space<hbm>> -> memref<1x64x128xf32, #tpu.memory_space<hbm>>
    %dma_wait3A_264 = tpu.memref_squeeze %dma_wait3A_263 : memref<1x64x128xf32, #tpu.memory_space<hbm>> -> memref<64x128xf32, #tpu.memory_space<hbm>>
    %dma_wait3A_265 = arith.constant 0 : i32
    %dma_wait3A_266 = tpu.memref_slice %arg5[%arg0, %add3A_198, %dma_wait3A_265] : memref<2x10000x128xf32, #tpu.memory_space<hbm>> -> memref<1x64x128xf32, #tpu.memory_space<hbm>>
    %dma_wait3A_267 = tpu.memref_squeeze %dma_wait3A_266 : memref<1x64x128xf32, #tpu.memory_space<hbm>> -> memref<64x128xf32, #tpu.memory_space<hbm>>
    %dma_wait3A_268 = arith.constant 0 : i32
    %dma_wait3A_269 = arith.constant 0 : i32
    %dma_wait3A_270 = tpu.memref_slice %arg8[%dma_wait3A_268, %dma_wait3A_269] : memref<64x128xf32, #tpu.memory_space<vmem>> -> memref<64x128xf32, #tpu.memory_space<vmem>>
    tpu.wait_dma2 semaphore(%arg11 : memref<!tpu.dma_semaphore, #tpu.memory_space<semaphore_mem>>) src(%dma_wait3A_270 : memref<64x128xf32, #tpu.memory_space<vmem>>) dst(%dma_wait3A_267 : memref<64x128xf32, #tpu.memory_space<hbm>>)
    "tpu.region"() ({
      %run_scoped3A = tpu.sem_alloc : memref<!tpu.dma_semaphore, #tpu.memory_space<semaphore_mem>>
      %dma_start3A_785 = arith.constant 0 : i32
      %dma_start3A_786 = arith.constant 0 : i32
      %dma_start3A_787 = tpu.memref_slice %arg8[%dma_start3A_785, %dma_start3A_786] : memref<64x128xf32, #tpu.memory_space<vmem>> -> memref<64x128xf32, #tpu.memory_space<vmem>>
      %dma_start3A_788 = arith.constant 0 : i32
      %dma_start3A_789 = tpu.memref_slice %arg10[%add3A_206, %dma_start3A_788] : memref<10000x128xf32, #tpu.memory_space<vmem_shared>> -> memref<64x128xf32, #tpu.memory_space<vmem_shared>>
      %dma_start3A_790 = arith.constant 0 : i32
      %dma_start3A_791 = arith.constant 0 : i32
      %dma_start3A_792 = tpu.memref_slice %arg8[%dma_start3A_790, %dma_start3A_791] : memref<64x128xf32, #tpu.memory_space<vmem>> -> memref<64x128xf32, #tpu.memory_space<vmem>>
      %dma_start3A_793 = arith.constant 0 : i32
      %dma_start3A_794 = tpu.memref_slice %arg10[%add3A_206, %dma_start3A_793] : memref<10000x128xf32, #tpu.memory_space<vmem_shared>> -> memref<64x128xf32, #tpu.memory_space<vmem_shared>>
      tpu.enqueue_dma source(%dma_start3A_794 : memref<64x128xf32, #tpu.memory_space<vmem_shared>>) target(%dma_start3A_792 : memref<64x128xf32, #tpu.memory_space<vmem>>) target_semaphore(%run_scoped3A : memref<!tpu.dma_semaphore, #tpu.memory_space<semaphore_mem>>)
      %dma_wait3A_795 = arith.constant 0 : i32
      %dma_wait3A_796 = arith.constant 0 : i32
      %dma_wait3A_797 = tpu.memref_slice %arg8[%dma_wait3A_795, %dma_wait3A_796] : memref<64x128xf32, #tpu.memory_space<vmem>> -> memref<64x128xf32, #tpu.memory_space<vmem>>
      %dma_wait3A_798 = arith.constant 0 : i32
      %dma_wait3A_799 = tpu.memref_slice %arg10[%add3A_206, %dma_wait3A_798] : memref<10000x128xf32, #tpu.memory_space<vmem_shared>> -> memref<64x128xf32, #tpu.memory_space<vmem_shared>>
      %dma_wait3A_800 = arith.constant 0 : i32
      %dma_wait3A_801 = arith.constant 0 : i32
      %dma_wait3A_802 = tpu.memref_slice %arg8[%dma_wait3A_800, %dma_wait3A_801] : memref<64x128xf32, #tpu.memory_space<vmem>> -> memref<64x128xf32, #tpu.memory_space<vmem>>
      %dma_wait3A_803 = arith.constant 0 : i32
      %dma_wait3A_804 = tpu.memref_slice %arg10[%add3A_206, %dma_wait3A_803] : memref<10000x128xf32, #tpu.memory_space<vmem_shared>> -> memref<64x128xf32, #tpu.memory_space<vmem_shared>>
      tpu.wait_dma2 semaphore(%run_scoped3A : memref<!tpu.dma_semaphore, #tpu.memory_space<semaphore_mem>>) src(%dma_wait3A_804 : memref<64x128xf32, #tpu.memory_space<vmem_shared>>) dst(%dma_wait3A_802 : memref<64x128xf32, #tpu.memory_space<vmem>>)
      tpu.yield
    }) : () -> ()
    %dma_start3A_271 = arith.constant 0 : i32
    %dma_start3A_272 = arith.constant 0 : i32
    %dma_start3A_273 = tpu.memref_slice %arg8[%dma_start3A_271, %dma_start3A_272] : memref<64x128xf32, #tpu.memory_space<vmem>> -> memref<64x128xf32, #tpu.memory_space<vmem>>
    %dma_start3A_274 = arith.constant 0 : i32
    %dma_start3A_275 = tpu.memref_slice %arg5[%arg0, %add3A_206, %dma_start3A_274] : memref<2x10000x128xf32, #tpu.memory_space<hbm>> -> memref<1x64x128xf32, #tpu.memory_space<hbm>>
    %dma_start3A_276 = tpu.memref_squeeze %dma_start3A_275 : memref<1x64x128xf32, #tpu.memory_space<hbm>> -> memref<64x128xf32, #tpu.memory_space<hbm>>
    %dma_start3A_277 = arith.constant 0 : i32
    %dma_start3A_278 = tpu.memref_slice %arg5[%arg0, %add3A_206, %dma_start3A_277] : memref<2x10000x128xf32, #tpu.memory_space<hbm>> -> memref<1x64x128xf32, #tpu.memory_space<hbm>>
    %dma_start3A_279 = tpu.memref_squeeze %dma_start3A_278 : memref<1x64x128xf32, #tpu.memory_space<hbm>> -> memref<64x128xf32, #tpu.memory_space<hbm>>
    %dma_start3A_280 = arith.constant 0 : i32
    %dma_start3A_281 = arith.constant 0 : i32
    %dma_start3A_282 = tpu.memref_slice %arg8[%dma_start3A_280, %dma_start3A_281] : memref<64x128xf32, #tpu.memory_space<vmem>> -> memref<64x128xf32, #tpu.memory_space<vmem>>
    tpu.enqueue_dma source(%dma_start3A_282 : memref<64x128xf32, #tpu.memory_space<vmem>>) target(%dma_start3A_279 : memref<64x128xf32, #tpu.memory_space<hbm>>) target_semaphore(%arg11 : memref<!tpu.dma_semaphore, #tpu.memory_space<semaphore_mem>>)
    %dma_wait3A_283 = arith.constant 0 : i32
    %dma_wait3A_284 = arith.constant 0 : i32
    %dma_wait3A_285 = tpu.memref_slice %arg9[%dma_wait3A_283, %dma_wait3A_284] : memref<64x128xf32, #tpu.memory_space<vmem>> -> memref<64x128xf32, #tpu.memory_space<vmem>>
    %dma_wait3A_286 = arith.constant 0 : i32
    %dma_wait3A_287 = tpu.memref_slice %arg5[%arg0, %add3A_202, %dma_wait3A_286] : memref<2x10000x128xf32, #tpu.memory_space<hbm>> -> memref<1x64x128xf32, #tpu.memory_space<hbm>>
    %dma_wait3A_288 = tpu.memref_squeeze %dma_wait3A_287 : memref<1x64x128xf32, #tpu.memory_space<hbm>> -> memref<64x128xf32, #tpu.memory_space<hbm>>
    %dma_wait3A_289 = arith.constant 0 : i32
    %dma_wait3A_290 = tpu.memref_slice %arg5[%arg0, %add3A_202, %dma_wait3A_289] : memref<2x10000x128xf32, #tpu.memory_space<hbm>> -> memref<1x64x128xf32, #tpu.memory_space<hbm>>
    %dma_wait3A_291 = tpu.memref_squeeze %dma_wait3A_290 : memref<1x64x128xf32, #tpu.memory_space<hbm>> -> memref<64x128xf32, #tpu.memory_space<hbm>>
    %dma_wait3A_292 = arith.constant 0 : i32
    %dma_wait3A_293 = arith.constant 0 : i32
    %dma_wait3A_294 = tpu.memref_slice %arg9[%dma_wait3A_292, %dma_wait3A_293] : memref<64x128xf32, #tpu.memory_space<vmem>> -> memref<64x128xf32, #tpu.memory_space<vmem>>
    tpu.wait_dma2 semaphore(%arg12 : memref<!tpu.dma_semaphore, #tpu.memory_space<semaphore_mem>>) src(%dma_wait3A_294 : memref<64x128xf32, #tpu.memory_space<vmem>>) dst(%dma_wait3A_291 : memref<64x128xf32, #tpu.memory_space<hbm>>)
    "tpu.region"() ({
      %run_scoped3A = tpu.sem_alloc : memref<!tpu.dma_semaphore, #tpu.memory_space<semaphore_mem>>
      %dma_start3A_785 = arith.constant 0 : i32
      %dma_start3A_786 = arith.constant 0 : i32
      %dma_start3A_787 = tpu.memref_slice %arg9[%dma_start3A_785, %dma_start3A_786] : memref<64x128xf32, #tpu.memory_space<vmem>> -> memref<64x128xf32, #tpu.memory_space<vmem>>
      %dma_start3A_788 = arith.constant 0 : i32
      %dma_start3A_789 = tpu.memref_slice %arg10[%add3A_210, %dma_start3A_788] : memref<10000x128xf32, #tpu.memory_space<vmem_shared>> -> memref<64x128xf32, #tpu.memory_space<vmem_shared>>
      %dma_start3A_790 = arith.constant 0 : i32
      %dma_start3A_791 = arith.constant 0 : i32
      %dma_start3A_792 = tpu.memref_slice %arg9[%dma_start3A_790, %dma_start3A_791] : memref<64x128xf32, #tpu.memory_space<vmem>> -> memref<64x128xf32, #tpu.memory_space<vmem>>
      %dma_start3A_793 = arith.constant 0 : i32
      %dma_start3A_794 = tpu.memref_slice %arg10[%add3A_210, %dma_start3A_793] : memref<10000x128xf32, #tpu.memory_space<vmem_shared>> -> memref<64x128xf32, #tpu.memory_space<vmem_shared>>
      tpu.enqueue_dma source(%dma_start3A_794 : memref<64x128xf32, #tpu.memory_space<vmem_shared>>) target(%dma_start3A_792 : memref<64x128xf32, #tpu.memory_space<vmem>>) target_semaphore(%run_scoped3A : memref<!tpu.dma_semaphore, #tpu.memory_space<semaphore_mem>>)
      %dma_wait3A_795 = arith.constant 0 : i32
      %dma_wait3A_796 = arith.constant 0 : i32
      %dma_wait3A_797 = tpu.memref_slice %arg9[%dma_wait3A_795, %dma_wait3A_796] : memref<64x128xf32, #tpu.memory_space<vmem>> -> memref<64x128xf32, #tpu.memory_space<vmem>>
      %dma_wait3A_798 = arith.constant 0 : i32
      %dma_wait3A_799 = tpu.memref_slice %arg10[%add3A_210, %dma_wait3A_798] : memref<10000x128xf32, #tpu.memory_space<vmem_shared>> -> memref<64x128xf32, #tpu.memory_space<vmem_shared>>
      %dma_wait3A_800 = arith.constant 0 : i32
      %dma_wait3A_801 = arith.constant 0 : i32
      %dma_wait3A_802 = tpu.memref_slice %arg9[%dma_wait3A_800, %dma_wait3A_801] : memref<64x128xf32, #tpu.memory_space<vmem>> -> memref<64x128xf32, #tpu.memory_space<vmem>>
      %dma_wait3A_803 = arith.constant 0 : i32
      %dma_wait3A_804 = tpu.memref_slice %arg10[%add3A_210, %dma_wait3A_803] : memref<10000x128xf32, #tpu.memory_space<vmem_shared>> -> memref<64x128xf32, #tpu.memory_space<vmem_shared>>
      tpu.wait_dma2 semaphore(%run_scoped3A : memref<!tpu.dma_semaphore, #tpu.memory_space<semaphore_mem>>) src(%dma_wait3A_804 : memref<64x128xf32, #tpu.memory_space<vmem_shared>>) dst(%dma_wait3A_802 : memref<64x128xf32, #tpu.memory_space<vmem>>)
      tpu.yield
    }) : () -> ()
    %dma_start3A_295 = arith.constant 0 : i32
    %dma_start3A_296 = arith.constant 0 : i32
    %dma_start3A_297 = tpu.memref_slice %arg9[%dma_start3A_295, %dma_start3A_296] : memref<64x128xf32, #tpu.memory_space<vmem>> -> memref<64x128xf32, #tpu.memory_space<vmem>>
    %dma_start3A_298 = arith.constant 0 : i32
    %dma_start3A_299 = tpu.memref_slice %arg5[%arg0, %add3A_210, %dma_start3A_298] : memref<2x10000x128xf32, #tpu.memory_space<hbm>> -> memref<1x64x128xf32, #tpu.memory_space<hbm>>
    %dma_start3A_300 = tpu.memref_squeeze %dma_start3A_299 : memref<1x64x128xf32, #tpu.memory_space<hbm>> -> memref<64x128xf32, #tpu.memory_space<hbm>>
    %dma_start3A_301 = arith.constant 0 : i32
    %dma_start3A_302 = tpu.memref_slice %arg5[%arg0, %add3A_210, %dma_start3A_301] : memref<2x10000x128xf32, #tpu.memory_space<hbm>> -> memref<1x64x128xf32, #tpu.memory_space<hbm>>
    %dma_start3A_303 = tpu.memref_squeeze %dma_start3A_302 : memref<1x64x128xf32, #tpu.memory_space<hbm>> -> memref<64x128xf32, #tpu.memory_space<hbm>>
    %dma_start3A_304 = arith.constant 0 : i32
    %dma_start3A_305 = arith.constant 0 : i32
    %dma_start3A_306 = tpu.memref_slice %arg9[%dma_start3A_304, %dma_start3A_305] : memref<64x128xf32, #tpu.memory_space<vmem>> -> memref<64x128xf32, #tpu.memory_space<vmem>>
    tpu.enqueue_dma source(%dma_start3A_306 : memref<64x128xf32, #tpu.memory_space<vmem>>) target(%dma_start3A_303 : memref<64x128xf32, #tpu.memory_space<hbm>>) target_semaphore(%arg12 : memref<!tpu.dma_semaphore, #tpu.memory_space<semaphore_mem>>)
    %dma_wait3A_307 = arith.constant 0 : i32
    %dma_wait3A_308 = arith.constant 0 : i32
    %dma_wait3A_309 = tpu.memref_slice %arg8[%dma_wait3A_307, %dma_wait3A_308] : memref<64x128xf32, #tpu.memory_space<vmem>> -> memref<64x128xf32, #tpu.memory_space<vmem>>
    %dma_wait3A_310 = arith.constant 0 : i32
    %dma_wait3A_311 = tpu.memref_slice %arg5[%arg0, %add3A_206, %dma_wait3A_310] : memref<2x10000x128xf32, #tpu.memory_space<hbm>> -> memref<1x64x128xf32, #tpu.memory_space<hbm>>
    %dma_wait3A_312 = tpu.memref_squeeze %dma_wait3A_311 : memref<1x64x128xf32, #tpu.memory_space<hbm>> -> memref<64x128xf32, #tpu.memory_space<hbm>>
    %dma_wait3A_313 = arith.constant 0 : i32
    %dma_wait3A_314 = tpu.memref_slice %arg5[%arg0, %add3A_206, %dma_wait3A_313] : memref<2x10000x128xf32, #tpu.memory_space<hbm>> -> memref<1x64x128xf32, #tpu.memory_space<hbm>>
    %dma_wait3A_315 = tpu.memref_squeeze %dma_wait3A_314 : memref<1x64x128xf32, #tpu.memory_space<hbm>> -> memref<64x128xf32, #tpu.memory_space<hbm>>
    %dma_wait3A_316 = arith.constant 0 : i32
    %dma_wait3A_317 = arith.constant 0 : i32
    %dma_wait3A_318 = tpu.memref_slice %arg8[%dma_wait3A_316, %dma_wait3A_317] : memref<64x128xf32, #tpu.memory_space<vmem>> -> memref<64x128xf32, #tpu.memory_space<vmem>>
    tpu.wait_dma2 semaphore(%arg11 : memref<!tpu.dma_semaphore, #tpu.memory_space<semaphore_mem>>) src(%dma_wait3A_318 : memref<64x128xf32, #tpu.memory_space<vmem>>) dst(%dma_wait3A_315 : memref<64x128xf32, #tpu.memory_space<hbm>>)
    "tpu.region"() ({
      %run_scoped3A = tpu.sem_alloc : memref<!tpu.dma_semaphore, #tpu.memory_space<semaphore_mem>>
      %dma_start3A_785 = arith.constant 0 : i32
      %dma_start3A_786 = arith.constant 0 : i32
      %dma_start3A_787 = tpu.memref_slice %arg8[%dma_start3A_785, %dma_start3A_786] : memref<64x128xf32, #tpu.memory_space<vmem>> -> memref<64x128xf32, #tpu.memory_space<vmem>>
      %dma_start3A_788 = arith.constant 0 : i32
      %dma_start3A_789 = tpu.memref_slice %arg10[%add3A_214, %dma_start3A_788] : memref<10000x128xf32, #tpu.memory_space<vmem_shared>> -> memref<64x128xf32, #tpu.memory_space<vmem_shared>>
      %dma_start3A_790 = arith.constant 0 : i32
      %dma_start3A_791 = arith.constant 0 : i32
      %dma_start3A_792 = tpu.memref_slice %arg8[%dma_start3A_790, %dma_start3A_791] : memref<64x128xf32, #tpu.memory_space<vmem>> -> memref<64x128xf32, #tpu.memory_space<vmem>>
      %dma_start3A_793 = arith.constant 0 : i32
      %dma_start3A_794 = tpu.memref_slice %arg10[%add3A_214, %dma_start3A_793] : memref<10000x128xf32, #tpu.memory_space<vmem_shared>> -> memref<64x128xf32, #tpu.memory_space<vmem_shared>>
      tpu.enqueue_dma source(%dma_start3A_794 : memref<64x128xf32, #tpu.memory_space<vmem_shared>>) target(%dma_start3A_792 : memref<64x128xf32, #tpu.memory_space<vmem>>) target_semaphore(%run_scoped3A : memref<!tpu.dma_semaphore, #tpu.memory_space<semaphore_mem>>)
      %dma_wait3A_795 = arith.constant 0 : i32
      %dma_wait3A_796 = arith.constant 0 : i32
      %dma_wait3A_797 = tpu.memref_slice %arg8[%dma_wait3A_795, %dma_wait3A_796] : memref<64x128xf32, #tpu.memory_space<vmem>> -> memref<64x128xf32, #tpu.memory_space<vmem>>
      %dma_wait3A_798 = arith.constant 0 : i32
      %dma_wait3A_799 = tpu.memref_slice %arg10[%add3A_214, %dma_wait3A_798] : memref<10000x128xf32, #tpu.memory_space<vmem_shared>> -> memref<64x128xf32, #tpu.memory_space<vmem_shared>>
      %dma_wait3A_800 = arith.constant 0 : i32
      %dma_wait3A_801 = arith.constant 0 : i32
      %dma_wait3A_802 = tpu.memref_slice %arg8[%dma_wait3A_800, %dma_wait3A_801] : memref<64x128xf32, #tpu.memory_space<vmem>> -> memref<64x128xf32, #tpu.memory_space<vmem>>
      %dma_wait3A_803 = arith.constant 0 : i32
      %dma_wait3A_804 = tpu.memref_slice %arg10[%add3A_214, %dma_wait3A_803] : memref<10000x128xf32, #tpu.memory_space<vmem_shared>> -> memref<64x128xf32, #tpu.memory_space<vmem_shared>>
      tpu.wait_dma2 semaphore(%run_scoped3A : memref<!tpu.dma_semaphore, #tpu.memory_space<semaphore_mem>>) src(%dma_wait3A_804 : memref<64x128xf32, #tpu.memory_space<vmem_shared>>) dst(%dma_wait3A_802 : memref<64x128xf32, #tpu.memory_space<vmem>>)
      tpu.yield
    }) : () -> ()
    %dma_start3A_319 = arith.constant 0 : i32
    %dma_start3A_320 = arith.constant 0 : i32
    %dma_start3A_321 = tpu.memref_slice %arg8[%dma_start3A_319, %dma_start3A_320] : memref<64x128xf32, #tpu.memory_space<vmem>> -> memref<64x128xf32, #tpu.memory_space<vmem>>
    %dma_start3A_322 = arith.constant 0 : i32
    %dma_start3A_323 = tpu.memref_slice %arg5[%arg0, %add3A_214, %dma_start3A_322] : memref<2x10000x128xf32, #tpu.memory_space<hbm>> -> memref<1x64x128xf32, #tpu.memory_space<hbm>>
    %dma_start3A_324 = tpu.memref_squeeze %dma_start3A_323 : memref<1x64x128xf32, #tpu.memory_space<hbm>> -> memref<64x128xf32, #tpu.memory_space<hbm>>
    %dma_start3A_325 = arith.constant 0 : i32
    %dma_start3A_326 = tpu.memref_slice %arg5[%arg0, %add3A_214, %dma_start3A_325] : memref<2x10000x128xf32, #tpu.memory_space<hbm>> -> memref<1x64x128xf32, #tpu.memory_space<hbm>>
    %dma_start3A_327 = tpu.memref_squeeze %dma_start3A_326 : memref<1x64x128xf32, #tpu.memory_space<hbm>> -> memref<64x128xf32, #tpu.memory_space<hbm>>
    %dma_start3A_328 = arith.constant 0 : i32
    %dma_start3A_329 = arith.constant 0 : i32
    %dma_start3A_330 = tpu.memref_slice %arg8[%dma_start3A_328, %dma_start3A_329] : memref<64x128xf32, #tpu.memory_space<vmem>> -> memref<64x128xf32, #tpu.memory_space<vmem>>
    tpu.enqueue_dma source(%dma_start3A_330 : memref<64x128xf32, #tpu.memory_space<vmem>>) target(%dma_start3A_327 : memref<64x128xf32, #tpu.memory_space<hbm>>) target_semaphore(%arg11 : memref<!tpu.dma_semaphore, #tpu.memory_space<semaphore_mem>>)
    %dma_wait3A_331 = arith.constant 0 : i32
    %dma_wait3A_332 = arith.constant 0 : i32
    %dma_wait3A_333 = tpu.memref_slice %arg9[%dma_wait3A_331, %dma_wait3A_332] : memref<64x128xf32, #tpu.memory_space<vmem>> -> memref<64x128xf32, #tpu.memory_space<vmem>>
    %dma_wait3A_334 = arith.constant 0 : i32
    %dma_wait3A_335 = tpu.memref_slice %arg5[%arg0, %add3A_210, %dma_wait3A_334] : memref<2x10000x128xf32, #tpu.memory_space<hbm>> -> memref<1x64x128xf32, #tpu.memory_space<hbm>>
    %dma_wait3A_336 = tpu.memref_squeeze %dma_wait3A_335 : memref<1x64x128xf32, #tpu.memory_space<hbm>> -> memref<64x128xf32, #tpu.memory_space<hbm>>
    %dma_wait3A_337 = arith.constant 0 : i32
    %dma_wait3A_338 = tpu.memref_slice %arg5[%arg0, %add3A_210, %dma_wait3A_337] : memref<2x10000x128xf32, #tpu.memory_space<hbm>> -> memref<1x64x128xf32, #tpu.memory_space<hbm>>
    %dma_wait3A_339 = tpu.memref_squeeze %dma_wait3A_338 : memref<1x64x128xf32, #tpu.memory_space<hbm>> -> memref<64x128xf32, #tpu.memory_space<hbm>>
    %dma_wait3A_340 = arith.constant 0 : i32
    %dma_wait3A_341 = arith.constant 0 : i32
    %dma_wait3A_342 = tpu.memref_slice %arg9[%dma_wait3A_340, %dma_wait3A_341] : memref<64x128xf32, #tpu.memory_space<vmem>> -> memref<64x128xf32, #tpu.memory_space<vmem>>
    tpu.wait_dma2 semaphore(%arg12 : memref<!tpu.dma_semaphore, #tpu.memory_space<semaphore_mem>>) src(%dma_wait3A_342 : memref<64x128xf32, #tpu.memory_space<vmem>>) dst(%dma_wait3A_339 : memref<64x128xf32, #tpu.memory_space<hbm>>)
    "tpu.region"() ({
      %run_scoped3A = tpu.sem_alloc : memref<!tpu.dma_semaphore, #tpu.memory_space<semaphore_mem>>
      %dma_start3A_785 = arith.constant 0 : i32
      %dma_start3A_786 = arith.constant 0 : i32
      %dma_start3A_787 = tpu.memref_slice %arg9[%dma_start3A_785, %dma_start3A_786] : memref<64x128xf32, #tpu.memory_space<vmem>> -> memref<64x128xf32, #tpu.memory_space<vmem>>
      %dma_start3A_788 = arith.constant 0 : i32
      %dma_start3A_789 = tpu.memref_slice %arg10[%add3A_218, %dma_start3A_788] : memref<10000x128xf32, #tpu.memory_space<vmem_shared>> -> memref<64x128xf32, #tpu.memory_space<vmem_shared>>
      %dma_start3A_790 = arith.constant 0 : i32
      %dma_start3A_791 = arith.constant 0 : i32
      %dma_start3A_792 = tpu.memref_slice %arg9[%dma_start3A_790, %dma_start3A_791] : memref<64x128xf32, #tpu.memory_space<vmem>> -> memref<64x128xf32, #tpu.memory_space<vmem>>
      %dma_start3A_793 = arith.constant 0 : i32
      %dma_start3A_794 = tpu.memref_slice %arg10[%add3A_218, %dma_start3A_793] : memref<10000x128xf32, #tpu.memory_space<vmem_shared>> -> memref<64x128xf32, #tpu.memory_space<vmem_shared>>
      tpu.enqueue_dma source(%dma_start3A_794 : memref<64x128xf32, #tpu.memory_space<vmem_shared>>) target(%dma_start3A_792 : memref<64x128xf32, #tpu.memory_space<vmem>>) target_semaphore(%run_scoped3A : memref<!tpu.dma_semaphore, #tpu.memory_space<semaphore_mem>>)
      %dma_wait3A_795 = arith.constant 0 : i32
      %dma_wait3A_796 = arith.constant 0 : i32
      %dma_wait3A_797 = tpu.memref_slice %arg9[%dma_wait3A_795, %dma_wait3A_796] : memref<64x128xf32, #tpu.memory_space<vmem>> -> memref<64x128xf32, #tpu.memory_space<vmem>>
      %dma_wait3A_798 = arith.constant 0 : i32
      %dma_wait3A_799 = tpu.memref_slice %arg10[%add3A_218, %dma_wait3A_798] : memref<10000x128xf32, #tpu.memory_space<vmem_shared>> -> memref<64x128xf32, #tpu.memory_space<vmem_shared>>
      %dma_wait3A_800 = arith.constant 0 : i32
      %dma_wait3A_801 = arith.constant 0 : i32
      %dma_wait3A_802 = tpu.memref_slice %arg9[%dma_wait3A_800, %dma_wait3A_801] : memref<64x128xf32, #tpu.memory_space<vmem>> -> memref<64x128xf32, #tpu.memory_space<vmem>>
      %dma_wait3A_803 = arith.constant 0 : i32
      %dma_wait3A_804 = tpu.memref_slice %arg10[%add3A_218, %dma_wait3A_803] : memref<10000x128xf32, #tpu.memory_space<vmem_shared>> -> memref<64x128xf32, #tpu.memory_space<vmem_shared>>
      tpu.wait_dma2 semaphore(%run_scoped3A : memref<!tpu.dma_semaphore, #tpu.memory_space<semaphore_mem>>) src(%dma_wait3A_804 : memref<64x128xf32, #tpu.memory_space<vmem_shared>>) dst(%dma_wait3A_802 : memref<64x128xf32, #tpu.memory_space<vmem>>)
      tpu.yield
    }) : () -> ()
    %dma_start3A_343 = arith.constant 0 : i32
    %dma_start3A_344 = arith.constant 0 : i32
    %dma_start3A_345 = tpu.memref_slice %arg9[%dma_start3A_343, %dma_start3A_344] : memref<64x128xf32, #tpu.memory_space<vmem>> -> memref<64x128xf32, #tpu.memory_space<vmem>>
    %dma_start3A_346 = arith.constant 0 : i32
    %dma_start3A_347 = tpu.memref_slice %arg5[%arg0, %add3A_218, %dma_start3A_346] : memref<2x10000x128xf32, #tpu.memory_space<hbm>> -> memref<1x64x128xf32, #tpu.memory_space<hbm>>
    %dma_start3A_348 = tpu.memref_squeeze %dma_start3A_347 : memref<1x64x128xf32, #tpu.memory_space<hbm>> -> memref<64x128xf32, #tpu.memory_space<hbm>>
    %dma_start3A_349 = arith.constant 0 : i32
    %dma_start3A_350 = tpu.memref_slice %arg5[%arg0, %add3A_218, %dma_start3A_349] : memref<2x10000x128xf32, #tpu.memory_space<hbm>> -> memref<1x64x128xf32, #tpu.memory_space<hbm>>
    %dma_start3A_351 = tpu.memref_squeeze %dma_start3A_350 : memref<1x64x128xf32, #tpu.memory_space<hbm>> -> memref<64x128xf32, #tpu.memory_space<hbm>>
    %dma_start3A_352 = arith.constant 0 : i32
    %dma_start3A_353 = arith.constant 0 : i32
    %dma_start3A_354 = tpu.memref_slice %arg9[%dma_start3A_352, %dma_start3A_353] : memref<64x128xf32, #tpu.memory_space<vmem>> -> memref<64x128xf32, #tpu.memory_space<vmem>>
    tpu.enqueue_dma source(%dma_start3A_354 : memref<64x128xf32, #tpu.memory_space<vmem>>) target(%dma_start3A_351 : memref<64x128xf32, #tpu.memory_space<hbm>>) target_semaphore(%arg12 : memref<!tpu.dma_semaphore, #tpu.memory_space<semaphore_mem>>)
    %dma_wait3A_355 = arith.constant 0 : i32
    %dma_wait3A_356 = arith.constant 0 : i32
    %dma_wait3A_357 = tpu.memref_slice %arg8[%dma_wait3A_355, %dma_wait3A_356] : memref<64x128xf32, #tpu.memory_space<vmem>> -> memref<64x128xf32, #tpu.memory_space<vmem>>
    %dma_wait3A_358 = arith.constant 0 : i32
    %dma_wait3A_359 = tpu.memref_slice %arg5[%arg0, %add3A_214, %dma_wait3A_358] : memref<2x10000x128xf32, #tpu.memory_space<hbm>> -> memref<1x64x128xf32, #tpu.memory_space<hbm>>
    %dma_wait3A_360 = tpu.memref_squeeze %dma_wait3A_359 : memref<1x64x128xf32, #tpu.memory_space<hbm>> -> memref<64x128xf32, #tpu.memory_space<hbm>>
    %dma_wait3A_361 = arith.constant 0 : i32
    %dma_wait3A_362 = tpu.memref_slice %arg5[%arg0, %add3A_214, %dma_wait3A_361] : memref<2x10000x128xf32, #tpu.memory_space<hbm>> -> memref<1x64x128xf32, #tpu.memory_space<hbm>>
    %dma_wait3A_363 = tpu.memref_squeeze %dma_wait3A_362 : memref<1x64x128xf32, #tpu.memory_space<hbm>> -> memref<64x128xf32, #tpu.memory_space<hbm>>
    %dma_wait3A_364 = arith.constant 0 : i32
    %dma_wait3A_365 = arith.constant 0 : i32
    %dma_wait3A_366 = tpu.memref_slice %arg8[%dma_wait3A_364, %dma_wait3A_365] : memref<64x128xf32, #tpu.memory_space<vmem>> -> memref<64x128xf32, #tpu.memory_space<vmem>>
    tpu.wait_dma2 semaphore(%arg11 : memref<!tpu.dma_semaphore, #tpu.memory_space<semaphore_mem>>) src(%dma_wait3A_366 : memref<64x128xf32, #tpu.memory_space<vmem>>) dst(%dma_wait3A_363 : memref<64x128xf32, #tpu.memory_space<hbm>>)
    "tpu.region"() ({
      %run_scoped3A = tpu.sem_alloc : memref<!tpu.dma_semaphore, #tpu.memory_space<semaphore_mem>>
      %dma_start3A_785 = arith.constant 0 : i32
      %dma_start3A_786 = arith.constant 0 : i32
      %dma_start3A_787 = tpu.memref_slice %arg8[%dma_start3A_785, %dma_start3A_786] : memref<64x128xf32, #tpu.memory_space<vmem>> -> memref<64x128xf32, #tpu.memory_space<vmem>>
      %dma_start3A_788 = arith.constant 0 : i32
      %dma_start3A_789 = tpu.memref_slice %arg10[%add3A_222, %dma_start3A_788] : memref<10000x128xf32, #tpu.memory_space<vmem_shared>> -> memref<64x128xf32, #tpu.memory_space<vmem_shared>>
      %dma_start3A_790 = arith.constant 0 : i32
      %dma_start3A_791 = arith.constant 0 : i32
      %dma_start3A_792 = tpu.memref_slice %arg8[%dma_start3A_790, %dma_start3A_791] : memref<64x128xf32, #tpu.memory_space<vmem>> -> memref<64x128xf32, #tpu.memory_space<vmem>>
      %dma_start3A_793 = arith.constant 0 : i32
      %dma_start3A_794 = tpu.memref_slice %arg10[%add3A_222, %dma_start3A_793] : memref<10000x128xf32, #tpu.memory_space<vmem_shared>> -> memref<64x128xf32, #tpu.memory_space<vmem_shared>>
      tpu.enqueue_dma source(%dma_start3A_794 : memref<64x128xf32, #tpu.memory_space<vmem_shared>>) target(%dma_start3A_792 : memref<64x128xf32, #tpu.memory_space<vmem>>) target_semaphore(%run_scoped3A : memref<!tpu.dma_semaphore, #tpu.memory_space<semaphore_mem>>)
      %dma_wait3A_795 = arith.constant 0 : i32
      %dma_wait3A_796 = arith.constant 0 : i32
      %dma_wait3A_797 = tpu.memref_slice %arg8[%dma_wait3A_795, %dma_wait3A_796] : memref<64x128xf32, #tpu.memory_space<vmem>> -> memref<64x128xf32, #tpu.memory_space<vmem>>
      %dma_wait3A_798 = arith.constant 0 : i32
      %dma_wait3A_799 = tpu.memref_slice %arg10[%add3A_222, %dma_wait3A_798] : memref<10000x128xf32, #tpu.memory_space<vmem_shared>> -> memref<64x128xf32, #tpu.memory_space<vmem_shared>>
      %dma_wait3A_800 = arith.constant 0 : i32
      %dma_wait3A_801 = arith.constant 0 : i32
      %dma_wait3A_802 = tpu.memref_slice %arg8[%dma_wait3A_800, %dma_wait3A_801] : memref<64x128xf32, #tpu.memory_space<vmem>> -> memref<64x128xf32, #tpu.memory_space<vmem>>
      %dma_wait3A_803 = arith.constant 0 : i32
      %dma_wait3A_804 = tpu.memref_slice %arg10[%add3A_222, %dma_wait3A_803] : memref<10000x128xf32, #tpu.memory_space<vmem_shared>> -> memref<64x128xf32, #tpu.memory_space<vmem_shared>>
      tpu.wait_dma2 semaphore(%run_scoped3A : memref<!tpu.dma_semaphore, #tpu.memory_space<semaphore_mem>>) src(%dma_wait3A_804 : memref<64x128xf32, #tpu.memory_space<vmem_shared>>) dst(%dma_wait3A_802 : memref<64x128xf32, #tpu.memory_space<vmem>>)
      tpu.yield
    }) : () -> ()
    %dma_start3A_367 = arith.constant 0 : i32
    %dma_start3A_368 = arith.constant 0 : i32
    %dma_start3A_369 = tpu.memref_slice %arg8[%dma_start3A_367, %dma_start3A_368] : memref<64x128xf32, #tpu.memory_space<vmem>> -> memref<64x128xf32, #tpu.memory_space<vmem>>
    %dma_start3A_370 = arith.constant 0 : i32
    %dma_start3A_371 = tpu.memref_slice %arg5[%arg0, %add3A_222, %dma_start3A_370] : memref<2x10000x128xf32, #tpu.memory_space<hbm>> -> memref<1x64x128xf32, #tpu.memory_space<hbm>>
    %dma_start3A_372 = tpu.memref_squeeze %dma_start3A_371 : memref<1x64x128xf32, #tpu.memory_space<hbm>> -> memref<64x128xf32, #tpu.memory_space<hbm>>
    %dma_start3A_373 = arith.constant 0 : i32
    %dma_start3A_374 = tpu.memref_slice %arg5[%arg0, %add3A_222, %dma_start3A_373] : memref<2x10000x128xf32, #tpu.memory_space<hbm>> -> memref<1x64x128xf32, #tpu.memory_space<hbm>>
    %dma_start3A_375 = tpu.memref_squeeze %dma_start3A_374 : memref<1x64x128xf32, #tpu.memory_space<hbm>> -> memref<64x128xf32, #tpu.memory_space<hbm>>
    %dma_start3A_376 = arith.constant 0 : i32
    %dma_start3A_377 = arith.constant 0 : i32
    %dma_start3A_378 = tpu.memref_slice %arg8[%dma_start3A_376, %dma_start3A_377] : memref<64x128xf32, #tpu.memory_space<vmem>> -> memref<64x128xf32, #tpu.memory_space<vmem>>
    tpu.enqueue_dma source(%dma_start3A_378 : memref<64x128xf32, #tpu.memory_space<vmem>>) target(%dma_start3A_375 : memref<64x128xf32, #tpu.memory_space<hbm>>) target_semaphore(%arg11 : memref<!tpu.dma_semaphore, #tpu.memory_space<semaphore_mem>>)
    %dma_wait3A_379 = arith.constant 0 : i32
    %dma_wait3A_380 = arith.constant 0 : i32
    %dma_wait3A_381 = tpu.memref_slice %arg9[%dma_wait3A_379, %dma_wait3A_380] : memref<64x128xf32, #tpu.memory_space<vmem>> -> memref<64x128xf32, #tpu.memory_space<vmem>>
    %dma_wait3A_382 = arith.constant 0 : i32
    %dma_wait3A_383 = tpu.memref_slice %arg5[%arg0, %add3A_218, %dma_wait3A_382] : memref<2x10000x128xf32, #tpu.memory_space<hbm>> -> memref<1x64x128xf32, #tpu.memory_space<hbm>>
    %dma_wait3A_384 = tpu.memref_squeeze %dma_wait3A_383 : memref<1x64x128xf32, #tpu.memory_space<hbm>> -> memref<64x128xf32, #tpu.memory_space<hbm>>
    %dma_wait3A_385 = arith.constant 0 : i32
    %dma_wait3A_386 = tpu.memref_slice %arg5[%arg0, %add3A_218, %dma_wait3A_385] : memref<2x10000x128xf32, #tpu.memory_space<hbm>> -> memref<1x64x128xf32, #tpu.memory_space<hbm>>
    %dma_wait3A_387 = tpu.memref_squeeze %dma_wait3A_386 : memref<1x64x128xf32, #tpu.memory_space<hbm>> -> memref<64x128xf32, #tpu.memory_space<hbm>>
    %dma_wait3A_388 = arith.constant 0 : i32
    %dma_wait3A_389 = arith.constant 0 : i32
    %dma_wait3A_390 = tpu.memref_slice %arg9[%dma_wait3A_388, %dma_wait3A_389] : memref<64x128xf32, #tpu.memory_space<vmem>> -> memref<64x128xf32, #tpu.memory_space<vmem>>
    tpu.wait_dma2 semaphore(%arg12 : memref<!tpu.dma_semaphore, #tpu.memory_space<semaphore_mem>>) src(%dma_wait3A_390 : memref<64x128xf32, #tpu.memory_space<vmem>>) dst(%dma_wait3A_387 : memref<64x128xf32, #tpu.memory_space<hbm>>)
    "tpu.region"() ({
      %run_scoped3A = tpu.sem_alloc : memref<!tpu.dma_semaphore, #tpu.memory_space<semaphore_mem>>
      %dma_start3A_785 = arith.constant 0 : i32
      %dma_start3A_786 = arith.constant 0 : i32
      %dma_start3A_787 = tpu.memref_slice %arg9[%dma_start3A_785, %dma_start3A_786] : memref<64x128xf32, #tpu.memory_space<vmem>> -> memref<64x128xf32, #tpu.memory_space<vmem>>
      %dma_start3A_788 = arith.constant 0 : i32
      %dma_start3A_789 = tpu.memref_slice %arg10[%add3A_226, %dma_start3A_788] : memref<10000x128xf32, #tpu.memory_space<vmem_shared>> -> memref<64x128xf32, #tpu.memory_space<vmem_shared>>
      %dma_start3A_790 = arith.constant 0 : i32
      %dma_start3A_791 = arith.constant 0 : i32
      %dma_start3A_792 = tpu.memref_slice %arg9[%dma_start3A_790, %dma_start3A_791] : memref<64x128xf32, #tpu.memory_space<vmem>> -> memref<64x128xf32, #tpu.memory_space<vmem>>
      %dma_start3A_793 = arith.constant 0 : i32
      %dma_start3A_794 = tpu.memref_slice %arg10[%add3A_226, %dma_start3A_793] : memref<10000x128xf32, #tpu.memory_space<vmem_shared>> -> memref<64x128xf32, #tpu.memory_space<vmem_shared>>
      tpu.enqueue_dma source(%dma_start3A_794 : memref<64x128xf32, #tpu.memory_space<vmem_shared>>) target(%dma_start3A_792 : memref<64x128xf32, #tpu.memory_space<vmem>>) target_semaphore(%run_scoped3A : memref<!tpu.dma_semaphore, #tpu.memory_space<semaphore_mem>>)
      %dma_wait3A_795 = arith.constant 0 : i32
      %dma_wait3A_796 = arith.constant 0 : i32
      %dma_wait3A_797 = tpu.memref_slice %arg9[%dma_wait3A_795, %dma_wait3A_796] : memref<64x128xf32, #tpu.memory_space<vmem>> -> memref<64x128xf32, #tpu.memory_space<vmem>>
      %dma_wait3A_798 = arith.constant 0 : i32
      %dma_wait3A_799 = tpu.memref_slice %arg10[%add3A_226, %dma_wait3A_798] : memref<10000x128xf32, #tpu.memory_space<vmem_shared>> -> memref<64x128xf32, #tpu.memory_space<vmem_shared>>
      %dma_wait3A_800 = arith.constant 0 : i32
      %dma_wait3A_801 = arith.constant 0 : i32
      %dma_wait3A_802 = tpu.memref_slice %arg9[%dma_wait3A_800, %dma_wait3A_801] : memref<64x128xf32, #tpu.memory_space<vmem>> -> memref<64x128xf32, #tpu.memory_space<vmem>>
      %dma_wait3A_803 = arith.constant 0 : i32
      %dma_wait3A_804 = tpu.memref_slice %arg10[%add3A_226, %dma_wait3A_803] : memref<10000x128xf32, #tpu.memory_space<vmem_shared>> -> memref<64x128xf32, #tpu.memory_space<vmem_shared>>
      tpu.wait_dma2 semaphore(%run_scoped3A : memref<!tpu.dma_semaphore, #tpu.memory_space<semaphore_mem>>) src(%dma_wait3A_804 : memref<64x128xf32, #tpu.memory_space<vmem_shared>>) dst(%dma_wait3A_802 : memref<64x128xf32, #tpu.memory_space<vmem>>)
      tpu.yield
    }) : () -> ()
    %dma_start3A_391 = arith.constant 0 : i32
    %dma_start3A_392 = arith.constant 0 : i32
    %dma_start3A_393 = tpu.memref_slice %arg9[%dma_start3A_391, %dma_start3A_392] : memref<64x128xf32, #tpu.memory_space<vmem>> -> memref<64x128xf32, #tpu.memory_space<vmem>>
    %dma_start3A_394 = arith.constant 0 : i32
    %dma_start3A_395 = tpu.memref_slice %arg5[%arg0, %add3A_226, %dma_start3A_394] : memref<2x10000x128xf32, #tpu.memory_space<hbm>> -> memref<1x64x128xf32, #tpu.memory_space<hbm>>
    %dma_start3A_396 = tpu.memref_squeeze %dma_start3A_395 : memref<1x64x128xf32, #tpu.memory_space<hbm>> -> memref<64x128xf32, #tpu.memory_space<hbm>>
    %dma_start3A_397 = arith.constant 0 : i32
    %dma_start3A_398 = tpu.memref_slice %arg5[%arg0, %add3A_226, %dma_start3A_397] : memref<2x10000x128xf32, #tpu.memory_space<hbm>> -> memref<1x64x128xf32, #tpu.memory_space<hbm>>
    %dma_start3A_399 = tpu.memref_squeeze %dma_start3A_398 : memref<1x64x128xf32, #tpu.memory_space<hbm>> -> memref<64x128xf32, #tpu.memory_space<hbm>>
    %dma_start3A_400 = arith.constant 0 : i32
    %dma_start3A_401 = arith.constant 0 : i32
    %dma_start3A_402 = tpu.memref_slice %arg9[%dma_start3A_400, %dma_start3A_401] : memref<64x128xf32, #tpu.memory_space<vmem>> -> memref<64x128xf32, #tpu.memory_space<vmem>>
    tpu.enqueue_dma source(%dma_start3A_402 : memref<64x128xf32, #tpu.memory_space<vmem>>) target(%dma_start3A_399 : memref<64x128xf32, #tpu.memory_space<hbm>>) target_semaphore(%arg12 : memref<!tpu.dma_semaphore, #tpu.memory_space<semaphore_mem>>)
    %dma_wait3A_403 = arith.constant 0 : i32
    %dma_wait3A_404 = arith.constant 0 : i32
    %dma_wait3A_405 = tpu.memref_slice %arg8[%dma_wait3A_403, %dma_wait3A_404] : memref<64x128xf32, #tpu.memory_space<vmem>> -> memref<64x128xf32, #tpu.memory_space<vmem>>
    %dma_wait3A_406 = arith.constant 0 : i32
    %dma_wait3A_407 = tpu.memref_slice %arg5[%arg0, %add3A_222, %dma_wait3A_406] : memref<2x10000x128xf32, #tpu.memory_space<hbm>> -> memref<1x64x128xf32, #tpu.memory_space<hbm>>
    %dma_wait3A_408 = tpu.memref_squeeze %dma_wait3A_407 : memref<1x64x128xf32, #tpu.memory_space<hbm>> -> memref<64x128xf32, #tpu.memory_space<hbm>>
    %dma_wait3A_409 = arith.constant 0 : i32
    %dma_wait3A_410 = tpu.memref_slice %arg5[%arg0, %add3A_222, %dma_wait3A_409] : memref<2x10000x128xf32, #tpu.memory_space<hbm>> -> memref<1x64x128xf32, #tpu.memory_space<hbm>>
    %dma_wait3A_411 = tpu.memref_squeeze %dma_wait3A_410 : memref<1x64x128xf32, #tpu.memory_space<hbm>> -> memref<64x128xf32, #tpu.memory_space<hbm>>
    %dma_wait3A_412 = arith.constant 0 : i32
    %dma_wait3A_413 = arith.constant 0 : i32
    %dma_wait3A_414 = tpu.memref_slice %arg8[%dma_wait3A_412, %dma_wait3A_413] : memref<64x128xf32, #tpu.memory_space<vmem>> -> memref<64x128xf32, #tpu.memory_space<vmem>>
    tpu.wait_dma2 semaphore(%arg11 : memref<!tpu.dma_semaphore, #tpu.memory_space<semaphore_mem>>) src(%dma_wait3A_414 : memref<64x128xf32, #tpu.memory_space<vmem>>) dst(%dma_wait3A_411 : memref<64x128xf32, #tpu.memory_space<hbm>>)
    "tpu.region"() ({
      %run_scoped3A = tpu.sem_alloc : memref<!tpu.dma_semaphore, #tpu.memory_space<semaphore_mem>>
      %dma_start3A_785 = arith.constant 0 : i32
      %dma_start3A_786 = arith.constant 0 : i32
      %dma_start3A_787 = tpu.memref_slice %arg8[%dma_start3A_785, %dma_start3A_786] : memref<64x128xf32, #tpu.memory_space<vmem>> -> memref<64x128xf32, #tpu.memory_space<vmem>>
      %dma_start3A_788 = arith.constant 0 : i32
      %dma_start3A_789 = tpu.memref_slice %arg10[%add3A_230, %dma_start3A_788] : memref<10000x128xf32, #tpu.memory_space<vmem_shared>> -> memref<64x128xf32, #tpu.memory_space<vmem_shared>>
      %dma_start3A_790 = arith.constant 0 : i32
      %dma_start3A_791 = arith.constant 0 : i32
      %dma_start3A_792 = tpu.memref_slice %arg8[%dma_start3A_790, %dma_start3A_791] : memref<64x128xf32, #tpu.memory_space<vmem>> -> memref<64x128xf32, #tpu.memory_space<vmem>>
      %dma_start3A_793 = arith.constant 0 : i32
      %dma_start3A_794 = tpu.memref_slice %arg10[%add3A_230, %dma_start3A_793] : memref<10000x128xf32, #tpu.memory_space<vmem_shared>> -> memref<64x128xf32, #tpu.memory_space<vmem_shared>>
      tpu.enqueue_dma source(%dma_start3A_794 : memref<64x128xf32, #tpu.memory_space<vmem_shared>>) target(%dma_start3A_792 : memref<64x128xf32, #tpu.memory_space<vmem>>) target_semaphore(%run_scoped3A : memref<!tpu.dma_semaphore, #tpu.memory_space<semaphore_mem>>)
      %dma_wait3A_795 = arith.constant 0 : i32
      %dma_wait3A_796 = arith.constant 0 : i32
      %dma_wait3A_797 = tpu.memref_slice %arg8[%dma_wait3A_795, %dma_wait3A_796] : memref<64x128xf32, #tpu.memory_space<vmem>> -> memref<64x128xf32, #tpu.memory_space<vmem>>
      %dma_wait3A_798 = arith.constant 0 : i32
      %dma_wait3A_799 = tpu.memref_slice %arg10[%add3A_230, %dma_wait3A_798] : memref<10000x128xf32, #tpu.memory_space<vmem_shared>> -> memref<64x128xf32, #tpu.memory_space<vmem_shared>>
      %dma_wait3A_800 = arith.constant 0 : i32
      %dma_wait3A_801 = arith.constant 0 : i32
      %dma_wait3A_802 = tpu.memref_slice %arg8[%dma_wait3A_800, %dma_wait3A_801] : memref<64x128xf32, #tpu.memory_space<vmem>> -> memref<64x128xf32, #tpu.memory_space<vmem>>
      %dma_wait3A_803 = arith.constant 0 : i32
      %dma_wait3A_804 = tpu.memref_slice %arg10[%add3A_230, %dma_wait3A_803] : memref<10000x128xf32, #tpu.memory_space<vmem_shared>> -> memref<64x128xf32, #tpu.memory_space<vmem_shared>>
      tpu.wait_dma2 semaphore(%run_scoped3A : memref<!tpu.dma_semaphore, #tpu.memory_space<semaphore_mem>>) src(%dma_wait3A_804 : memref<64x128xf32, #tpu.memory_space<vmem_shared>>) dst(%dma_wait3A_802 : memref<64x128xf32, #tpu.memory_space<vmem>>)
      tpu.yield
    }) : () -> ()
    %dma_start3A_415 = arith.constant 0 : i32
    %dma_start3A_416 = arith.constant 0 : i32
    %dma_start3A_417 = tpu.memref_slice %arg8[%dma_start3A_415, %dma_start3A_416] : memref<64x128xf32, #tpu.memory_space<vmem>> -> memref<64x128xf32, #tpu.memory_space<vmem>>
    %dma_start3A_418 = arith.constant 0 : i32
    %dma_start3A_419 = tpu.memref_slice %arg5[%arg0, %add3A_230, %dma_start3A_418] : memref<2x10000x128xf32, #tpu.memory_space<hbm>> -> memref<1x64x128xf32, #tpu.memory_space<hbm>>
    %dma_start3A_420 = tpu.memref_squeeze %dma_start3A_419 : memref<1x64x128xf32, #tpu.memory_space<hbm>> -> memref<64x128xf32, #tpu.memory_space<hbm>>
    %dma_start3A_421 = arith.constant 0 : i32
    %dma_start3A_422 = tpu.memref_slice %arg5[%arg0, %add3A_230, %dma_start3A_421] : memref<2x10000x128xf32, #tpu.memory_space<hbm>> -> memref<1x64x128xf32, #tpu.memory_space<hbm>>
    %dma_start3A_423 = tpu.memref_squeeze %dma_start3A_422 : memref<1x64x128xf32, #tpu.memory_space<hbm>> -> memref<64x128xf32, #tpu.memory_space<hbm>>
    %dma_start3A_424 = arith.constant 0 : i32
    %dma_start3A_425 = arith.constant 0 : i32
    %dma_start3A_426 = tpu.memref_slice %arg8[%dma_start3A_424, %dma_start3A_425] : memref<64x128xf32, #tpu.memory_space<vmem>> -> memref<64x128xf32, #tpu.memory_space<vmem>>
    tpu.enqueue_dma source(%dma_start3A_426 : memref<64x128xf32, #tpu.memory_space<vmem>>) target(%dma_start3A_423 : memref<64x128xf32, #tpu.memory_space<hbm>>) target_semaphore(%arg11 : memref<!tpu.dma_semaphore, #tpu.memory_space<semaphore_mem>>)
    %dma_wait3A_427 = arith.constant 0 : i32
    %dma_wait3A_428 = arith.constant 0 : i32
    %dma_wait3A_429 = tpu.memref_slice %arg9[%dma_wait3A_427, %dma_wait3A_428] : memref<64x128xf32, #tpu.memory_space<vmem>> -> memref<64x128xf32, #tpu.memory_space<vmem>>
    %dma_wait3A_430 = arith.constant 0 : i32
    %dma_wait3A_431 = tpu.memref_slice %arg5[%arg0, %add3A_226, %dma_wait3A_430] : memref<2x10000x128xf32, #tpu.memory_space<hbm>> -> memref<1x64x128xf32, #tpu.memory_space<hbm>>
    %dma_wait3A_432 = tpu.memref_squeeze %dma_wait3A_431 : memref<1x64x128xf32, #tpu.memory_space<hbm>> -> memref<64x128xf32, #tpu.memory_space<hbm>>
    %dma_wait3A_433 = arith.constant 0 : i32
    %dma_wait3A_434 = tpu.memref_slice %arg5[%arg0, %add3A_226, %dma_wait3A_433] : memref<2x10000x128xf32, #tpu.memory_space<hbm>> -> memref<1x64x128xf32, #tpu.memory_space<hbm>>
    %dma_wait3A_435 = tpu.memref_squeeze %dma_wait3A_434 : memref<1x64x128xf32, #tpu.memory_space<hbm>> -> memref<64x128xf32, #tpu.memory_space<hbm>>
    %dma_wait3A_436 = arith.constant 0 : i32
    %dma_wait3A_437 = arith.constant 0 : i32
    %dma_wait3A_438 = tpu.memref_slice %arg9[%dma_wait3A_436, %dma_wait3A_437] : memref<64x128xf32, #tpu.memory_space<vmem>> -> memref<64x128xf32, #tpu.memory_space<vmem>>
    tpu.wait_dma2 semaphore(%arg12 : memref<!tpu.dma_semaphore, #tpu.memory_space<semaphore_mem>>) src(%dma_wait3A_438 : memref<64x128xf32, #tpu.memory_space<vmem>>) dst(%dma_wait3A_435 : memref<64x128xf32, #tpu.memory_space<hbm>>)
    "tpu.region"() ({
      %run_scoped3A = tpu.sem_alloc : memref<!tpu.dma_semaphore, #tpu.memory_space<semaphore_mem>>
      %dma_start3A_785 = arith.constant 0 : i32
      %dma_start3A_786 = arith.constant 0 : i32
      %dma_start3A_787 = tpu.memref_slice %arg9[%dma_start3A_785, %dma_start3A_786] : memref<64x128xf32, #tpu.memory_space<vmem>> -> memref<48x128xf32, #tpu.memory_space<vmem>>
      %dma_start3A_788 = arith.constant 0 : i32
      %dma_start3A_789 = tpu.memref_slice %arg10[%add3A_234, %dma_start3A_788] : memref<10000x128xf32, #tpu.memory_space<vmem_shared>> -> memref<48x128xf32, #tpu.memory_space<vmem_shared>>
      %dma_start3A_790 = arith.constant 0 : i32
      %dma_start3A_791 = arith.constant 0 : i32
      %dma_start3A_792 = tpu.memref_slice %arg9[%dma_start3A_790, %dma_start3A_791] : memref<64x128xf32, #tpu.memory_space<vmem>> -> memref<48x128xf32, #tpu.memory_space<vmem>>
      %dma_start3A_793 = arith.constant 0 : i32
      %dma_start3A_794 = tpu.memref_slice %arg10[%add3A_234, %dma_start3A_793] : memref<10000x128xf32, #tpu.memory_space<vmem_shared>> -> memref<48x128xf32, #tpu.memory_space<vmem_shared>>
      tpu.enqueue_dma source(%dma_start3A_794 : memref<48x128xf32, #tpu.memory_space<vmem_shared>>) target(%dma_start3A_792 : memref<48x128xf32, #tpu.memory_space<vmem>>) target_semaphore(%run_scoped3A : memref<!tpu.dma_semaphore, #tpu.memory_space<semaphore_mem>>)
      %dma_wait3A_795 = arith.constant 0 : i32
      %dma_wait3A_796 = arith.constant 0 : i32
      %dma_wait3A_797 = tpu.memref_slice %arg9[%dma_wait3A_795, %dma_wait3A_796] : memref<64x128xf32, #tpu.memory_space<vmem>> -> memref<48x128xf32, #tpu.memory_space<vmem>>
      %dma_wait3A_798 = arith.constant 0 : i32
      %dma_wait3A_799 = tpu.memref_slice %arg10[%add3A_234, %dma_wait3A_798] : memref<10000x128xf32, #tpu.memory_space<vmem_shared>> -> memref<48x128xf32, #tpu.memory_space<vmem_shared>>
      %dma_wait3A_800 = arith.constant 0 : i32
      %dma_wait3A_801 = arith.constant 0 : i32
      %dma_wait3A_802 = tpu.memref_slice %arg9[%dma_wait3A_800, %dma_wait3A_801] : memref<64x128xf32, #tpu.memory_space<vmem>> -> memref<48x128xf32, #tpu.memory_space<vmem>>
      %dma_wait3A_803 = arith.constant 0 : i32
      %dma_wait3A_804 = tpu.memref_slice %arg10[%add3A_234, %dma_wait3A_803] : memref<10000x128xf32, #tpu.memory_space<vmem_shared>> -> memref<48x128xf32, #tpu.memory_space<vmem_shared>>
      tpu.wait_dma2 semaphore(%run_scoped3A : memref<!tpu.dma_semaphore, #tpu.memory_space<semaphore_mem>>) src(%dma_wait3A_804 : memref<48x128xf32, #tpu.memory_space<vmem_shared>>) dst(%dma_wait3A_802 : memref<48x128xf32, #tpu.memory_space<vmem>>)
      tpu.yield
    }) : () -> ()
    %dma_start3A_439 = arith.constant 0 : i32
    %dma_start3A_440 = arith.constant 0 : i32
    %dma_start3A_441 = tpu.memref_slice %arg9[%dma_start3A_439, %dma_start3A_440] : memref<64x128xf32, #tpu.memory_space<vmem>> -> memref<48x128xf32, #tpu.memory_space<vmem>>
    %dma_start3A_442 = arith.constant 0 : i32
    %dma_start3A_443 = tpu.memref_slice %arg5[%arg0, %add3A_234, %dma_start3A_442] : memref<2x10000x128xf32, #tpu.memory_space<hbm>> -> memref<1x48x128xf32, #tpu.memory_space<hbm>>
    %dma_start3A_444 = tpu.memref_squeeze %dma_start3A_443 : memref<1x48x128xf32, #tpu.memory_space<hbm>> -> memref<48x128xf32, #tpu.memory_space<hbm>>
    %dma_start3A_445 = arith.constant 0 : i32
    %dma_start3A_446 = tpu.memref_slice %arg5[%arg0, %add3A_234, %dma_start3A_445] : memref<2x10000x128xf32, #tpu.memory_space<hbm>> -> memref<1x48x128xf32, #tpu.memory_space<hbm>>
    %dma_start3A_447 = tpu.memref_squeeze %dma_start3A_446 : memref<1x48x128xf32, #tpu.memory_space<hbm>> -> memref<48x128xf32, #tpu.memory_space<hbm>>
    %dma_start3A_448 = arith.constant 0 : i32
    %dma_start3A_449 = arith.constant 0 : i32
    %dma_start3A_450 = tpu.memref_slice %arg9[%dma_start3A_448, %dma_start3A_449] : memref<64x128xf32, #tpu.memory_space<vmem>> -> memref<48x128xf32, #tpu.memory_space<vmem>>
    tpu.enqueue_dma source(%dma_start3A_450 : memref<48x128xf32, #tpu.memory_space<vmem>>) target(%dma_start3A_447 : memref<48x128xf32, #tpu.memory_space<hbm>>) target_semaphore(%arg12 : memref<!tpu.dma_semaphore, #tpu.memory_space<semaphore_mem>>)
    %dma_wait3A_451 = arith.constant 0 : i32
    %dma_wait3A_452 = arith.constant 0 : i32
    %dma_wait3A_453 = tpu.memref_slice %arg8[%dma_wait3A_451, %dma_wait3A_452] : memref<64x128xf32, #tpu.memory_space<vmem>> -> memref<64x128xf32, #tpu.memory_space<vmem>>
    %dma_wait3A_454 = arith.constant 0 : i32
    %dma_wait3A_455 = tpu.memref_slice %arg5[%arg0, %add3A_230, %dma_wait3A_454] : memref<2x10000x128xf32, #tpu.memory_space<hbm>> -> memref<1x64x128xf32, #tpu.memory_space<hbm>>
    %dma_wait3A_456 = tpu.memref_squeeze %dma_wait3A_455 : memref<1x64x128xf32, #tpu.memory_space<hbm>> -> memref<64x128xf32, #tpu.memory_space<hbm>>
    %dma_wait3A_457 = arith.constant 0 : i32
    %dma_wait3A_458 = tpu.memref_slice %arg5[%arg0, %add3A_230, %dma_wait3A_457] : memref<2x10000x128xf32, #tpu.memory_space<hbm>> -> memref<1x64x128xf32, #tpu.memory_space<hbm>>
    %dma_wait3A_459 = tpu.memref_squeeze %dma_wait3A_458 : memref<1x64x128xf32, #tpu.memory_space<hbm>> -> memref<64x128xf32, #tpu.memory_space<hbm>>
    %dma_wait3A_460 = arith.constant 0 : i32
    %dma_wait3A_461 = arith.constant 0 : i32
    %dma_wait3A_462 = tpu.memref_slice %arg8[%dma_wait3A_460, %dma_wait3A_461] : memref<64x128xf32, #tpu.memory_space<vmem>> -> memref<64x128xf32, #tpu.memory_space<vmem>>
    tpu.wait_dma2 semaphore(%arg11 : memref<!tpu.dma_semaphore, #tpu.memory_space<semaphore_mem>>) src(%dma_wait3A_462 : memref<64x128xf32, #tpu.memory_space<vmem>>) dst(%dma_wait3A_459 : memref<64x128xf32, #tpu.memory_space<hbm>>)
    %dma_wait3A_463 = arith.constant 0 : i32
    %dma_wait3A_464 = arith.constant 0 : i32
    %dma_wait3A_465 = tpu.memref_slice %arg9[%dma_wait3A_463, %dma_wait3A_464] : memref<64x128xf32, #tpu.memory_space<vmem>> -> memref<48x128xf32, #tpu.memory_space<vmem>>
    %dma_wait3A_466 = arith.constant 0 : i32
    %dma_wait3A_467 = tpu.memref_slice %arg5[%arg0, %add3A_234, %dma_wait3A_466] : memref<2x10000x128xf32, #tpu.memory_space<hbm>> -> memref<1x48x128xf32, #tpu.memory_space<hbm>>
    %dma_wait3A_468 = tpu.memref_squeeze %dma_wait3A_467 : memref<1x48x128xf32, #tpu.memory_space<hbm>> -> memref<48x128xf32, #tpu.memory_space<hbm>>
    %dma_wait3A_469 = arith.constant 0 : i32
    %dma_wait3A_470 = tpu.memref_slice %arg5[%arg0, %add3A_234, %dma_wait3A_469] : memref<2x10000x128xf32, #tpu.memory_space<hbm>> -> memref<1x48x128xf32, #tpu.memory_space<hbm>>
    %dma_wait3A_471 = tpu.memref_squeeze %dma_wait3A_470 : memref<1x48x128xf32, #tpu.memory_space<hbm>> -> memref<48x128xf32, #tpu.memory_space<hbm>>
    %dma_wait3A_472 = arith.constant 0 : i32
    %dma_wait3A_473 = arith.constant 0 : i32
    %dma_wait3A_474 = tpu.memref_slice %arg9[%dma_wait3A_472, %dma_wait3A_473] : memref<64x128xf32, #tpu.memory_space<vmem>> -> memref<48x128xf32, #tpu.memory_space<vmem>>
    tpu.wait_dma2 semaphore(%arg12 : memref<!tpu.dma_semaphore, #tpu.memory_space<semaphore_mem>>) src(%dma_wait3A_474 : memref<48x128xf32, #tpu.memory_space<vmem>>) dst(%dma_wait3A_471 : memref<48x128xf32, #tpu.memory_space<hbm>>)
    %eq3A_475 = arith.constant 0 : i32
    %eq3A_476 = arith.cmpi eq, %arg1, %eq3A_475 : i32
    %convert_element_type3A_477 = arith.extui %eq3A_476 : i1 to i32
    %cond3A_478 = arith.constant 0 : i32
    %cond3A_479 = arith.cmpi ne, %convert_element_type3A_477, %cond3A_478 : i32
    scf.if %cond3A_479 {
      "tpu.region"() ({
        %run_scoped3A = tpu.sem_alloc : memref<!tpu.dma_semaphore, #tpu.memory_space<semaphore_mem>>
        %dma_start3A_785 = arith.constant 0 : i32
        %dma_start3A_786 = arith.constant 0 : i32
        %dma_start3A_787 = tpu.memref_slice %arg8[%dma_start3A_785, %dma_start3A_786] : memref<64x128xf32, #tpu.memory_space<vmem>> -> memref<16x128xf32, #tpu.memory_space<vmem>>
        %dma_start3A_788 = arith.constant 9984 : i32
        %dma_start3A_789 = arith.constant 0 : i32
        %dma_start3A_790 = tpu.memref_slice %arg10[%dma_start3A_788, %dma_start3A_789] : memref<10000x128xf32, #tpu.memory_space<vmem_shared>> -> memref<16x128xf32, #tpu.memory_space<vmem_shared>>
        %dma_start3A_791 = arith.constant 0 : i32
        %dma_start3A_792 = arith.constant 0 : i32
        %dma_start3A_793 = tpu.memref_slice %arg8[%dma_start3A_791, %dma_start3A_792] : memref<64x128xf32, #tpu.memory_space<vmem>> -> memref<16x128xf32, #tpu.memory_space<vmem>>
        %dma_start3A_794 = arith.constant 9984 : i32
        %dma_start3A_795 = arith.constant 0 : i32
        %dma_start3A_796 = tpu.memref_slice %arg10[%dma_start3A_794, %dma_start3A_795] : memref<10000x128xf32, #tpu.memory_space<vmem_shared>> -> memref<16x128xf32, #tpu.memory_space<vmem_shared>>
        tpu.enqueue_dma source(%dma_start3A_796 : memref<16x128xf32, #tpu.memory_space<vmem_shared>>) target(%dma_start3A_793 : memref<16x128xf32, #tpu.memory_space<vmem>>) target_semaphore(%run_scoped3A : memref<!tpu.dma_semaphore, #tpu.memory_space<semaphore_mem>>)
        %dma_wait3A_797 = arith.constant 0 : i32
        %dma_wait3A_798 = arith.constant 0 : i32
        %dma_wait3A_799 = tpu.memref_slice %arg8[%dma_wait3A_797, %dma_wait3A_798] : memref<64x128xf32, #tpu.memory_space<vmem>> -> memref<16x128xf32, #tpu.memory_space<vmem>>
        %dma_wait3A_800 = arith.constant 9984 : i32
        %dma_wait3A_801 = arith.constant 0 : i32
        %dma_wait3A_802 = tpu.memref_slice %arg10[%dma_wait3A_800, %dma_wait3A_801] : memref<10000x128xf32, #tpu.memory_space<vmem_shared>> -> memref<16x128xf32, #tpu.memory_space<vmem_shared>>
        %dma_wait3A_803 = arith.constant 0 : i32
        %dma_wait3A_804 = arith.constant 0 : i32
        %dma_wait3A_805 = tpu.memref_slice %arg8[%dma_wait3A_803, %dma_wait3A_804] : memref<64x128xf32, #tpu.memory_space<vmem>> -> memref<16x128xf32, #tpu.memory_space<vmem>>
        %dma_wait3A_806 = arith.constant 9984 : i32
        %dma_wait3A_807 = arith.constant 0 : i32
        %dma_wait3A_808 = tpu.memref_slice %arg10[%dma_wait3A_806, %dma_wait3A_807] : memref<10000x128xf32, #tpu.memory_space<vmem_shared>> -> memref<16x128xf32, #tpu.memory_space<vmem_shared>>
        tpu.wait_dma2 semaphore(%run_scoped3A : memref<!tpu.dma_semaphore, #tpu.memory_space<semaphore_mem>>) src(%dma_wait3A_808 : memref<16x128xf32, #tpu.memory_space<vmem_shared>>) dst(%dma_wait3A_805 : memref<16x128xf32, #tpu.memory_space<vmem>>)
        tpu.yield
      }) : () -> ()
      "tpu.region"() ({
        %run_scoped3A = tpu.sem_alloc : memref<!tpu.dma_semaphore, #tpu.memory_space<semaphore_mem>>
        %dma_start3A_785 = arith.constant 0 : i32
        %dma_start3A_786 = arith.constant 0 : i32
        %dma_start3A_787 = tpu.memref_slice %arg8[%dma_start3A_785, %dma_start3A_786] : memref<64x128xf32, #tpu.memory_space<vmem>> -> memref<16x128xf32, #tpu.memory_space<vmem>>
        %dma_start3A_788 = arith.constant 9984 : i32
        %dma_start3A_789 = arith.constant 0 : i32
        %dma_start3A_790 = tpu.memref_slice %arg5[%arg0, %dma_start3A_788, %dma_start3A_789] : memref<2x10000x128xf32, #tpu.memory_space<hbm>> -> memref<1x16x128xf32, #tpu.memory_space<hbm>>
        %dma_start3A_791 = tpu.memref_squeeze %dma_start3A_790 : memref<1x16x128xf32, #tpu.memory_space<hbm>> -> memref<16x128xf32, #tpu.memory_space<hbm>>
        %dma_start3A_792 = arith.constant 9984 : i32
        %dma_start3A_793 = arith.constant 0 : i32
        %dma_start3A_794 = tpu.memref_slice %arg5[%arg0, %dma_start3A_792, %dma_start3A_793] : memref<2x10000x128xf32, #tpu.memory_space<hbm>> -> memref<1x16x128xf32, #tpu.memory_space<hbm>>
        %dma_start3A_795 = tpu.memref_squeeze %dma_start3A_794 : memref<1x16x128xf32, #tpu.memory_space<hbm>> -> memref<16x128xf32, #tpu.memory_space<hbm>>
        %dma_start3A_796 = arith.constant 0 : i32
        %dma_start3A_797 = arith.constant 0 : i32
        %dma_start3A_798 = tpu.memref_slice %arg8[%dma_start3A_796, %dma_start3A_797] : memref<64x128xf32, #tpu.memory_space<vmem>> -> memref<16x128xf32, #tpu.memory_space<vmem>>
        tpu.enqueue_dma source(%dma_start3A_798 : memref<16x128xf32, #tpu.memory_space<vmem>>) target(%dma_start3A_795 : memref<16x128xf32, #tpu.memory_space<hbm>>) target_semaphore(%run_scoped3A : memref<!tpu.dma_semaphore, #tpu.memory_space<semaphore_mem>>)
        %dma_wait3A_799 = arith.constant 0 : i32
        %dma_wait3A_800 = arith.constant 0 : i32
        %dma_wait3A_801 = tpu.memref_slice %arg8[%dma_wait3A_799, %dma_wait3A_800] : memref<64x128xf32, #tpu.memory_space<vmem>> -> memref<16x128xf32, #tpu.memory_space<vmem>>
        %dma_wait3A_802 = arith.constant 9984 : i32
        %dma_wait3A_803 = arith.constant 0 : i32
        %dma_wait3A_804 = tpu.memref_slice %arg5[%arg0, %dma_wait3A_802, %dma_wait3A_803] : memref<2x10000x128xf32, #tpu.memory_space<hbm>> -> memref<1x16x128xf32, #tpu.memory_space<hbm>>
        %dma_wait3A_805 = tpu.memref_squeeze %dma_wait3A_804 : memref<1x16x128xf32, #tpu.memory_space<hbm>> -> memref<16x128xf32, #tpu.memory_space<hbm>>
        %dma_wait3A_806 = arith.constant 9984 : i32
        %dma_wait3A_807 = arith.constant 0 : i32
        %dma_wait3A_808 = tpu.memref_slice %arg5[%arg0, %dma_wait3A_806, %dma_wait3A_807] : memref<2x10000x128xf32, #tpu.memory_space<hbm>> -> memref<1x16x128xf32, #tpu.memory_space<hbm>>
        %dma_wait3A_809 = tpu.memref_squeeze %dma_wait3A_808 : memref<1x16x128xf32, #tpu.memory_space<hbm>> -> memref<16x128xf32, #tpu.memory_space<hbm>>
        %dma_wait3A_810 = arith.constant 0 : i32
        %dma_wait3A_811 = arith.constant 0 : i32
        %dma_wait3A_812 = tpu.memref_slice %arg8[%dma_wait3A_810, %dma_wait3A_811] : memref<64x128xf32, #tpu.memory_space<vmem>> -> memref<16x128xf32, #tpu.memory_space<vmem>>
        tpu.wait_dma2 semaphore(%run_scoped3A : memref<!tpu.dma_semaphore, #tpu.memory_space<semaphore_mem>>) src(%dma_wait3A_812 : memref<16x128xf32, #tpu.memory_space<vmem>>) dst(%dma_wait3A_809 : memref<16x128xf32, #tpu.memory_space<hbm>>)
        tpu.yield
      }) : () -> ()
    } else {
    }
    %barrier3A_480 = arith.constant 0 : index
    tpu.barrier barrier_id(%barrier3A_480)
    %scan3A_481 = arith.constant 0 : i32
    %scan3A_482 = arith.constant 0 : i32
    %scan3A_483 = arith.constant 64 : i32
    %scan3A_484 = arith.addi %scan3A_482, %scan3A_483 : i32
    %scan3A_485 = arith.constant 1 : i32
    scf.for %scan3A_785 = %scan3A_482 to %scan3A_484 step %scan3A_485  : i32 {
      %swap3A = arith.index_cast %scan3A_785 : i32 to index
      %swap3A_786 = arith.constant 0 : index
      %swap3A_787 = tpu.vector_load %arg8[%swap3A, %swap3A_786] {strides = array<i32>} : memref<64x128xf32, #tpu.memory_space<vmem>>, vector<1x16xf32>,
      %swap3A_788 = vector.shape_cast %swap3A_787 : vector<1x16xf32> to vector<16xf32>
      %swap3A_789 = vector.shape_cast %broadcast_in_dim3A_3 : vector<16xf32> to vector<1x16xf32>
      tpu.vector_store %arg8[%swap3A, %swap3A_786], %swap3A_789 {strides = array<i32>} : memref<64x128xf32, #tpu.memory_space<vmem>>, vector<1x16xf32>,
      %swap3A_790 = arith.index_cast %scan3A_785 : i32 to index
      %swap3A_791 = arith.constant 16 : index
      %swap3A_792 = tpu.vector_load %arg8[%swap3A_790, %swap3A_791] {strides = array<i32>} : memref<64x128xf32, #tpu.memory_space<vmem>>, vector<1x16xf32>,
      %swap3A_793 = vector.shape_cast %swap3A_792 : vector<1x16xf32> to vector<16xf32>
      %swap3A_794 = vector.shape_cast %broadcast_in_dim3A_3 : vector<16xf32> to vector<1x16xf32>
      tpu.vector_store %arg8[%swap3A_790, %swap3A_791], %swap3A_794 {strides = array<i32>} : memref<64x128xf32, #tpu.memory_space<vmem>>, vector<1x16xf32>,
      %swap3A_795 = arith.index_cast %scan3A_785 : i32 to index
      %swap3A_796 = arith.constant 32 : index
      %swap3A_797 = tpu.vector_load %arg8[%swap3A_795, %swap3A_796] {strides = array<i32>} : memref<64x128xf32, #tpu.memory_space<vmem>>, vector<1x16xf32>,
      %swap3A_798 = vector.shape_cast %swap3A_797 : vector<1x16xf32> to vector<16xf32>
      %swap3A_799 = vector.shape_cast %broadcast_in_dim3A_3 : vector<16xf32> to vector<1x16xf32>
      tpu.vector_store %arg8[%swap3A_795, %swap3A_796], %swap3A_799 {strides = array<i32>} : memref<64x128xf32, #tpu.memory_space<vmem>>, vector<1x16xf32>,
      %swap3A_800 = arith.index_cast %scan3A_785 : i32 to index
      %swap3A_801 = arith.constant 48 : index
      %swap3A_802 = tpu.vector_load %arg8[%swap3A_800, %swap3A_801] {strides = array<i32>} : memref<64x128xf32, #tpu.memory_space<vmem>>, vector<1x16xf32>,
      %swap3A_803 = vector.shape_cast %swap3A_802 : vector<1x16xf32> to vector<16xf32>
      %swap3A_804 = vector.shape_cast %broadcast_in_dim3A_3 : vector<16xf32> to vector<1x16xf32>
      tpu.vector_store %arg8[%swap3A_800, %swap3A_801], %swap3A_804 {strides = array<i32>} : memref<64x128xf32, #tpu.memory_space<vmem>>, vector<1x16xf32>,
      %swap3A_805 = arith.index_cast %scan3A_785 : i32 to index
      %swap3A_806 = arith.constant 64 : index
      %swap3A_807 = tpu.vector_load %arg8[%swap3A_805, %swap3A_806] {strides = array<i32>} : memref<64x128xf32, #tpu.memory_space<vmem>>, vector<1x16xf32>,
      %swap3A_808 = vector.shape_cast %swap3A_807 : vector<1x16xf32> to vector<16xf32>
      %swap3A_809 = vector.shape_cast %broadcast_in_dim3A_3 : vector<16xf32> to vector<1x16xf32>
      tpu.vector_store %arg8[%swap3A_805, %swap3A_806], %swap3A_809 {strides = array<i32>} : memref<64x128xf32, #tpu.memory_space<vmem>>, vector<1x16xf32>,
      %swap3A_810 = arith.index_cast %scan3A_785 : i32 to index
      %swap3A_811 = arith.constant 80 : index
      %swap3A_812 = tpu.vector_load %arg8[%swap3A_810, %swap3A_811] {strides = array<i32>} : memref<64x128xf32, #tpu.memory_space<vmem>>, vector<1x16xf32>,
      %swap3A_813 = vector.shape_cast %swap3A_812 : vector<1x16xf32> to vector<16xf32>
      %swap3A_814 = vector.shape_cast %broadcast_in_dim3A_3 : vector<16xf32> to vector<1x16xf32>
      tpu.vector_store %arg8[%swap3A_810, %swap3A_811], %swap3A_814 {strides = array<i32>} : memref<64x128xf32, #tpu.memory_space<vmem>>, vector<1x16xf32>,
      %swap3A_815 = arith.index_cast %scan3A_785 : i32 to index
      %swap3A_816 = arith.constant 96 : index
      %swap3A_817 = tpu.vector_load %arg8[%swap3A_815, %swap3A_816] {strides = array<i32>} : memref<64x128xf32, #tpu.memory_space<vmem>>, vector<1x16xf32>,
      %swap3A_818 = vector.shape_cast %swap3A_817 : vector<1x16xf32> to vector<16xf32>
      %swap3A_819 = vector.shape_cast %broadcast_in_dim3A_3 : vector<16xf32> to vector<1x16xf32>
      tpu.vector_store %arg8[%swap3A_815, %swap3A_816], %swap3A_819 {strides = array<i32>} : memref<64x128xf32, #tpu.memory_space<vmem>>, vector<1x16xf32>,
      %swap3A_820 = arith.index_cast %scan3A_785 : i32 to index
      %swap3A_821 = arith.constant 112 : index
      %swap3A_822 = tpu.vector_load %arg8[%swap3A_820, %swap3A_821] {strides = array<i32>} : memref<64x128xf32, #tpu.memory_space<vmem>>, vector<1x16xf32>,
      %swap3A_823 = vector.shape_cast %swap3A_822 : vector<1x16xf32> to vector<16xf32>
      %swap3A_824 = vector.shape_cast %broadcast_in_dim3A_3 : vector<16xf32> to vector<1x16xf32>
      tpu.vector_store %arg8[%swap3A_820, %swap3A_821], %swap3A_824 {strides = array<i32>} : memref<64x128xf32, #tpu.memory_space<vmem>>, vector<1x16xf32>,
    }
    %scan3A_486 = arith.constant 64 : i32
    %scan3A_487 = arith.constant 0 : i32
    %scan3A_488 = arith.constant 0 : i32
    %scan3A_489 = arith.constant 64 : i32
    %scan3A_490 = arith.addi %scan3A_488, %scan3A_489 : i32
    %scan3A_491 = arith.constant 1 : i32
    scf.for %scan3A_785 = %scan3A_488 to %scan3A_490 step %scan3A_491  : i32 {
      %dma_start3A_786 = arith.constant 0 : i32
      %dma_start3A_787 = tpu.memref_slice %arg7[%scan3A_785, %dma_start3A_786] : memref<64x64xi32, #tpu.memory_space<vmem>> -> memref<1x64xi32, #tpu.memory_space<vmem>>
      %dma_start3A_788 = tpu.memref_squeeze %dma_start3A_787 : memref<1x64xi32, #tpu.memory_space<vmem>> -> memref<64xi32, #tpu.memory_space<vmem>>
      %dma_start3A_789 = arith.constant 0 : i32
      %dma_start3A_790 = arith.constant 0 : i32
      %dma_start3A_791 = tpu.memref_slice %arg10[%dma_start3A_789, %dma_start3A_790] : memref<10000x128xf32, #tpu.memory_space<vmem_shared>> -> memref<10000x128xf32, #tpu.memory_space<vmem_shared>>
      tpu.enqueue_indirect_dma source(%arg8 : memref<64x128xf32, #tpu.memory_space<vmem>>) target(%dma_start3A_791 : memref<10000x128xf32, #tpu.memory_space<vmem_shared>>) offsets(%dma_start3A_788 : memref<64xi32, #tpu.memory_space<vmem>>) semaphore(%arg11 : memref<!tpu.dma_semaphore, #tpu.memory_space<semaphore_mem>>) {add = true}
    }
    %scan3A_492 = arith.constant 64 : i32
    %scan3A_493 = arith.constant 0 : i32
    %scan3A_494 = arith.constant 0 : i32
    %scan3A_495 = arith.constant 64 : i32
    %scan3A_496 = arith.addi %scan3A_494, %scan3A_495 : i32
    %scan3A_497 = arith.constant 1 : i32
    scf.for %scan3A_785 = %scan3A_494 to %scan3A_496 step %scan3A_497  : i32 {
      %dma_wait3A_786 = arith.constant 0 : i32
      %dma_wait3A_787 = arith.constant 0 : i32
      %dma_wait3A_788 = tpu.memref_slice %arg7[%dma_wait3A_786, %dma_wait3A_787] : memref<64x64xi32, #tpu.memory_space<vmem>> -> memref<1x64xi32, #tpu.memory_space<vmem>>
      %dma_wait3A_789 = tpu.memref_squeeze %dma_wait3A_788 : memref<1x64xi32, #tpu.memory_space<vmem>> -> memref<64xi32, #tpu.memory_space<vmem>>
      %dma_wait3A_790 = arith.constant 0 : i32
      %dma_wait3A_791 = arith.constant 0 : i32
      %dma_wait3A_792 = tpu.memref_slice %arg10[%dma_wait3A_790, %dma_wait3A_791] : memref<10000x128xf32, #tpu.memory_space<vmem_shared>> -> memref<10000x128xf32, #tpu.memory_space<vmem_shared>>
      tpu.wait_indirect_dma semaphore(%arg11 : memref<!tpu.dma_semaphore, #tpu.memory_space<semaphore_mem>>) src(%arg8 : memref<64x128xf32, #tpu.memory_space<vmem>>) dst(%dma_wait3A_792 : memref<10000x128xf32, #tpu.memory_space<vmem_shared>>)
    }
    %scan3A_498 = arith.constant 64 : i32
    %barrier3A_499 = arith.constant 0 : index
    tpu.barrier barrier_id(%barrier3A_499)
    %mul3A_500 = arith.constant 624 : i32
    %mul3A_501 = arith.muli %arg1, %mul3A_500 : i32
    %add3A_502 = arith.constant 0 : i32
    %add3A_503 = arith.addi %mul3A_501, %add3A_502 : i32
    %mul3A_504 = arith.constant 624 : i32
    %mul3A_505 = arith.muli %arg1, %mul3A_504 : i32
    %add3A_506 = arith.constant 64 : i32
    %add3A_507 = arith.addi %mul3A_505, %add3A_506 : i32
    %mul3A_508 = arith.constant 624 : i32
    %mul3A_509 = arith.muli %arg1, %mul3A_508 : i32
    %add3A_510 = arith.constant 128 : i32
    %add3A_511 = arith.addi %mul3A_509, %add3A_510 : i32
    %mul3A_512 = arith.constant 624 : i32
    %mul3A_513 = arith.muli %arg1, %mul3A_512 : i32
    %add3A_514 = arith.constant 192 : i32
    %add3A_515 = arith.addi %mul3A_513, %add3A_514 : i32
    %mul3A_516 = arith.constant 624 : i32
    %mul3A_517 = arith.muli %arg1, %mul3A_516 : i32
    %add3A_518 = arith.constant 256 : i32
    %add3A_519 = arith.addi %mul3A_517, %add3A_518 : i32
    %mul3A_520 = arith.constant 624 : i32
    %mul3A_521 = arith.muli %arg1, %mul3A_520 : i32
    %add3A_522 = arith.constant 320 : i32
    %add3A_523 = arith.addi %mul3A_521, %add3A_522 : i32
    %mul3A_524 = arith.constant 624 : i32
    %mul3A_525 = arith.muli %arg1, %mul3A_524 : i32
    %add3A_526 = arith.constant 384 : i32
    %add3A_527 = arith.addi %mul3A_525, %add3A_526 : i32
    %mul3A_528 = arith.constant 624 : i32
    %mul3A_529 = arith.muli %arg1, %mul3A_528 : i32
    %add3A_530 = arith.constant 448 : i32
    %add3A_531 = arith.addi %mul3A_529, %add3A_530 : i32
    %mul3A_532 = arith.constant 624 : i32
    %mul3A_533 = arith.muli %arg1, %mul3A_532 : i32
    %add3A_534 = arith.constant 512 : i32
    %add3A_535 = arith.addi %mul3A_533, %add3A_534 : i32
    %mul3A_536 = arith.constant 624 : i32
    %mul3A_537 = arith.muli %arg1, %mul3A_536 : i32
    %add3A_538 = arith.constant 576 : i32
    %add3A_539 = arith.addi %mul3A_537, %add3A_538 : i32
    "tpu.region"() ({
      %run_scoped3A = tpu.sem_alloc : memref<!tpu.dma_semaphore, #tpu.memory_space<semaphore_mem>>
      %dma_start3A_785 = arith.constant 0 : i32
      %dma_start3A_786 = arith.constant 0 : i32
      %dma_start3A_787 = tpu.memref_slice %arg8[%dma_start3A_785, %dma_start3A_786] : memref<64x128xf32, #tpu.memory_space<vmem>> -> memref<64x128xf32, #tpu.memory_space<vmem>>
      %dma_start3A_788 = arith.constant 0 : i32
      %dma_start3A_789 = tpu.memref_slice %arg10[%add3A_503, %dma_start3A_788] : memref<10000x128xf32, #tpu.memory_space<vmem_shared>> -> memref<64x128xf32, #tpu.memory_space<vmem_shared>>
      %dma_start3A_790 = arith.constant 0 : i32
      %dma_start3A_791 = arith.constant 0 : i32
      %dma_start3A_792 = tpu.memref_slice %arg8[%dma_start3A_790, %dma_start3A_791] : memref<64x128xf32, #tpu.memory_space<vmem>> -> memref<64x128xf32, #tpu.memory_space<vmem>>
      %dma_start3A_793 = arith.constant 0 : i32
      %dma_start3A_794 = tpu.memref_slice %arg10[%add3A_503, %dma_start3A_793] : memref<10000x128xf32, #tpu.memory_space<vmem_shared>> -> memref<64x128xf32, #tpu.memory_space<vmem_shared>>
      tpu.enqueue_dma source(%dma_start3A_794 : memref<64x128xf32, #tpu.memory_space<vmem_shared>>) target(%dma_start3A_792 : memref<64x128xf32, #tpu.memory_space<vmem>>) target_semaphore(%run_scoped3A : memref<!tpu.dma_semaphore, #tpu.memory_space<semaphore_mem>>)
      %dma_wait3A_795 = arith.constant 0 : i32
      %dma_wait3A_796 = arith.constant 0 : i32
      %dma_wait3A_797 = tpu.memref_slice %arg8[%dma_wait3A_795, %dma_wait3A_796] : memref<64x128xf32, #tpu.memory_space<vmem>> -> memref<64x128xf32, #tpu.memory_space<vmem>>
      %dma_wait3A_798 = arith.constant 0 : i32
      %dma_wait3A_799 = tpu.memref_slice %arg10[%add3A_503, %dma_wait3A_798] : memref<10000x128xf32, #tpu.memory_space<vmem_shared>> -> memref<64x128xf32, #tpu.memory_space<vmem_shared>>
      %dma_wait3A_800 = arith.constant 0 : i32
      %dma_wait3A_801 = arith.constant 0 : i32
      %dma_wait3A_802 = tpu.memref_slice %arg8[%dma_wait3A_800, %dma_wait3A_801] : memref<64x128xf32, #tpu.memory_space<vmem>> -> memref<64x128xf32, #tpu.memory_space<vmem>>
      %dma_wait3A_803 = arith.constant 0 : i32
      %dma_wait3A_804 = tpu.memref_slice %arg10[%add3A_503, %dma_wait3A_803] : memref<10000x128xf32, #tpu.memory_space<vmem_shared>> -> memref<64x128xf32, #tpu.memory_space<vmem_shared>>
      tpu.wait_dma2 semaphore(%run_scoped3A : memref<!tpu.dma_semaphore, #tpu.memory_space<semaphore_mem>>) src(%dma_wait3A_804 : memref<64x128xf32, #tpu.memory_space<vmem_shared>>) dst(%dma_wait3A_802 : memref<64x128xf32, #tpu.memory_space<vmem>>)
      tpu.yield
    }) : () -> ()
    %dma_start3A_540 = arith.constant 0 : i32
    %dma_start3A_541 = arith.constant 0 : i32
    %dma_start3A_542 = tpu.memref_slice %arg8[%dma_start3A_540, %dma_start3A_541] : memref<64x128xf32, #tpu.memory_space<vmem>> -> memref<64x128xf32, #tpu.memory_space<vmem>>
    %dma_start3A_543 = arith.constant 0 : i32
    %dma_start3A_544 = tpu.memref_slice %arg6[%arg0, %add3A_503, %dma_start3A_543] : memref<2x10000x128xf32, #tpu.memory_space<hbm>> -> memref<1x64x128xf32, #tpu.memory_space<hbm>>
    %dma_start3A_545 = tpu.memref_squeeze %dma_start3A_544 : memref<1x64x128xf32, #tpu.memory_space<hbm>> -> memref<64x128xf32, #tpu.memory_space<hbm>>
    %dma_start3A_546 = arith.constant 0 : i32
    %dma_start3A_547 = tpu.memref_slice %arg6[%arg0, %add3A_503, %dma_start3A_546] : memref<2x10000x128xf32, #tpu.memory_space<hbm>> -> memref<1x64x128xf32, #tpu.memory_space<hbm>>
    %dma_start3A_548 = tpu.memref_squeeze %dma_start3A_547 : memref<1x64x128xf32, #tpu.memory_space<hbm>> -> memref<64x128xf32, #tpu.memory_space<hbm>>
    %dma_start3A_549 = arith.constant 0 : i32
    %dma_start3A_550 = arith.constant 0 : i32
    %dma_start3A_551 = tpu.memref_slice %arg8[%dma_start3A_549, %dma_start3A_550] : memref<64x128xf32, #tpu.memory_space<vmem>> -> memref<64x128xf32, #tpu.memory_space<vmem>>
    tpu.enqueue_dma source(%dma_start3A_551 : memref<64x128xf32, #tpu.memory_space<vmem>>) target(%dma_start3A_548 : memref<64x128xf32, #tpu.memory_space<hbm>>) target_semaphore(%arg11 : memref<!tpu.dma_semaphore, #tpu.memory_space<semaphore_mem>>)
    "tpu.region"() ({
      %run_scoped3A = tpu.sem_alloc : memref<!tpu.dma_semaphore, #tpu.memory_space<semaphore_mem>>
      %dma_start3A_785 = arith.constant 0 : i32
      %dma_start3A_786 = arith.constant 0 : i32
      %dma_start3A_787 = tpu.memref_slice %arg9[%dma_start3A_785, %dma_start3A_786] : memref<64x128xf32, #tpu.memory_space<vmem>> -> memref<64x128xf32, #tpu.memory_space<vmem>>
      %dma_start3A_788 = arith.constant 0 : i32
      %dma_start3A_789 = tpu.memref_slice %arg10[%add3A_507, %dma_start3A_788] : memref<10000x128xf32, #tpu.memory_space<vmem_shared>> -> memref<64x128xf32, #tpu.memory_space<vmem_shared>>
      %dma_start3A_790 = arith.constant 0 : i32
      %dma_start3A_791 = arith.constant 0 : i32
      %dma_start3A_792 = tpu.memref_slice %arg9[%dma_start3A_790, %dma_start3A_791] : memref<64x128xf32, #tpu.memory_space<vmem>> -> memref<64x128xf32, #tpu.memory_space<vmem>>
      %dma_start3A_793 = arith.constant 0 : i32
      %dma_start3A_794 = tpu.memref_slice %arg10[%add3A_507, %dma_start3A_793] : memref<10000x128xf32, #tpu.memory_space<vmem_shared>> -> memref<64x128xf32, #tpu.memory_space<vmem_shared>>
      tpu.enqueue_dma source(%dma_start3A_794 : memref<64x128xf32, #tpu.memory_space<vmem_shared>>) target(%dma_start3A_792 : memref<64x128xf32, #tpu.memory_space<vmem>>) target_semaphore(%run_scoped3A : memref<!tpu.dma_semaphore, #tpu.memory_space<semaphore_mem>>)
      %dma_wait3A_795 = arith.constant 0 : i32
      %dma_wait3A_796 = arith.constant 0 : i32
      %dma_wait3A_797 = tpu.memref_slice %arg9[%dma_wait3A_795, %dma_wait3A_796] : memref<64x128xf32, #tpu.memory_space<vmem>> -> memref<64x128xf32, #tpu.memory_space<vmem>>
      %dma_wait3A_798 = arith.constant 0 : i32
      %dma_wait3A_799 = tpu.memref_slice %arg10[%add3A_507, %dma_wait3A_798] : memref<10000x128xf32, #tpu.memory_space<vmem_shared>> -> memref<64x128xf32, #tpu.memory_space<vmem_shared>>
      %dma_wait3A_800 = arith.constant 0 : i32
      %dma_wait3A_801 = arith.constant 0 : i32
      %dma_wait3A_802 = tpu.memref_slice %arg9[%dma_wait3A_800, %dma_wait3A_801] : memref<64x128xf32, #tpu.memory_space<vmem>> -> memref<64x128xf32, #tpu.memory_space<vmem>>
      %dma_wait3A_803 = arith.constant 0 : i32
      %dma_wait3A_804 = tpu.memref_slice %arg10[%add3A_507, %dma_wait3A_803] : memref<10000x128xf32, #tpu.memory_space<vmem_shared>> -> memref<64x128xf32, #tpu.memory_space<vmem_shared>>
      tpu.wait_dma2 semaphore(%run_scoped3A : memref<!tpu.dma_semaphore, #tpu.memory_space<semaphore_mem>>) src(%dma_wait3A_804 : memref<64x128xf32, #tpu.memory_space<vmem_shared>>) dst(%dma_wait3A_802 : memref<64x128xf32, #tpu.memory_space<vmem>>)
      tpu.yield
    }) : () -> ()
    %dma_start3A_552 = arith.constant 0 : i32
    %dma_start3A_553 = arith.constant 0 : i32
    %dma_start3A_554 = tpu.memref_slice %arg9[%dma_start3A_552, %dma_start3A_553] : memref<64x128xf32, #tpu.memory_space<vmem>> -> memref<64x128xf32, #tpu.memory_space<vmem>>
    %dma_start3A_555 = arith.constant 0 : i32
    %dma_start3A_556 = tpu.memref_slice %arg6[%arg0, %add3A_507, %dma_start3A_555] : memref<2x10000x128xf32, #tpu.memory_space<hbm>> -> memref<1x64x128xf32, #tpu.memory_space<hbm>>
    %dma_start3A_557 = tpu.memref_squeeze %dma_start3A_556 : memref<1x64x128xf32, #tpu.memory_space<hbm>> -> memref<64x128xf32, #tpu.memory_space<hbm>>
    %dma_start3A_558 = arith.constant 0 : i32
    %dma_start3A_559 = tpu.memref_slice %arg6[%arg0, %add3A_507, %dma_start3A_558] : memref<2x10000x128xf32, #tpu.memory_space<hbm>> -> memref<1x64x128xf32, #tpu.memory_space<hbm>>
    %dma_start3A_560 = tpu.memref_squeeze %dma_start3A_559 : memref<1x64x128xf32, #tpu.memory_space<hbm>> -> memref<64x128xf32, #tpu.memory_space<hbm>>
    %dma_start3A_561 = arith.constant 0 : i32
    %dma_start3A_562 = arith.constant 0 : i32
    %dma_start3A_563 = tpu.memref_slice %arg9[%dma_start3A_561, %dma_start3A_562] : memref<64x128xf32, #tpu.memory_space<vmem>> -> memref<64x128xf32, #tpu.memory_space<vmem>>
    tpu.enqueue_dma source(%dma_start3A_563 : memref<64x128xf32, #tpu.memory_space<vmem>>) target(%dma_start3A_560 : memref<64x128xf32, #tpu.memory_space<hbm>>) target_semaphore(%arg12 : memref<!tpu.dma_semaphore, #tpu.memory_space<semaphore_mem>>)
    %dma_wait3A_564 = arith.constant 0 : i32
    %dma_wait3A_565 = arith.constant 0 : i32
    %dma_wait3A_566 = tpu.memref_slice %arg8[%dma_wait3A_564, %dma_wait3A_565] : memref<64x128xf32, #tpu.memory_space<vmem>> -> memref<64x128xf32, #tpu.memory_space<vmem>>
    %dma_wait3A_567 = arith.constant 0 : i32
    %dma_wait3A_568 = tpu.memref_slice %arg6[%arg0, %add3A_503, %dma_wait3A_567] : memref<2x10000x128xf32, #tpu.memory_space<hbm>> -> memref<1x64x128xf32, #tpu.memory_space<hbm>>
    %dma_wait3A_569 = tpu.memref_squeeze %dma_wait3A_568 : memref<1x64x128xf32, #tpu.memory_space<hbm>> -> memref<64x128xf32, #tpu.memory_space<hbm>>
    %dma_wait3A_570 = arith.constant 0 : i32
    %dma_wait3A_571 = tpu.memref_slice %arg6[%arg0, %add3A_503, %dma_wait3A_570] : memref<2x10000x128xf32, #tpu.memory_space<hbm>> -> memref<1x64x128xf32, #tpu.memory_space<hbm>>
    %dma_wait3A_572 = tpu.memref_squeeze %dma_wait3A_571 : memref<1x64x128xf32, #tpu.memory_space<hbm>> -> memref<64x128xf32, #tpu.memory_space<hbm>>
    %dma_wait3A_573 = arith.constant 0 : i32
    %dma_wait3A_574 = arith.constant 0 : i32
    %dma_wait3A_575 = tpu.memref_slice %arg8[%dma_wait3A_573, %dma_wait3A_574] : memref<64x128xf32, #tpu.memory_space<vmem>> -> memref<64x128xf32, #tpu.memory_space<vmem>>
    tpu.wait_dma2 semaphore(%arg11 : memref<!tpu.dma_semaphore, #tpu.memory_space<semaphore_mem>>) src(%dma_wait3A_575 : memref<64x128xf32, #tpu.memory_space<vmem>>) dst(%dma_wait3A_572 : memref<64x128xf32, #tpu.memory_space<hbm>>)
    "tpu.region"() ({
      %run_scoped3A = tpu.sem_alloc : memref<!tpu.dma_semaphore, #tpu.memory_space<semaphore_mem>>
      %dma_start3A_785 = arith.constant 0 : i32
      %dma_start3A_786 = arith.constant 0 : i32
      %dma_start3A_787 = tpu.memref_slice %arg8[%dma_start3A_785, %dma_start3A_786] : memref<64x128xf32, #tpu.memory_space<vmem>> -> memref<64x128xf32, #tpu.memory_space<vmem>>
      %dma_start3A_788 = arith.constant 0 : i32
      %dma_start3A_789 = tpu.memref_slice %arg10[%add3A_511, %dma_start3A_788] : memref<10000x128xf32, #tpu.memory_space<vmem_shared>> -> memref<64x128xf32, #tpu.memory_space<vmem_shared>>
      %dma_start3A_790 = arith.constant 0 : i32
      %dma_start3A_791 = arith.constant 0 : i32
      %dma_start3A_792 = tpu.memref_slice %arg8[%dma_start3A_790, %dma_start3A_791] : memref<64x128xf32, #tpu.memory_space<vmem>> -> memref<64x128xf32, #tpu.memory_space<vmem>>
      %dma_start3A_793 = arith.constant 0 : i32
      %dma_start3A_794 = tpu.memref_slice %arg10[%add3A_511, %dma_start3A_793] : memref<10000x128xf32, #tpu.memory_space<vmem_shared>> -> memref<64x128xf32, #tpu.memory_space<vmem_shared>>
      tpu.enqueue_dma source(%dma_start3A_794 : memref<64x128xf32, #tpu.memory_space<vmem_shared>>) target(%dma_start3A_792 : memref<64x128xf32, #tpu.memory_space<vmem>>) target_semaphore(%run_scoped3A : memref<!tpu.dma_semaphore, #tpu.memory_space<semaphore_mem>>)
      %dma_wait3A_795 = arith.constant 0 : i32
      %dma_wait3A_796 = arith.constant 0 : i32
      %dma_wait3A_797 = tpu.memref_slice %arg8[%dma_wait3A_795, %dma_wait3A_796] : memref<64x128xf32, #tpu.memory_space<vmem>> -> memref<64x128xf32, #tpu.memory_space<vmem>>
      %dma_wait3A_798 = arith.constant 0 : i32
      %dma_wait3A_799 = tpu.memref_slice %arg10[%add3A_511, %dma_wait3A_798] : memref<10000x128xf32, #tpu.memory_space<vmem_shared>> -> memref<64x128xf32, #tpu.memory_space<vmem_shared>>
      %dma_wait3A_800 = arith.constant 0 : i32
      %dma_wait3A_801 = arith.constant 0 : i32
      %dma_wait3A_802 = tpu.memref_slice %arg8[%dma_wait3A_800, %dma_wait3A_801] : memref<64x128xf32, #tpu.memory_space<vmem>> -> memref<64x128xf32, #tpu.memory_space<vmem>>
      %dma_wait3A_803 = arith.constant 0 : i32
      %dma_wait3A_804 = tpu.memref_slice %arg10[%add3A_511, %dma_wait3A_803] : memref<10000x128xf32, #tpu.memory_space<vmem_shared>> -> memref<64x128xf32, #tpu.memory_space<vmem_shared>>
      tpu.wait_dma2 semaphore(%run_scoped3A : memref<!tpu.dma_semaphore, #tpu.memory_space<semaphore_mem>>) src(%dma_wait3A_804 : memref<64x128xf32, #tpu.memory_space<vmem_shared>>) dst(%dma_wait3A_802 : memref<64x128xf32, #tpu.memory_space<vmem>>)
      tpu.yield
    }) : () -> ()
    %dma_start3A_576 = arith.constant 0 : i32
    %dma_start3A_577 = arith.constant 0 : i32
    %dma_start3A_578 = tpu.memref_slice %arg8[%dma_start3A_576, %dma_start3A_577] : memref<64x128xf32, #tpu.memory_space<vmem>> -> memref<64x128xf32, #tpu.memory_space<vmem>>
    %dma_start3A_579 = arith.constant 0 : i32
    %dma_start3A_580 = tpu.memref_slice %arg6[%arg0, %add3A_511, %dma_start3A_579] : memref<2x10000x128xf32, #tpu.memory_space<hbm>> -> memref<1x64x128xf32, #tpu.memory_space<hbm>>
    %dma_start3A_581 = tpu.memref_squeeze %dma_start3A_580 : memref<1x64x128xf32, #tpu.memory_space<hbm>> -> memref<64x128xf32, #tpu.memory_space<hbm>>
    %dma_start3A_582 = arith.constant 0 : i32
    %dma_start3A_583 = tpu.memref_slice %arg6[%arg0, %add3A_511, %dma_start3A_582] : memref<2x10000x128xf32, #tpu.memory_space<hbm>> -> memref<1x64x128xf32, #tpu.memory_space<hbm>>
    %dma_start3A_584 = tpu.memref_squeeze %dma_start3A_583 : memref<1x64x128xf32, #tpu.memory_space<hbm>> -> memref<64x128xf32, #tpu.memory_space<hbm>>
    %dma_start3A_585 = arith.constant 0 : i32
    %dma_start3A_586 = arith.constant 0 : i32
    %dma_start3A_587 = tpu.memref_slice %arg8[%dma_start3A_585, %dma_start3A_586] : memref<64x128xf32, #tpu.memory_space<vmem>> -> memref<64x128xf32, #tpu.memory_space<vmem>>
    tpu.enqueue_dma source(%dma_start3A_587 : memref<64x128xf32, #tpu.memory_space<vmem>>) target(%dma_start3A_584 : memref<64x128xf32, #tpu.memory_space<hbm>>) target_semaphore(%arg11 : memref<!tpu.dma_semaphore, #tpu.memory_space<semaphore_mem>>)
    %dma_wait3A_588 = arith.constant 0 : i32
    %dma_wait3A_589 = arith.constant 0 : i32
    %dma_wait3A_590 = tpu.memref_slice %arg9[%dma_wait3A_588, %dma_wait3A_589] : memref<64x128xf32, #tpu.memory_space<vmem>> -> memref<64x128xf32, #tpu.memory_space<vmem>>
    %dma_wait3A_591 = arith.constant 0 : i32
    %dma_wait3A_592 = tpu.memref_slice %arg6[%arg0, %add3A_507, %dma_wait3A_591] : memref<2x10000x128xf32, #tpu.memory_space<hbm>> -> memref<1x64x128xf32, #tpu.memory_space<hbm>>
    %dma_wait3A_593 = tpu.memref_squeeze %dma_wait3A_592 : memref<1x64x128xf32, #tpu.memory_space<hbm>> -> memref<64x128xf32, #tpu.memory_space<hbm>>
    %dma_wait3A_594 = arith.constant 0 : i32
    %dma_wait3A_595 = tpu.memref_slice %arg6[%arg0, %add3A_507, %dma_wait3A_594] : memref<2x10000x128xf32, #tpu.memory_space<hbm>> -> memref<1x64x128xf32, #tpu.memory_space<hbm>>
    %dma_wait3A_596 = tpu.memref_squeeze %dma_wait3A_595 : memref<1x64x128xf32, #tpu.memory_space<hbm>> -> memref<64x128xf32, #tpu.memory_space<hbm>>
    %dma_wait3A_597 = arith.constant 0 : i32
    %dma_wait3A_598 = arith.constant 0 : i32
    %dma_wait3A_599 = tpu.memref_slice %arg9[%dma_wait3A_597, %dma_wait3A_598] : memref<64x128xf32, #tpu.memory_space<vmem>> -> memref<64x128xf32, #tpu.memory_space<vmem>>
    tpu.wait_dma2 semaphore(%arg12 : memref<!tpu.dma_semaphore, #tpu.memory_space<semaphore_mem>>) src(%dma_wait3A_599 : memref<64x128xf32, #tpu.memory_space<vmem>>) dst(%dma_wait3A_596 : memref<64x128xf32, #tpu.memory_space<hbm>>)
    "tpu.region"() ({
      %run_scoped3A = tpu.sem_alloc : memref<!tpu.dma_semaphore, #tpu.memory_space<semaphore_mem>>
      %dma_start3A_785 = arith.constant 0 : i32
      %dma_start3A_786 = arith.constant 0 : i32
      %dma_start3A_787 = tpu.memref_slice %arg9[%dma_start3A_785, %dma_start3A_786] : memref<64x128xf32, #tpu.memory_space<vmem>> -> memref<64x128xf32, #tpu.memory_space<vmem>>
      %dma_start3A_788 = arith.constant 0 : i32
      %dma_start3A_789 = tpu.memref_slice %arg10[%add3A_515, %dma_start3A_788] : memref<10000x128xf32, #tpu.memory_space<vmem_shared>> -> memref<64x128xf32, #tpu.memory_space<vmem_shared>>
      %dma_start3A_790 = arith.constant 0 : i32
      %dma_start3A_791 = arith.constant 0 : i32
      %dma_start3A_792 = tpu.memref_slice %arg9[%dma_start3A_790, %dma_start3A_791] : memref<64x128xf32, #tpu.memory_space<vmem>> -> memref<64x128xf32, #tpu.memory_space<vmem>>
      %dma_start3A_793 = arith.constant 0 : i32
      %dma_start3A_794 = tpu.memref_slice %arg10[%add3A_515, %dma_start3A_793] : memref<10000x128xf32, #tpu.memory_space<vmem_shared>> -> memref<64x128xf32, #tpu.memory_space<vmem_shared>>
      tpu.enqueue_dma source(%dma_start3A_794 : memref<64x128xf32, #tpu.memory_space<vmem_shared>>) target(%dma_start3A_792 : memref<64x128xf32, #tpu.memory_space<vmem>>) target_semaphore(%run_scoped3A : memref<!tpu.dma_semaphore, #tpu.memory_space<semaphore_mem>>)
      %dma_wait3A_795 = arith.constant 0 : i32
      %dma_wait3A_796 = arith.constant 0 : i32
      %dma_wait3A_797 = tpu.memref_slice %arg9[%dma_wait3A_795, %dma_wait3A_796] : memref<64x128xf32, #tpu.memory_space<vmem>> -> memref<64x128xf32, #tpu.memory_space<vmem>>
      %dma_wait3A_798 = arith.constant 0 : i32
      %dma_wait3A_799 = tpu.memref_slice %arg10[%add3A_515, %dma_wait3A_798] : memref<10000x128xf32, #tpu.memory_space<vmem_shared>> -> memref<64x128xf32, #tpu.memory_space<vmem_shared>>
      %dma_wait3A_800 = arith.constant 0 : i32
      %dma_wait3A_801 = arith.constant 0 : i32
      %dma_wait3A_802 = tpu.memref_slice %arg9[%dma_wait3A_800, %dma_wait3A_801] : memref<64x128xf32, #tpu.memory_space<vmem>> -> memref<64x128xf32, #tpu.memory_space<vmem>>
      %dma_wait3A_803 = arith.constant 0 : i32
      %dma_wait3A_804 = tpu.memref_slice %arg10[%add3A_515, %dma_wait3A_803] : memref<10000x128xf32, #tpu.memory_space<vmem_shared>> -> memref<64x128xf32, #tpu.memory_space<vmem_shared>>
      tpu.wait_dma2 semaphore(%run_scoped3A : memref<!tpu.dma_semaphore, #tpu.memory_space<semaphore_mem>>) src(%dma_wait3A_804 : memref<64x128xf32, #tpu.memory_space<vmem_shared>>) dst(%dma_wait3A_802 : memref<64x128xf32, #tpu.memory_space<vmem>>)
      tpu.yield
    }) : () -> ()
    %dma_start3A_600 = arith.constant 0 : i32
    %dma_start3A_601 = arith.constant 0 : i32
    %dma_start3A_602 = tpu.memref_slice %arg9[%dma_start3A_600, %dma_start3A_601] : memref<64x128xf32, #tpu.memory_space<vmem>> -> memref<64x128xf32, #tpu.memory_space<vmem>>
    %dma_start3A_603 = arith.constant 0 : i32
    %dma_start3A_604 = tpu.memref_slice %arg6[%arg0, %add3A_515, %dma_start3A_603] : memref<2x10000x128xf32, #tpu.memory_space<hbm>> -> memref<1x64x128xf32, #tpu.memory_space<hbm>>
    %dma_start3A_605 = tpu.memref_squeeze %dma_start3A_604 : memref<1x64x128xf32, #tpu.memory_space<hbm>> -> memref<64x128xf32, #tpu.memory_space<hbm>>
    %dma_start3A_606 = arith.constant 0 : i32
    %dma_start3A_607 = tpu.memref_slice %arg6[%arg0, %add3A_515, %dma_start3A_606] : memref<2x10000x128xf32, #tpu.memory_space<hbm>> -> memref<1x64x128xf32, #tpu.memory_space<hbm>>
    %dma_start3A_608 = tpu.memref_squeeze %dma_start3A_607 : memref<1x64x128xf32, #tpu.memory_space<hbm>> -> memref<64x128xf32, #tpu.memory_space<hbm>>
    %dma_start3A_609 = arith.constant 0 : i32
    %dma_start3A_610 = arith.constant 0 : i32
    %dma_start3A_611 = tpu.memref_slice %arg9[%dma_start3A_609, %dma_start3A_610] : memref<64x128xf32, #tpu.memory_space<vmem>> -> memref<64x128xf32, #tpu.memory_space<vmem>>
    tpu.enqueue_dma source(%dma_start3A_611 : memref<64x128xf32, #tpu.memory_space<vmem>>) target(%dma_start3A_608 : memref<64x128xf32, #tpu.memory_space<hbm>>) target_semaphore(%arg12 : memref<!tpu.dma_semaphore, #tpu.memory_space<semaphore_mem>>)
    %dma_wait3A_612 = arith.constant 0 : i32
    %dma_wait3A_613 = arith.constant 0 : i32
    %dma_wait3A_614 = tpu.memref_slice %arg8[%dma_wait3A_612, %dma_wait3A_613] : memref<64x128xf32, #tpu.memory_space<vmem>> -> memref<64x128xf32, #tpu.memory_space<vmem>>
    %dma_wait3A_615 = arith.constant 0 : i32
    %dma_wait3A_616 = tpu.memref_slice %arg6[%arg0, %add3A_511, %dma_wait3A_615] : memref<2x10000x128xf32, #tpu.memory_space<hbm>> -> memref<1x64x128xf32, #tpu.memory_space<hbm>>
    %dma_wait3A_617 = tpu.memref_squeeze %dma_wait3A_616 : memref<1x64x128xf32, #tpu.memory_space<hbm>> -> memref<64x128xf32, #tpu.memory_space<hbm>>
    %dma_wait3A_618 = arith.constant 0 : i32
    %dma_wait3A_619 = tpu.memref_slice %arg6[%arg0, %add3A_511, %dma_wait3A_618] : memref<2x10000x128xf32, #tpu.memory_space<hbm>> -> memref<1x64x128xf32, #tpu.memory_space<hbm>>
    %dma_wait3A_620 = tpu.memref_squeeze %dma_wait3A_619 : memref<1x64x128xf32, #tpu.memory_space<hbm>> -> memref<64x128xf32, #tpu.memory_space<hbm>>
    %dma_wait3A_621 = arith.constant 0 : i32
    %dma_wait3A_622 = arith.constant 0 : i32
    %dma_wait3A_623 = tpu.memref_slice %arg8[%dma_wait3A_621, %dma_wait3A_622] : memref<64x128xf32, #tpu.memory_space<vmem>> -> memref<64x128xf32, #tpu.memory_space<vmem>>
    tpu.wait_dma2 semaphore(%arg11 : memref<!tpu.dma_semaphore, #tpu.memory_space<semaphore_mem>>) src(%dma_wait3A_623 : memref<64x128xf32, #tpu.memory_space<vmem>>) dst(%dma_wait3A_620 : memref<64x128xf32, #tpu.memory_space<hbm>>)
    "tpu.region"() ({
      %run_scoped3A = tpu.sem_alloc : memref<!tpu.dma_semaphore, #tpu.memory_space<semaphore_mem>>
      %dma_start3A_785 = arith.constant 0 : i32
      %dma_start3A_786 = arith.constant 0 : i32
      %dma_start3A_787 = tpu.memref_slice %arg8[%dma_start3A_785, %dma_start3A_786] : memref<64x128xf32, #tpu.memory_space<vmem>> -> memref<64x128xf32, #tpu.memory_space<vmem>>
      %dma_start3A_788 = arith.constant 0 : i32
      %dma_start3A_789 = tpu.memref_slice %arg10[%add3A_519, %dma_start3A_788] : memref<10000x128xf32, #tpu.memory_space<vmem_shared>> -> memref<64x128xf32, #tpu.memory_space<vmem_shared>>
      %dma_start3A_790 = arith.constant 0 : i32
      %dma_start3A_791 = arith.constant 0 : i32
      %dma_start3A_792 = tpu.memref_slice %arg8[%dma_start3A_790, %dma_start3A_791] : memref<64x128xf32, #tpu.memory_space<vmem>> -> memref<64x128xf32, #tpu.memory_space<vmem>>
      %dma_start3A_793 = arith.constant 0 : i32
      %dma_start3A_794 = tpu.memref_slice %arg10[%add3A_519, %dma_start3A_793] : memref<10000x128xf32, #tpu.memory_space<vmem_shared>> -> memref<64x128xf32, #tpu.memory_space<vmem_shared>>
      tpu.enqueue_dma source(%dma_start3A_794 : memref<64x128xf32, #tpu.memory_space<vmem_shared>>) target(%dma_start3A_792 : memref<64x128xf32, #tpu.memory_space<vmem>>) target_semaphore(%run_scoped3A : memref<!tpu.dma_semaphore, #tpu.memory_space<semaphore_mem>>)
      %dma_wait3A_795 = arith.constant 0 : i32
      %dma_wait3A_796 = arith.constant 0 : i32
      %dma_wait3A_797 = tpu.memref_slice %arg8[%dma_wait3A_795, %dma_wait3A_796] : memref<64x128xf32, #tpu.memory_space<vmem>> -> memref<64x128xf32, #tpu.memory_space<vmem>>
      %dma_wait3A_798 = arith.constant 0 : i32
      %dma_wait3A_799 = tpu.memref_slice %arg10[%add3A_519, %dma_wait3A_798] : memref<10000x128xf32, #tpu.memory_space<vmem_shared>> -> memref<64x128xf32, #tpu.memory_space<vmem_shared>>
      %dma_wait3A_800 = arith.constant 0 : i32
      %dma_wait3A_801 = arith.constant 0 : i32
      %dma_wait3A_802 = tpu.memref_slice %arg8[%dma_wait3A_800, %dma_wait3A_801] : memref<64x128xf32, #tpu.memory_space<vmem>> -> memref<64x128xf32, #tpu.memory_space<vmem>>
      %dma_wait3A_803 = arith.constant 0 : i32
      %dma_wait3A_804 = tpu.memref_slice %arg10[%add3A_519, %dma_wait3A_803] : memref<10000x128xf32, #tpu.memory_space<vmem_shared>> -> memref<64x128xf32, #tpu.memory_space<vmem_shared>>
      tpu.wait_dma2 semaphore(%run_scoped3A : memref<!tpu.dma_semaphore, #tpu.memory_space<semaphore_mem>>) src(%dma_wait3A_804 : memref<64x128xf32, #tpu.memory_space<vmem_shared>>) dst(%dma_wait3A_802 : memref<64x128xf32, #tpu.memory_space<vmem>>)
      tpu.yield
    }) : () -> ()
    %dma_start3A_624 = arith.constant 0 : i32
    %dma_start3A_625 = arith.constant 0 : i32
    %dma_start3A_626 = tpu.memref_slice %arg8[%dma_start3A_624, %dma_start3A_625] : memref<64x128xf32, #tpu.memory_space<vmem>> -> memref<64x128xf32, #tpu.memory_space<vmem>>
    %dma_start3A_627 = arith.constant 0 : i32
    %dma_start3A_628 = tpu.memref_slice %arg6[%arg0, %add3A_519, %dma_start3A_627] : memref<2x10000x128xf32, #tpu.memory_space<hbm>> -> memref<1x64x128xf32, #tpu.memory_space<hbm>>
    %dma_start3A_629 = tpu.memref_squeeze %dma_start3A_628 : memref<1x64x128xf32, #tpu.memory_space<hbm>> -> memref<64x128xf32, #tpu.memory_space<hbm>>
    %dma_start3A_630 = arith.constant 0 : i32
    %dma_start3A_631 = tpu.memref_slice %arg6[%arg0, %add3A_519, %dma_start3A_630] : memref<2x10000x128xf32, #tpu.memory_space<hbm>> -> memref<1x64x128xf32, #tpu.memory_space<hbm>>
    %dma_start3A_632 = tpu.memref_squeeze %dma_start3A_631 : memref<1x64x128xf32, #tpu.memory_space<hbm>> -> memref<64x128xf32, #tpu.memory_space<hbm>>
    %dma_start3A_633 = arith.constant 0 : i32
    %dma_start3A_634 = arith.constant 0 : i32
    %dma_start3A_635 = tpu.memref_slice %arg8[%dma_start3A_633, %dma_start3A_634] : memref<64x128xf32, #tpu.memory_space<vmem>> -> memref<64x128xf32, #tpu.memory_space<vmem>>
    tpu.enqueue_dma source(%dma_start3A_635 : memref<64x128xf32, #tpu.memory_space<vmem>>) target(%dma_start3A_632 : memref<64x128xf32, #tpu.memory_space<hbm>>) target_semaphore(%arg11 : memref<!tpu.dma_semaphore, #tpu.memory_space<semaphore_mem>>)
    %dma_wait3A_636 = arith.constant 0 : i32
    %dma_wait3A_637 = arith.constant 0 : i32
    %dma_wait3A_638 = tpu.memref_slice %arg9[%dma_wait3A_636, %dma_wait3A_637] : memref<64x128xf32, #tpu.memory_space<vmem>> -> memref<64x128xf32, #tpu.memory_space<vmem>>
    %dma_wait3A_639 = arith.constant 0 : i32
    %dma_wait3A_640 = tpu.memref_slice %arg6[%arg0, %add3A_515, %dma_wait3A_639] : memref<2x10000x128xf32, #tpu.memory_space<hbm>> -> memref<1x64x128xf32, #tpu.memory_space<hbm>>
    %dma_wait3A_641 = tpu.memref_squeeze %dma_wait3A_640 : memref<1x64x128xf32, #tpu.memory_space<hbm>> -> memref<64x128xf32, #tpu.memory_space<hbm>>
    %dma_wait3A_642 = arith.constant 0 : i32
    %dma_wait3A_643 = tpu.memref_slice %arg6[%arg0, %add3A_515, %dma_wait3A_642] : memref<2x10000x128xf32, #tpu.memory_space<hbm>> -> memref<1x64x128xf32, #tpu.memory_space<hbm>>
    %dma_wait3A_644 = tpu.memref_squeeze %dma_wait3A_643 : memref<1x64x128xf32, #tpu.memory_space<hbm>> -> memref<64x128xf32, #tpu.memory_space<hbm>>
    %dma_wait3A_645 = arith.constant 0 : i32
    %dma_wait3A_646 = arith.constant 0 : i32
    %dma_wait3A_647 = tpu.memref_slice %arg9[%dma_wait3A_645, %dma_wait3A_646] : memref<64x128xf32, #tpu.memory_space<vmem>> -> memref<64x128xf32, #tpu.memory_space<vmem>>
    tpu.wait_dma2 semaphore(%arg12 : memref<!tpu.dma_semaphore, #tpu.memory_space<semaphore_mem>>) src(%dma_wait3A_647 : memref<64x128xf32, #tpu.memory_space<vmem>>) dst(%dma_wait3A_644 : memref<64x128xf32, #tpu.memory_space<hbm>>)
    "tpu.region"() ({
      %run_scoped3A = tpu.sem_alloc : memref<!tpu.dma_semaphore, #tpu.memory_space<semaphore_mem>>
      %dma_start3A_785 = arith.constant 0 : i32
      %dma_start3A_786 = arith.constant 0 : i32
      %dma_start3A_787 = tpu.memref_slice %arg9[%dma_start3A_785, %dma_start3A_786] : memref<64x128xf32, #tpu.memory_space<vmem>> -> memref<64x128xf32, #tpu.memory_space<vmem>>
      %dma_start3A_788 = arith.constant 0 : i32
      %dma_start3A_789 = tpu.memref_slice %arg10[%add3A_523, %dma_start3A_788] : memref<10000x128xf32, #tpu.memory_space<vmem_shared>> -> memref<64x128xf32, #tpu.memory_space<vmem_shared>>
      %dma_start3A_790 = arith.constant 0 : i32
      %dma_start3A_791 = arith.constant 0 : i32
      %dma_start3A_792 = tpu.memref_slice %arg9[%dma_start3A_790, %dma_start3A_791] : memref<64x128xf32, #tpu.memory_space<vmem>> -> memref<64x128xf32, #tpu.memory_space<vmem>>
      %dma_start3A_793 = arith.constant 0 : i32
      %dma_start3A_794 = tpu.memref_slice %arg10[%add3A_523, %dma_start3A_793] : memref<10000x128xf32, #tpu.memory_space<vmem_shared>> -> memref<64x128xf32, #tpu.memory_space<vmem_shared>>
      tpu.enqueue_dma source(%dma_start3A_794 : memref<64x128xf32, #tpu.memory_space<vmem_shared>>) target(%dma_start3A_792 : memref<64x128xf32, #tpu.memory_space<vmem>>) target_semaphore(%run_scoped3A : memref<!tpu.dma_semaphore, #tpu.memory_space<semaphore_mem>>)
      %dma_wait3A_795 = arith.constant 0 : i32
      %dma_wait3A_796 = arith.constant 0 : i32
      %dma_wait3A_797 = tpu.memref_slice %arg9[%dma_wait3A_795, %dma_wait3A_796] : memref<64x128xf32, #tpu.memory_space<vmem>> -> memref<64x128xf32, #tpu.memory_space<vmem>>
      %dma_wait3A_798 = arith.constant 0 : i32
      %dma_wait3A_799 = tpu.memref_slice %arg10[%add3A_523, %dma_wait3A_798] : memref<10000x128xf32, #tpu.memory_space<vmem_shared>> -> memref<64x128xf32, #tpu.memory_space<vmem_shared>>
      %dma_wait3A_800 = arith.constant 0 : i32
      %dma_wait3A_801 = arith.constant 0 : i32
      %dma_wait3A_802 = tpu.memref_slice %arg9[%dma_wait3A_800, %dma_wait3A_801] : memref<64x128xf32, #tpu.memory_space<vmem>> -> memref<64x128xf32, #tpu.memory_space<vmem>>
      %dma_wait3A_803 = arith.constant 0 : i32
      %dma_wait3A_804 = tpu.memref_slice %arg10[%add3A_523, %dma_wait3A_803] : memref<10000x128xf32, #tpu.memory_space<vmem_shared>> -> memref<64x128xf32, #tpu.memory_space<vmem_shared>>
      tpu.wait_dma2 semaphore(%run_scoped3A : memref<!tpu.dma_semaphore, #tpu.memory_space<semaphore_mem>>) src(%dma_wait3A_804 : memref<64x128xf32, #tpu.memory_space<vmem_shared>>) dst(%dma_wait3A_802 : memref<64x128xf32, #tpu.memory_space<vmem>>)
      tpu.yield
    }) : () -> ()
    %dma_start3A_648 = arith.constant 0 : i32
    %dma_start3A_649 = arith.constant 0 : i32
    %dma_start3A_650 = tpu.memref_slice %arg9[%dma_start3A_648, %dma_start3A_649] : memref<64x128xf32, #tpu.memory_space<vmem>> -> memref<64x128xf32, #tpu.memory_space<vmem>>
    %dma_start3A_651 = arith.constant 0 : i32
    %dma_start3A_652 = tpu.memref_slice %arg6[%arg0, %add3A_523, %dma_start3A_651] : memref<2x10000x128xf32, #tpu.memory_space<hbm>> -> memref<1x64x128xf32, #tpu.memory_space<hbm>>
    %dma_start3A_653 = tpu.memref_squeeze %dma_start3A_652 : memref<1x64x128xf32, #tpu.memory_space<hbm>> -> memref<64x128xf32, #tpu.memory_space<hbm>>
    %dma_start3A_654 = arith.constant 0 : i32
    %dma_start3A_655 = tpu.memref_slice %arg6[%arg0, %add3A_523, %dma_start3A_654] : memref<2x10000x128xf32, #tpu.memory_space<hbm>> -> memref<1x64x128xf32, #tpu.memory_space<hbm>>
    %dma_start3A_656 = tpu.memref_squeeze %dma_start3A_655 : memref<1x64x128xf32, #tpu.memory_space<hbm>> -> memref<64x128xf32, #tpu.memory_space<hbm>>
    %dma_start3A_657 = arith.constant 0 : i32
    %dma_start3A_658 = arith.constant 0 : i32
    %dma_start3A_659 = tpu.memref_slice %arg9[%dma_start3A_657, %dma_start3A_658] : memref<64x128xf32, #tpu.memory_space<vmem>> -> memref<64x128xf32, #tpu.memory_space<vmem>>
    tpu.enqueue_dma source(%dma_start3A_659 : memref<64x128xf32, #tpu.memory_space<vmem>>) target(%dma_start3A_656 : memref<64x128xf32, #tpu.memory_space<hbm>>) target_semaphore(%arg12 : memref<!tpu.dma_semaphore, #tpu.memory_space<semaphore_mem>>)
    %dma_wait3A_660 = arith.constant 0 : i32
    %dma_wait3A_661 = arith.constant 0 : i32
    %dma_wait3A_662 = tpu.memref_slice %arg8[%dma_wait3A_660, %dma_wait3A_661] : memref<64x128xf32, #tpu.memory_space<vmem>> -> memref<64x128xf32, #tpu.memory_space<vmem>>
    %dma_wait3A_663 = arith.constant 0 : i32
    %dma_wait3A_664 = tpu.memref_slice %arg6[%arg0, %add3A_519, %dma_wait3A_663] : memref<2x10000x128xf32, #tpu.memory_space<hbm>> -> memref<1x64x128xf32, #tpu.memory_space<hbm>>
    %dma_wait3A_665 = tpu.memref_squeeze %dma_wait3A_664 : memref<1x64x128xf32, #tpu.memory_space<hbm>> -> memref<64x128xf32, #tpu.memory_space<hbm>>
    %dma_wait3A_666 = arith.constant 0 : i32
    %dma_wait3A_667 = tpu.memref_slice %arg6[%arg0, %add3A_519, %dma_wait3A_666] : memref<2x10000x128xf32, #tpu.memory_space<hbm>> -> memref<1x64x128xf32, #tpu.memory_space<hbm>>
    %dma_wait3A_668 = tpu.memref_squeeze %dma_wait3A_667 : memref<1x64x128xf32, #tpu.memory_space<hbm>> -> memref<64x128xf32, #tpu.memory_space<hbm>>
    %dma_wait3A_669 = arith.constant 0 : i32
    %dma_wait3A_670 = arith.constant 0 : i32
    %dma_wait3A_671 = tpu.memref_slice %arg8[%dma_wait3A_669, %dma_wait3A_670] : memref<64x128xf32, #tpu.memory_space<vmem>> -> memref<64x128xf32, #tpu.memory_space<vmem>>
    tpu.wait_dma2 semaphore(%arg11 : memref<!tpu.dma_semaphore, #tpu.memory_space<semaphore_mem>>) src(%dma_wait3A_671 : memref<64x128xf32, #tpu.memory_space<vmem>>) dst(%dma_wait3A_668 : memref<64x128xf32, #tpu.memory_space<hbm>>)
    "tpu.region"() ({
      %run_scoped3A = tpu.sem_alloc : memref<!tpu.dma_semaphore, #tpu.memory_space<semaphore_mem>>
      %dma_start3A_785 = arith.constant 0 : i32
      %dma_start3A_786 = arith.constant 0 : i32
      %dma_start3A_787 = tpu.memref_slice %arg8[%dma_start3A_785, %dma_start3A_786] : memref<64x128xf32, #tpu.memory_space<vmem>> -> memref<64x128xf32, #tpu.memory_space<vmem>>
      %dma_start3A_788 = arith.constant 0 : i32
      %dma_start3A_789 = tpu.memref_slice %arg10[%add3A_527, %dma_start3A_788] : memref<10000x128xf32, #tpu.memory_space<vmem_shared>> -> memref<64x128xf32, #tpu.memory_space<vmem_shared>>
      %dma_start3A_790 = arith.constant 0 : i32
      %dma_start3A_791 = arith.constant 0 : i32
      %dma_start3A_792 = tpu.memref_slice %arg8[%dma_start3A_790, %dma_start3A_791] : memref<64x128xf32, #tpu.memory_space<vmem>> -> memref<64x128xf32, #tpu.memory_space<vmem>>
      %dma_start3A_793 = arith.constant 0 : i32
      %dma_start3A_794 = tpu.memref_slice %arg10[%add3A_527, %dma_start3A_793] : memref<10000x128xf32, #tpu.memory_space<vmem_shared>> -> memref<64x128xf32, #tpu.memory_space<vmem_shared>>
      tpu.enqueue_dma source(%dma_start3A_794 : memref<64x128xf32, #tpu.memory_space<vmem_shared>>) target(%dma_start3A_792 : memref<64x128xf32, #tpu.memory_space<vmem>>) target_semaphore(%run_scoped3A : memref<!tpu.dma_semaphore, #tpu.memory_space<semaphore_mem>>)
      %dma_wait3A_795 = arith.constant 0 : i32
      %dma_wait3A_796 = arith.constant 0 : i32
      %dma_wait3A_797 = tpu.memref_slice %arg8[%dma_wait3A_795, %dma_wait3A_796] : memref<64x128xf32, #tpu.memory_space<vmem>> -> memref<64x128xf32, #tpu.memory_space<vmem>>
      %dma_wait3A_798 = arith.constant 0 : i32
      %dma_wait3A_799 = tpu.memref_slice %arg10[%add3A_527, %dma_wait3A_798] : memref<10000x128xf32, #tpu.memory_space<vmem_shared>> -> memref<64x128xf32, #tpu.memory_space<vmem_shared>>
      %dma_wait3A_800 = arith.constant 0 : i32
      %dma_wait3A_801 = arith.constant 0 : i32
      %dma_wait3A_802 = tpu.memref_slice %arg8[%dma_wait3A_800, %dma_wait3A_801] : memref<64x128xf32, #tpu.memory_space<vmem>> -> memref<64x128xf32, #tpu.memory_space<vmem>>
      %dma_wait3A_803 = arith.constant 0 : i32
      %dma_wait3A_804 = tpu.memref_slice %arg10[%add3A_527, %dma_wait3A_803] : memref<10000x128xf32, #tpu.memory_space<vmem_shared>> -> memref<64x128xf32, #tpu.memory_space<vmem_shared>>
      tpu.wait_dma2 semaphore(%run_scoped3A : memref<!tpu.dma_semaphore, #tpu.memory_space<semaphore_mem>>) src(%dma_wait3A_804 : memref<64x128xf32, #tpu.memory_space<vmem_shared>>) dst(%dma_wait3A_802 : memref<64x128xf32, #tpu.memory_space<vmem>>)
      tpu.yield
    }) : () -> ()
    %dma_start3A_672 = arith.constant 0 : i32
    %dma_start3A_673 = arith.constant 0 : i32
    %dma_start3A_674 = tpu.memref_slice %arg8[%dma_start3A_672, %dma_start3A_673] : memref<64x128xf32, #tpu.memory_space<vmem>> -> memref<64x128xf32, #tpu.memory_space<vmem>>
    %dma_start3A_675 = arith.constant 0 : i32
    %dma_start3A_676 = tpu.memref_slice %arg6[%arg0, %add3A_527, %dma_start3A_675] : memref<2x10000x128xf32, #tpu.memory_space<hbm>> -> memref<1x64x128xf32, #tpu.memory_space<hbm>>
    %dma_start3A_677 = tpu.memref_squeeze %dma_start3A_676 : memref<1x64x128xf32, #tpu.memory_space<hbm>> -> memref<64x128xf32, #tpu.memory_space<hbm>>
    %dma_start3A_678 = arith.constant 0 : i32
    %dma_start3A_679 = tpu.memref_slice %arg6[%arg0, %add3A_527, %dma_start3A_678] : memref<2x10000x128xf32, #tpu.memory_space<hbm>> -> memref<1x64x128xf32, #tpu.memory_space<hbm>>
    %dma_start3A_680 = tpu.memref_squeeze %dma_start3A_679 : memref<1x64x128xf32, #tpu.memory_space<hbm>> -> memref<64x128xf32, #tpu.memory_space<hbm>>
    %dma_start3A_681 = arith.constant 0 : i32
    %dma_start3A_682 = arith.constant 0 : i32
    %dma_start3A_683 = tpu.memref_slice %arg8[%dma_start3A_681, %dma_start3A_682] : memref<64x128xf32, #tpu.memory_space<vmem>> -> memref<64x128xf32, #tpu.memory_space<vmem>>
    tpu.enqueue_dma source(%dma_start3A_683 : memref<64x128xf32, #tpu.memory_space<vmem>>) target(%dma_start3A_680 : memref<64x128xf32, #tpu.memory_space<hbm>>) target_semaphore(%arg11 : memref<!tpu.dma_semaphore, #tpu.memory_space<semaphore_mem>>)
    %dma_wait3A_684 = arith.constant 0 : i32
    %dma_wait3A_685 = arith.constant 0 : i32
    %dma_wait3A_686 = tpu.memref_slice %arg9[%dma_wait3A_684, %dma_wait3A_685] : memref<64x128xf32, #tpu.memory_space<vmem>> -> memref<64x128xf32, #tpu.memory_space<vmem>>
    %dma_wait3A_687 = arith.constant 0 : i32
    %dma_wait3A_688 = tpu.memref_slice %arg6[%arg0, %add3A_523, %dma_wait3A_687] : memref<2x10000x128xf32, #tpu.memory_space<hbm>> -> memref<1x64x128xf32, #tpu.memory_space<hbm>>
    %dma_wait3A_689 = tpu.memref_squeeze %dma_wait3A_688 : memref<1x64x128xf32, #tpu.memory_space<hbm>> -> memref<64x128xf32, #tpu.memory_space<hbm>>
    %dma_wait3A_690 = arith.constant 0 : i32
    %dma_wait3A_691 = tpu.memref_slice %arg6[%arg0, %add3A_523, %dma_wait3A_690] : memref<2x10000x128xf32, #tpu.memory_space<hbm>> -> memref<1x64x128xf32, #tpu.memory_space<hbm>>
    %dma_wait3A_692 = tpu.memref_squeeze %dma_wait3A_691 : memref<1x64x128xf32, #tpu.memory_space<hbm>> -> memref<64x128xf32, #tpu.memory_space<hbm>>
    %dma_wait3A_693 = arith.constant 0 : i32
    %dma_wait3A_694 = arith.constant 0 : i32
    %dma_wait3A_695 = tpu.memref_slice %arg9[%dma_wait3A_693, %dma_wait3A_694] : memref<64x128xf32, #tpu.memory_space<vmem>> -> memref<64x128xf32, #tpu.memory_space<vmem>>
    tpu.wait_dma2 semaphore(%arg12 : memref<!tpu.dma_semaphore, #tpu.memory_space<semaphore_mem>>) src(%dma_wait3A_695 : memref<64x128xf32, #tpu.memory_space<vmem>>) dst(%dma_wait3A_692 : memref<64x128xf32, #tpu.memory_space<hbm>>)
    "tpu.region"() ({
      %run_scoped3A = tpu.sem_alloc : memref<!tpu.dma_semaphore, #tpu.memory_space<semaphore_mem>>
      %dma_start3A_785 = arith.constant 0 : i32
      %dma_start3A_786 = arith.constant 0 : i32
      %dma_start3A_787 = tpu.memref_slice %arg9[%dma_start3A_785, %dma_start3A_786] : memref<64x128xf32, #tpu.memory_space<vmem>> -> memref<64x128xf32, #tpu.memory_space<vmem>>
      %dma_start3A_788 = arith.constant 0 : i32
      %dma_start3A_789 = tpu.memref_slice %arg10[%add3A_531, %dma_start3A_788] : memref<10000x128xf32, #tpu.memory_space<vmem_shared>> -> memref<64x128xf32, #tpu.memory_space<vmem_shared>>
      %dma_start3A_790 = arith.constant 0 : i32
      %dma_start3A_791 = arith.constant 0 : i32
      %dma_start3A_792 = tpu.memref_slice %arg9[%dma_start3A_790, %dma_start3A_791] : memref<64x128xf32, #tpu.memory_space<vmem>> -> memref<64x128xf32, #tpu.memory_space<vmem>>
      %dma_start3A_793 = arith.constant 0 : i32
      %dma_start3A_794 = tpu.memref_slice %arg10[%add3A_531, %dma_start3A_793] : memref<10000x128xf32, #tpu.memory_space<vmem_shared>> -> memref<64x128xf32, #tpu.memory_space<vmem_shared>>
      tpu.enqueue_dma source(%dma_start3A_794 : memref<64x128xf32, #tpu.memory_space<vmem_shared>>) target(%dma_start3A_792 : memref<64x128xf32, #tpu.memory_space<vmem>>) target_semaphore(%run_scoped3A : memref<!tpu.dma_semaphore, #tpu.memory_space<semaphore_mem>>)
      %dma_wait3A_795 = arith.constant 0 : i32
      %dma_wait3A_796 = arith.constant 0 : i32
      %dma_wait3A_797 = tpu.memref_slice %arg9[%dma_wait3A_795, %dma_wait3A_796] : memref<64x128xf32, #tpu.memory_space<vmem>> -> memref<64x128xf32, #tpu.memory_space<vmem>>
      %dma_wait3A_798 = arith.constant 0 : i32
      %dma_wait3A_799 = tpu.memref_slice %arg10[%add3A_531, %dma_wait3A_798] : memref<10000x128xf32, #tpu.memory_space<vmem_shared>> -> memref<64x128xf32, #tpu.memory_space<vmem_shared>>
      %dma_wait3A_800 = arith.constant 0 : i32
      %dma_wait3A_801 = arith.constant 0 : i32
      %dma_wait3A_802 = tpu.memref_slice %arg9[%dma_wait3A_800, %dma_wait3A_801] : memref<64x128xf32, #tpu.memory_space<vmem>> -> memref<64x128xf32, #tpu.memory_space<vmem>>
      %dma_wait3A_803 = arith.constant 0 : i32
      %dma_wait3A_804 = tpu.memref_slice %arg10[%add3A_531, %dma_wait3A_803] : memref<10000x128xf32, #tpu.memory_space<vmem_shared>> -> memref<64x128xf32, #tpu.memory_space<vmem_shared>>
      tpu.wait_dma2 semaphore(%run_scoped3A : memref<!tpu.dma_semaphore, #tpu.memory_space<semaphore_mem>>) src(%dma_wait3A_804 : memref<64x128xf32, #tpu.memory_space<vmem_shared>>) dst(%dma_wait3A_802 : memref<64x128xf32, #tpu.memory_space<vmem>>)
      tpu.yield
    }) : () -> ()
    %dma_start3A_696 = arith.constant 0 : i32
    %dma_start3A_697 = arith.constant 0 : i32
    %dma_start3A_698 = tpu.memref_slice %arg9[%dma_start3A_696, %dma_start3A_697] : memref<64x128xf32, #tpu.memory_space<vmem>> -> memref<64x128xf32, #tpu.memory_space<vmem>>
    %dma_start3A_699 = arith.constant 0 : i32
    %dma_start3A_700 = tpu.memref_slice %arg6[%arg0, %add3A_531, %dma_start3A_699] : memref<2x10000x128xf32, #tpu.memory_space<hbm>> -> memref<1x64x128xf32, #tpu.memory_space<hbm>>
    %dma_start3A_701 = tpu.memref_squeeze %dma_start3A_700 : memref<1x64x128xf32, #tpu.memory_space<hbm>> -> memref<64x128xf32, #tpu.memory_space<hbm>>
    %dma_start3A_702 = arith.constant 0 : i32
    %dma_start3A_703 = tpu.memref_slice %arg6[%arg0, %add3A_531, %dma_start3A_702] : memref<2x10000x128xf32, #tpu.memory_space<hbm>> -> memref<1x64x128xf32, #tpu.memory_space<hbm>>
    %dma_start3A_704 = tpu.memref_squeeze %dma_start3A_703 : memref<1x64x128xf32, #tpu.memory_space<hbm>> -> memref<64x128xf32, #tpu.memory_space<hbm>>
    %dma_start3A_705 = arith.constant 0 : i32
    %dma_start3A_706 = arith.constant 0 : i32
    %dma_start3A_707 = tpu.memref_slice %arg9[%dma_start3A_705, %dma_start3A_706] : memref<64x128xf32, #tpu.memory_space<vmem>> -> memref<64x128xf32, #tpu.memory_space<vmem>>
    tpu.enqueue_dma source(%dma_start3A_707 : memref<64x128xf32, #tpu.memory_space<vmem>>) target(%dma_start3A_704 : memref<64x128xf32, #tpu.memory_space<hbm>>) target_semaphore(%arg12 : memref<!tpu.dma_semaphore, #tpu.memory_space<semaphore_mem>>)
    %dma_wait3A_708 = arith.constant 0 : i32
    %dma_wait3A_709 = arith.constant 0 : i32
    %dma_wait3A_710 = tpu.memref_slice %arg8[%dma_wait3A_708, %dma_wait3A_709] : memref<64x128xf32, #tpu.memory_space<vmem>> -> memref<64x128xf32, #tpu.memory_space<vmem>>
    %dma_wait3A_711 = arith.constant 0 : i32
    %dma_wait3A_712 = tpu.memref_slice %arg6[%arg0, %add3A_527, %dma_wait3A_711] : memref<2x10000x128xf32, #tpu.memory_space<hbm>> -> memref<1x64x128xf32, #tpu.memory_space<hbm>>
    %dma_wait3A_713 = tpu.memref_squeeze %dma_wait3A_712 : memref<1x64x128xf32, #tpu.memory_space<hbm>> -> memref<64x128xf32, #tpu.memory_space<hbm>>
    %dma_wait3A_714 = arith.constant 0 : i32
    %dma_wait3A_715 = tpu.memref_slice %arg6[%arg0, %add3A_527, %dma_wait3A_714] : memref<2x10000x128xf32, #tpu.memory_space<hbm>> -> memref<1x64x128xf32, #tpu.memory_space<hbm>>
    %dma_wait3A_716 = tpu.memref_squeeze %dma_wait3A_715 : memref<1x64x128xf32, #tpu.memory_space<hbm>> -> memref<64x128xf32, #tpu.memory_space<hbm>>
    %dma_wait3A_717 = arith.constant 0 : i32
    %dma_wait3A_718 = arith.constant 0 : i32
    %dma_wait3A_719 = tpu.memref_slice %arg8[%dma_wait3A_717, %dma_wait3A_718] : memref<64x128xf32, #tpu.memory_space<vmem>> -> memref<64x128xf32, #tpu.memory_space<vmem>>
    tpu.wait_dma2 semaphore(%arg11 : memref<!tpu.dma_semaphore, #tpu.memory_space<semaphore_mem>>) src(%dma_wait3A_719 : memref<64x128xf32, #tpu.memory_space<vmem>>) dst(%dma_wait3A_716 : memref<64x128xf32, #tpu.memory_space<hbm>>)
    "tpu.region"() ({
      %run_scoped3A = tpu.sem_alloc : memref<!tpu.dma_semaphore, #tpu.memory_space<semaphore_mem>>
      %dma_start3A_785 = arith.constant 0 : i32
      %dma_start3A_786 = arith.constant 0 : i32
      %dma_start3A_787 = tpu.memref_slice %arg8[%dma_start3A_785, %dma_start3A_786] : memref<64x128xf32, #tpu.memory_space<vmem>> -> memref<64x128xf32, #tpu.memory_space<vmem>>
      %dma_start3A_788 = arith.constant 0 : i32
      %dma_start3A_789 = tpu.memref_slice %arg10[%add3A_535, %dma_start3A_788] : memref<10000x128xf32, #tpu.memory_space<vmem_shared>> -> memref<64x128xf32, #tpu.memory_space<vmem_shared>>
      %dma_start3A_790 = arith.constant 0 : i32
      %dma_start3A_791 = arith.constant 0 : i32
      %dma_start3A_792 = tpu.memref_slice %arg8[%dma_start3A_790, %dma_start3A_791] : memref<64x128xf32, #tpu.memory_space<vmem>> -> memref<64x128xf32, #tpu.memory_space<vmem>>
      %dma_start3A_793 = arith.constant 0 : i32
      %dma_start3A_794 = tpu.memref_slice %arg10[%add3A_535, %dma_start3A_793] : memref<10000x128xf32, #tpu.memory_space<vmem_shared>> -> memref<64x128xf32, #tpu.memory_space<vmem_shared>>
      tpu.enqueue_dma source(%dma_start3A_794 : memref<64x128xf32, #tpu.memory_space<vmem_shared>>) target(%dma_start3A_792 : memref<64x128xf32, #tpu.memory_space<vmem>>) target_semaphore(%run_scoped3A : memref<!tpu.dma_semaphore, #tpu.memory_space<semaphore_mem>>)
      %dma_wait3A_795 = arith.constant 0 : i32
      %dma_wait3A_796 = arith.constant 0 : i32
      %dma_wait3A_797 = tpu.memref_slice %arg8[%dma_wait3A_795, %dma_wait3A_796] : memref<64x128xf32, #tpu.memory_space<vmem>> -> memref<64x128xf32, #tpu.memory_space<vmem>>
      %dma_wait3A_798 = arith.constant 0 : i32
      %dma_wait3A_799 = tpu.memref_slice %arg10[%add3A_535, %dma_wait3A_798] : memref<10000x128xf32, #tpu.memory_space<vmem_shared>> -> memref<64x128xf32, #tpu.memory_space<vmem_shared>>
      %dma_wait3A_800 = arith.constant 0 : i32
      %dma_wait3A_801 = arith.constant 0 : i32
      %dma_wait3A_802 = tpu.memref_slice %arg8[%dma_wait3A_800, %dma_wait3A_801] : memref<64x128xf32, #tpu.memory_space<vmem>> -> memref<64x128xf32, #tpu.memory_space<vmem>>
      %dma_wait3A_803 = arith.constant 0 : i32
      %dma_wait3A_804 = tpu.memref_slice %arg10[%add3A_535, %dma_wait3A_803] : memref<10000x128xf32, #tpu.memory_space<vmem_shared>> -> memref<64x128xf32, #tpu.memory_space<vmem_shared>>
      tpu.wait_dma2 semaphore(%run_scoped3A : memref<!tpu.dma_semaphore, #tpu.memory_space<semaphore_mem>>) src(%dma_wait3A_804 : memref<64x128xf32, #tpu.memory_space<vmem_shared>>) dst(%dma_wait3A_802 : memref<64x128xf32, #tpu.memory_space<vmem>>)
      tpu.yield
    }) : () -> ()
    %dma_start3A_720 = arith.constant 0 : i32
    %dma_start3A_721 = arith.constant 0 : i32
    %dma_start3A_722 = tpu.memref_slice %arg8[%dma_start3A_720, %dma_start3A_721] : memref<64x128xf32, #tpu.memory_space<vmem>> -> memref<64x128xf32, #tpu.memory_space<vmem>>
    %dma_start3A_723 = arith.constant 0 : i32
    %dma_start3A_724 = tpu.memref_slice %arg6[%arg0, %add3A_535, %dma_start3A_723] : memref<2x10000x128xf32, #tpu.memory_space<hbm>> -> memref<1x64x128xf32, #tpu.memory_space<hbm>>
    %dma_start3A_725 = tpu.memref_squeeze %dma_start3A_724 : memref<1x64x128xf32, #tpu.memory_space<hbm>> -> memref<64x128xf32, #tpu.memory_space<hbm>>
    %dma_start3A_726 = arith.constant 0 : i32
    %dma_start3A_727 = tpu.memref_slice %arg6[%arg0, %add3A_535, %dma_start3A_726] : memref<2x10000x128xf32, #tpu.memory_space<hbm>> -> memref<1x64x128xf32, #tpu.memory_space<hbm>>
    %dma_start3A_728 = tpu.memref_squeeze %dma_start3A_727 : memref<1x64x128xf32, #tpu.memory_space<hbm>> -> memref<64x128xf32, #tpu.memory_space<hbm>>
    %dma_start3A_729 = arith.constant 0 : i32
    %dma_start3A_730 = arith.constant 0 : i32
    %dma_start3A_731 = tpu.memref_slice %arg8[%dma_start3A_729, %dma_start3A_730] : memref<64x128xf32, #tpu.memory_space<vmem>> -> memref<64x128xf32, #tpu.memory_space<vmem>>
    tpu.enqueue_dma source(%dma_start3A_731 : memref<64x128xf32, #tpu.memory_space<vmem>>) target(%dma_start3A_728 : memref<64x128xf32, #tpu.memory_space<hbm>>) target_semaphore(%arg11 : memref<!tpu.dma_semaphore, #tpu.memory_space<semaphore_mem>>)
    %dma_wait3A_732 = arith.constant 0 : i32
    %dma_wait3A_733 = arith.constant 0 : i32
    %dma_wait3A_734 = tpu.memref_slice %arg9[%dma_wait3A_732, %dma_wait3A_733] : memref<64x128xf32, #tpu.memory_space<vmem>> -> memref<64x128xf32, #tpu.memory_space<vmem>>
    %dma_wait3A_735 = arith.constant 0 : i32
    %dma_wait3A_736 = tpu.memref_slice %arg6[%arg0, %add3A_531, %dma_wait3A_735] : memref<2x10000x128xf32, #tpu.memory_space<hbm>> -> memref<1x64x128xf32, #tpu.memory_space<hbm>>
    %dma_wait3A_737 = tpu.memref_squeeze %dma_wait3A_736 : memref<1x64x128xf32, #tpu.memory_space<hbm>> -> memref<64x128xf32, #tpu.memory_space<hbm>>
    %dma_wait3A_738 = arith.constant 0 : i32
    %dma_wait3A_739 = tpu.memref_slice %arg6[%arg0, %add3A_531, %dma_wait3A_738] : memref<2x10000x128xf32, #tpu.memory_space<hbm>> -> memref<1x64x128xf32, #tpu.memory_space<hbm>>
    %dma_wait3A_740 = tpu.memref_squeeze %dma_wait3A_739 : memref<1x64x128xf32, #tpu.memory_space<hbm>> -> memref<64x128xf32, #tpu.memory_space<hbm>>
    %dma_wait3A_741 = arith.constant 0 : i32
    %dma_wait3A_742 = arith.constant 0 : i32
    %dma_wait3A_743 = tpu.memref_slice %arg9[%dma_wait3A_741, %dma_wait3A_742] : memref<64x128xf32, #tpu.memory_space<vmem>> -> memref<64x128xf32, #tpu.memory_space<vmem>>
    tpu.wait_dma2 semaphore(%arg12 : memref<!tpu.dma_semaphore, #tpu.memory_space<semaphore_mem>>) src(%dma_wait3A_743 : memref<64x128xf32, #tpu.memory_space<vmem>>) dst(%dma_wait3A_740 : memref<64x128xf32, #tpu.memory_space<hbm>>)
    "tpu.region"() ({
      %run_scoped3A = tpu.sem_alloc : memref<!tpu.dma_semaphore, #tpu.memory_space<semaphore_mem>>
      %dma_start3A_785 = arith.constant 0 : i32
      %dma_start3A_786 = arith.constant 0 : i32
      %dma_start3A_787 = tpu.memref_slice %arg9[%dma_start3A_785, %dma_start3A_786] : memref<64x128xf32, #tpu.memory_space<vmem>> -> memref<48x128xf32, #tpu.memory_space<vmem>>
      %dma_start3A_788 = arith.constant 0 : i32
      %dma_start3A_789 = tpu.memref_slice %arg10[%add3A_539, %dma_start3A_788] : memref<10000x128xf32, #tpu.memory_space<vmem_shared>> -> memref<48x128xf32, #tpu.memory_space<vmem_shared>>
      %dma_start3A_790 = arith.constant 0 : i32
      %dma_start3A_791 = arith.constant 0 : i32
      %dma_start3A_792 = tpu.memref_slice %arg9[%dma_start3A_790, %dma_start3A_791] : memref<64x128xf32, #tpu.memory_space<vmem>> -> memref<48x128xf32, #tpu.memory_space<vmem>>
      %dma_start3A_793 = arith.constant 0 : i32
      %dma_start3A_794 = tpu.memref_slice %arg10[%add3A_539, %dma_start3A_793] : memref<10000x128xf32, #tpu.memory_space<vmem_shared>> -> memref<48x128xf32, #tpu.memory_space<vmem_shared>>
      tpu.enqueue_dma source(%dma_start3A_794 : memref<48x128xf32, #tpu.memory_space<vmem_shared>>) target(%dma_start3A_792 : memref<48x128xf32, #tpu.memory_space<vmem>>) target_semaphore(%run_scoped3A : memref<!tpu.dma_semaphore, #tpu.memory_space<semaphore_mem>>)
      %dma_wait3A_795 = arith.constant 0 : i32
      %dma_wait3A_796 = arith.constant 0 : i32
      %dma_wait3A_797 = tpu.memref_slice %arg9[%dma_wait3A_795, %dma_wait3A_796] : memref<64x128xf32, #tpu.memory_space<vmem>> -> memref<48x128xf32, #tpu.memory_space<vmem>>
      %dma_wait3A_798 = arith.constant 0 : i32
      %dma_wait3A_799 = tpu.memref_slice %arg10[%add3A_539, %dma_wait3A_798] : memref<10000x128xf32, #tpu.memory_space<vmem_shared>> -> memref<48x128xf32, #tpu.memory_space<vmem_shared>>
      %dma_wait3A_800 = arith.constant 0 : i32
      %dma_wait3A_801 = arith.constant 0 : i32
      %dma_wait3A_802 = tpu.memref_slice %arg9[%dma_wait3A_800, %dma_wait3A_801] : memref<64x128xf32, #tpu.memory_space<vmem>> -> memref<48x128xf32, #tpu.memory_space<vmem>>
      %dma_wait3A_803 = arith.constant 0 : i32
      %dma_wait3A_804 = tpu.memref_slice %arg10[%add3A_539, %dma_wait3A_803] : memref<10000x128xf32, #tpu.memory_space<vmem_shared>> -> memref<48x128xf32, #tpu.memory_space<vmem_shared>>
      tpu.wait_dma2 semaphore(%run_scoped3A : memref<!tpu.dma_semaphore, #tpu.memory_space<semaphore_mem>>) src(%dma_wait3A_804 : memref<48x128xf32, #tpu.memory_space<vmem_shared>>) dst(%dma_wait3A_802 : memref<48x128xf32, #tpu.memory_space<vmem>>)
      tpu.yield
    }) : () -> ()
    %dma_start3A_744 = arith.constant 0 : i32
    %dma_start3A_745 = arith.constant 0 : i32
    %dma_start3A_746 = tpu.memref_slice %arg9[%dma_start3A_744, %dma_start3A_745] : memref<64x128xf32, #tpu.memory_space<vmem>> -> memref<48x128xf32, #tpu.memory_space<vmem>>
    %dma_start3A_747 = arith.constant 0 : i32
    %dma_start3A_748 = tpu.memref_slice %arg6[%arg0, %add3A_539, %dma_start3A_747] : memref<2x10000x128xf32, #tpu.memory_space<hbm>> -> memref<1x48x128xf32, #tpu.memory_space<hbm>>
    %dma_start3A_749 = tpu.memref_squeeze %dma_start3A_748 : memref<1x48x128xf32, #tpu.memory_space<hbm>> -> memref<48x128xf32, #tpu.memory_space<hbm>>
    %dma_start3A_750 = arith.constant 0 : i32
    %dma_start3A_751 = tpu.memref_slice %arg6[%arg0, %add3A_539, %dma_start3A_750] : memref<2x10000x128xf32, #tpu.memory_space<hbm>> -> memref<1x48x128xf32, #tpu.memory_space<hbm>>
    %dma_start3A_752 = tpu.memref_squeeze %dma_start3A_751 : memref<1x48x128xf32, #tpu.memory_space<hbm>> -> memref<48x128xf32, #tpu.memory_space<hbm>>
    %dma_start3A_753 = arith.constant 0 : i32
    %dma_start3A_754 = arith.constant 0 : i32
    %dma_start3A_755 = tpu.memref_slice %arg9[%dma_start3A_753, %dma_start3A_754] : memref<64x128xf32, #tpu.memory_space<vmem>> -> memref<48x128xf32, #tpu.memory_space<vmem>>
    tpu.enqueue_dma source(%dma_start3A_755 : memref<48x128xf32, #tpu.memory_space<vmem>>) target(%dma_start3A_752 : memref<48x128xf32, #tpu.memory_space<hbm>>) target_semaphore(%arg12 : memref<!tpu.dma_semaphore, #tpu.memory_space<semaphore_mem>>)
    %dma_wait3A_756 = arith.constant 0 : i32
    %dma_wait3A_757 = arith.constant 0 : i32
    %dma_wait3A_758 = tpu.memref_slice %arg8[%dma_wait3A_756, %dma_wait3A_757] : memref<64x128xf32, #tpu.memory_space<vmem>> -> memref<64x128xf32, #tpu.memory_space<vmem>>
    %dma_wait3A_759 = arith.constant 0 : i32
    %dma_wait3A_760 = tpu.memref_slice %arg6[%arg0, %add3A_535, %dma_wait3A_759] : memref<2x10000x128xf32, #tpu.memory_space<hbm>> -> memref<1x64x128xf32, #tpu.memory_space<hbm>>
    %dma_wait3A_761 = tpu.memref_squeeze %dma_wait3A_760 : memref<1x64x128xf32, #tpu.memory_space<hbm>> -> memref<64x128xf32, #tpu.memory_space<hbm>>
    %dma_wait3A_762 = arith.constant 0 : i32
    %dma_wait3A_763 = tpu.memref_slice %arg6[%arg0, %add3A_535, %dma_wait3A_762] : memref<2x10000x128xf32, #tpu.memory_space<hbm>> -> memref<1x64x128xf32, #tpu.memory_space<hbm>>
    %dma_wait3A_764 = tpu.memref_squeeze %dma_wait3A_763 : memref<1x64x128xf32, #tpu.memory_space<hbm>> -> memref<64x128xf32, #tpu.memory_space<hbm>>
    %dma_wait3A_765 = arith.constant 0 : i32
    %dma_wait3A_766 = arith.constant 0 : i32
    %dma_wait3A_767 = tpu.memref_slice %arg8[%dma_wait3A_765, %dma_wait3A_766] : memref<64x128xf32, #tpu.memory_space<vmem>> -> memref<64x128xf32, #tpu.memory_space<vmem>>
    tpu.wait_dma2 semaphore(%arg11 : memref<!tpu.dma_semaphore, #tpu.memory_space<semaphore_mem>>) src(%dma_wait3A_767 : memref<64x128xf32, #tpu.memory_space<vmem>>) dst(%dma_wait3A_764 : memref<64x128xf32, #tpu.memory_space<hbm>>)
    %dma_wait3A_768 = arith.constant 0 : i32
    %dma_wait3A_769 = arith.constant 0 : i32
    %dma_wait3A_770 = tpu.memref_slice %arg9[%dma_wait3A_768, %dma_wait3A_769] : memref<64x128xf32, #tpu.memory_space<vmem>> -> memref<48x128xf32, #tpu.memory_space<vmem>>
    %dma_wait3A_771 = arith.constant 0 : i32
    %dma_wait3A_772 = tpu.memref_slice %arg6[%arg0, %add3A_539, %dma_wait3A_771] : memref<2x10000x128xf32, #tpu.memory_space<hbm>> -> memref<1x48x128xf32, #tpu.memory_space<hbm>>
    %dma_wait3A_773 = tpu.memref_squeeze %dma_wait3A_772 : memref<1x48x128xf32, #tpu.memory_space<hbm>> -> memref<48x128xf32, #tpu.memory_space<hbm>>
    %dma_wait3A_774 = arith.constant 0 : i32
    %dma_wait3A_775 = tpu.memref_slice %arg6[%arg0, %add3A_539, %dma_wait3A_774] : memref<2x10000x128xf32, #tpu.memory_space<hbm>> -> memref<1x48x128xf32, #tpu.memory_space<hbm>>
    %dma_wait3A_776 = tpu.memref_squeeze %dma_wait3A_775 : memref<1x48x128xf32, #tpu.memory_space<hbm>> -> memref<48x128xf32, #tpu.memory_space<hbm>>
    %dma_wait3A_777 = arith.constant 0 : i32
    %dma_wait3A_778 = arith.constant 0 : i32
    %dma_wait3A_779 = tpu.memref_slice %arg9[%dma_wait3A_777, %dma_wait3A_778] : memref<64x128xf32, #tpu.memory_space<vmem>> -> memref<48x128xf32, #tpu.memory_space<vmem>>
    tpu.wait_dma2 semaphore(%arg12 : memref<!tpu.dma_semaphore, #tpu.memory_space<semaphore_mem>>) src(%dma_wait3A_779 : memref<48x128xf32, #tpu.memory_space<vmem>>) dst(%dma_wait3A_776 : memref<48x128xf32, #tpu.memory_space<hbm>>)
    %eq3A_780 = arith.constant 0 : i32
    %eq3A_781 = arith.cmpi eq, %arg1, %eq3A_780 : i32
    %convert_element_type3A_782 = arith.extui %eq3A_781 : i1 to i32
    %cond3A_783 = arith.constant 0 : i32
    %cond3A_784 = arith.cmpi ne, %convert_element_type3A_782, %cond3A_783 : i32
    scf.if %cond3A_784 {
      "tpu.region"() ({
        %run_scoped3A = tpu.sem_alloc : memref<!tpu.dma_semaphore, #tpu.memory_space<semaphore_mem>>
        %dma_start3A_785 = arith.constant 0 : i32
        %dma_start3A_786 = arith.constant 0 : i32
        %dma_start3A_787 = tpu.memref_slice %arg8[%dma_start3A_785, %dma_start3A_786] : memref<64x128xf32, #tpu.memory_space<vmem>> -> memref<16x128xf32, #tpu.memory_space<vmem>>
        %dma_start3A_788 = arith.constant 9984 : i32
        %dma_start3A_789 = arith.constant 0 : i32
        %dma_start3A_790 = tpu.memref_slice %arg10[%dma_start3A_788, %dma_start3A_789] : memref<10000x128xf32, #tpu.memory_space<vmem_shared>> -> memref<16x128xf32, #tpu.memory_space<vmem_shared>>
        %dma_start3A_791 = arith.constant 0 : i32
        %dma_start3A_792 = arith.constant 0 : i32
        %dma_start3A_793 = tpu.memref_slice %arg8[%dma_start3A_791, %dma_start3A_792] : memref<64x128xf32, #tpu.memory_space<vmem>> -> memref<16x128xf32, #tpu.memory_space<vmem>>
        %dma_start3A_794 = arith.constant 9984 : i32
        %dma_start3A_795 = arith.constant 0 : i32
        %dma_start3A_796 = tpu.memref_slice %arg10[%dma_start3A_794, %dma_start3A_795] : memref<10000x128xf32, #tpu.memory_space<vmem_shared>> -> memref<16x128xf32, #tpu.memory_space<vmem_shared>>
        tpu.enqueue_dma source(%dma_start3A_796 : memref<16x128xf32, #tpu.memory_space<vmem_shared>>) target(%dma_start3A_793 : memref<16x128xf32, #tpu.memory_space<vmem>>) target_semaphore(%run_scoped3A : memref<!tpu.dma_semaphore, #tpu.memory_space<semaphore_mem>>)
        %dma_wait3A_797 = arith.constant 0 : i32
        %dma_wait3A_798 = arith.constant 0 : i32
        %dma_wait3A_799 = tpu.memref_slice %arg8[%dma_wait3A_797, %dma_wait3A_798] : memref<64x128xf32, #tpu.memory_space<vmem>> -> memref<16x128xf32, #tpu.memory_space<vmem>>
        %dma_wait3A_800 = arith.constant 9984 : i32
        %dma_wait3A_801 = arith.constant 0 : i32
        %dma_wait3A_802 = tpu.memref_slice %arg10[%dma_wait3A_800, %dma_wait3A_801] : memref<10000x128xf32, #tpu.memory_space<vmem_shared>> -> memref<16x128xf32, #tpu.memory_space<vmem_shared>>
        %dma_wait3A_803 = arith.constant 0 : i32
        %dma_wait3A_804 = arith.constant 0 : i32
        %dma_wait3A_805 = tpu.memref_slice %arg8[%dma_wait3A_803, %dma_wait3A_804] : memref<64x128xf32, #tpu.memory_space<vmem>> -> memref<16x128xf32, #tpu.memory_space<vmem>>
        %dma_wait3A_806 = arith.constant 9984 : i32
        %dma_wait3A_807 = arith.constant 0 : i32
        %dma_wait3A_808 = tpu.memref_slice %arg10[%dma_wait3A_806, %dma_wait3A_807] : memref<10000x128xf32, #tpu.memory_space<vmem_shared>> -> memref<16x128xf32, #tpu.memory_space<vmem_shared>>
        tpu.wait_dma2 semaphore(%run_scoped3A : memref<!tpu.dma_semaphore, #tpu.memory_space<semaphore_mem>>) src(%dma_wait3A_808 : memref<16x128xf32, #tpu.memory_space<vmem_shared>>) dst(%dma_wait3A_805 : memref<16x128xf32, #tpu.memory_space<vmem>>)
        tpu.yield
      }) : () -> ()
      "tpu.region"() ({
        %run_scoped3A = tpu.sem_alloc : memref<!tpu.dma_semaphore, #tpu.memory_space<semaphore_mem>>
        %dma_start3A_785 = arith.constant 0 : i32
        %dma_start3A_786 = arith.constant 0 : i32
        %dma_start3A_787 = tpu.memref_slice %arg8[%dma_start3A_785, %dma_start3A_786] : memref<64x128xf32, #tpu.memory_space<vmem>> -> memref<16x128xf32, #tpu.memory_space<vmem>>
        %dma_start3A_788 = arith.constant 9984 : i32
        %dma_start3A_789 = arith.constant 0 : i32
        %dma_start3A_790 = tpu.memref_slice %arg6[%arg0, %dma_start3A_788, %dma_start3A_789] : memref<2x10000x128xf32, #tpu.memory_space<hbm>> -> memref<1x16x128xf32, #tpu.memory_space<hbm>>
        %dma_start3A_791 = tpu.memref_squeeze %dma_start3A_790 : memref<1x16x128xf32, #tpu.memory_space<hbm>> -> memref<16x128xf32, #tpu.memory_space<hbm>>
        %dma_start3A_792 = arith.constant 9984 : i32
        %dma_start3A_793 = arith.constant 0 : i32
        %dma_start3A_794 = tpu.memref_slice %arg6[%arg0, %dma_start3A_792, %dma_start3A_793] : memref<2x10000x128xf32, #tpu.memory_space<hbm>> -> memref<1x16x128xf32, #tpu.memory_space<hbm>>
        %dma_start3A_795 = tpu.memref_squeeze %dma_start3A_794 : memref<1x16x128xf32, #tpu.memory_space<hbm>> -> memref<16x128xf32, #tpu.memory_space<hbm>>
        %dma_start3A_796 = arith.constant 0 : i32
        %dma_start3A_797 = arith.constant 0 : i32
        %dma_start3A_798 = tpu.memref_slice %arg8[%dma_start3A_796, %dma_start3A_797] : memref<64x128xf32, #tpu.memory_space<vmem>> -> memref<16x128xf32, #tpu.memory_space<vmem>>
        tpu.enqueue_dma source(%dma_start3A_798 : memref<16x128xf32, #tpu.memory_space<vmem>>) target(%dma_start3A_795 : memref<16x128xf32, #tpu.memory_space<hbm>>) target_semaphore(%run_scoped3A : memref<!tpu.dma_semaphore, #tpu.memory_space<semaphore_mem>>)
        %dma_wait3A_799 = arith.constant 0 : i32
        %dma_wait3A_800 = arith.constant 0 : i32
        %dma_wait3A_801 = tpu.memref_slice %arg8[%dma_wait3A_799, %dma_wait3A_800] : memref<64x128xf32, #tpu.memory_space<vmem>> -> memref<16x128xf32, #tpu.memory_space<vmem>>
        %dma_wait3A_802 = arith.constant 9984 : i32
        %dma_wait3A_803 = arith.constant 0 : i32
        %dma_wait3A_804 = tpu.memref_slice %arg6[%arg0, %dma_wait3A_802, %dma_wait3A_803] : memref<2x10000x128xf32, #tpu.memory_space<hbm>> -> memref<1x16x128xf32, #tpu.memory_space<hbm>>
        %dma_wait3A_805 = tpu.memref_squeeze %dma_wait3A_804 : memref<1x16x128xf32, #tpu.memory_space<hbm>> -> memref<16x128xf32, #tpu.memory_space<hbm>>
        %dma_wait3A_806 = arith.constant 9984 : i32
        %dma_wait3A_807 = arith.constant 0 : i32
        %dma_wait3A_808 = tpu.memref_slice %arg6[%arg0, %dma_wait3A_806, %dma_wait3A_807] : memref<2x10000x128xf32, #tpu.memory_space<hbm>> -> memref<1x16x128xf32, #tpu.memory_space<hbm>>
        %dma_wait3A_809 = tpu.memref_squeeze %dma_wait3A_808 : memref<1x16x128xf32, #tpu.memory_space<hbm>> -> memref<16x128xf32, #tpu.memory_space<hbm>>
        %dma_wait3A_810 = arith.constant 0 : i32
        %dma_wait3A_811 = arith.constant 0 : i32
        %dma_wait3A_812 = tpu.memref_slice %arg8[%dma_wait3A_810, %dma_wait3A_811] : memref<64x128xf32, #tpu.memory_space<vmem>> -> memref<16x128xf32, #tpu.memory_space<vmem>>
        tpu.wait_dma2 semaphore(%run_scoped3A : memref<!tpu.dma_semaphore, #tpu.memory_space<semaphore_mem>>) src(%dma_wait3A_812 : memref<16x128xf32, #tpu.memory_space<vmem>>) dst(%dma_wait3A_809 : memref<16x128xf32, #tpu.memory_space<hbm>>)
        tpu.yield
      }) : () -> ()
    } else {
    }
    return
  }
}

module attributes {stable_mosaic.version = 14 : i64} {
  func.func @_loss_body(%arg0: i32, %arg1: memref<2x1000x128xf32, #tpu.memory_space<vmem>>, %arg2: memref<2x1000x128xf32, #tpu.memory_space<vmem>>, %arg3: memref<1000x128xf32, #tpu.memory_space<vmem>>, %arg4: memref<1000x128xf32, #tpu.memory_space<vmem>>, %arg5: memref<1x1xf32, #tpu.memory_space<vmem>>, %arg6: memref<2xf32, #tpu.memory_space<smem>>) attributes {dimension_semantics = [#tpu.dimension_semantics<arbitrary>], iteration_bounds = array<i64: 10>, scalar_prefetch = 0 : i64, scratch_operands = 1 : i64, tpu.core_type = #tpu.core_type<tc>, window_params = [{transform_indices = @transform_0, window_bounds = array<i64: 2, 1000, 128>}, {transform_indices = @transform_1, window_bounds = array<i64: 2, 1000, 128>}, {transform_indices = @transform_2, window_bounds = array<i64: 1000, 128>}, {transform_indices = @transform_3, window_bounds = array<i64: 1000, 128>}, {pipeline_mode = #tpu.pipeline_mode<synchronous>, transform_indices = @transform_4, window_bounds = array<i64: 1, 1>}]} {
    %eq3A = arith.constant 0 : i32
    %eq3A_0 = arith.cmpi eq, %arg0, %eq3A : i32
    %convert_element_type3A = arith.extui %eq3A_0 : i1 to i32
    %cond3A = arith.constant 0 : i32
    %cond3A_1 = arith.cmpi ne, %convert_element_type3A, %cond3A : i32
    scf.if %cond3A_1 {
      %swap3A_74 = arith.constant 0.000000e+00 : f32
      %swap3A_75 = arith.constant 0 : index
      %swap3A_76 = memref.load %arg6[%swap3A_75] : memref<2xf32, #tpu.memory_space<smem>>
      memref.store %swap3A_74, %arg6[%swap3A_75] : memref<2xf32, #tpu.memory_space<smem>>
      %swap3A_77 = arith.constant 0.000000e+00 : f32
      %swap3A_78 = arith.constant 1 : index
      %swap3A_79 = memref.load %arg6[%swap3A_78] : memref<2xf32, #tpu.memory_space<smem>>
      memref.store %swap3A_77, %arg6[%swap3A_78] : memref<2xf32, #tpu.memory_space<smem>>
    } else {
    }
    %get3A = arith.constant 0 : index
    %get3A_2 = arith.constant 0 : index
    %get3A_3 = arith.constant 0 : index
    %get3A_4 = vector.load %arg1[%get3A, %get3A_2, %get3A_3] : memref<2x1000x128xf32, #tpu.memory_space<vmem>>, vector<1x1000x128xf32>
    %get3A_5 = vector.shape_cast %get3A_4 : vector<1x1000x128xf32> to vector<1000x128xf32>
    %get3A_6 = arith.constant 1 : index
    %get3A_7 = arith.constant 0 : index
    %get3A_8 = arith.constant 0 : index
    %get3A_9 = vector.load %arg1[%get3A_6, %get3A_7, %get3A_8] : memref<2x1000x128xf32, #tpu.memory_space<vmem>>, vector<1x1000x128xf32>
    %get3A_10 = vector.shape_cast %get3A_9 : vector<1x1000x128xf32> to vector<1000x128xf32>
    %add3A = arith.addf %get3A_5, %get3A_10 : vector<1000x128xf32>
    %get3A_11 = arith.constant 0 : index
    %get3A_12 = arith.constant 0 : index
    %get3A_13 = arith.constant 0 : index
    %get3A_14 = vector.load %arg2[%get3A_11, %get3A_12, %get3A_13] : memref<2x1000x128xf32, #tpu.memory_space<vmem>>, vector<1x1000x128xf32>
    %get3A_15 = vector.shape_cast %get3A_14 : vector<1x1000x128xf32> to vector<1000x128xf32>
    %get3A_16 = arith.constant 0 : index
    %get3A_17 = arith.constant 0 : index
    %get3A_18 = arith.constant 0 : index
    %get3A_19 = vector.load %arg1[%get3A_16, %get3A_17, %get3A_18] : memref<2x1000x128xf32, #tpu.memory_space<vmem>>, vector<1x1000x128xf32>
    %get3A_20 = vector.shape_cast %get3A_19 : vector<1x1000x128xf32> to vector<1000x128xf32>
    %sub3A = arith.subf %get3A_15, %get3A_20 : vector<1000x128xf32>
    %get3A_21 = arith.constant 1 : index
    %get3A_22 = arith.constant 0 : index
    %get3A_23 = arith.constant 0 : index
    %get3A_24 = vector.load %arg2[%get3A_21, %get3A_22, %get3A_23] : memref<2x1000x128xf32, #tpu.memory_space<vmem>>, vector<1x1000x128xf32>
    %get3A_25 = vector.shape_cast %get3A_24 : vector<1x1000x128xf32> to vector<1000x128xf32>
    %add3A_26 = arith.addf %sub3A, %get3A_25 : vector<1000x128xf32>
    %get3A_27 = arith.constant 1 : index
    %get3A_28 = arith.constant 0 : index
    %get3A_29 = arith.constant 0 : index
    %get3A_30 = vector.load %arg1[%get3A_27, %get3A_28, %get3A_29] : memref<2x1000x128xf32, #tpu.memory_space<vmem>>, vector<1x1000x128xf32>
    %get3A_31 = vector.shape_cast %get3A_30 : vector<1x1000x128xf32> to vector<1000x128xf32>
    %sub3A_32 = arith.subf %add3A_26, %get3A_31 : vector<1000x128xf32>
    %slice3A = vector.extract_strided_slice %sub3A_32 {offsets = [0, 0], sizes = [1000, 1], strides = [1, 1]} : vector<1000x128xf32> to vector<1000x1xf32>
    %squeeze3A = vector.shape_cast %slice3A : vector<1000x1xf32> to vector<1000xf32>
    %gt3A = arith.constant 0.000000e+00 : f32
    %gt3A_33 = vector.broadcast %gt3A : f32 to vector<1000xf32>
    %gt3A_34 = arith.cmpf ogt, %squeeze3A, %gt3A_33 : vector<1000xf32>
    %max3A = arith.constant 1.000000e+00 : f32
    %max3A_35 = vector.broadcast %max3A : f32 to vector<1000xf32>
    %max3A_36 = arith.maximumf %squeeze3A, %max3A_35 : vector<1000xf32>
    %broadcast_in_dim3A = vector.shape_cast %max3A_36 : vector<1000xf32> to vector<1000x1xf32>
    %div3A = vector.broadcast %broadcast_in_dim3A : vector<1000x1xf32> to vector<1000x128xf32>
    %div3A_37 = arith.divf %add3A, %div3A : vector<1000x128xf32>
    %get3A_38 = arith.constant 0 : index
    %get3A_39 = arith.constant 0 : index
    %get3A_40 = vector.load %arg3[%get3A_38, %get3A_39] : memref<1000x128xf32, #tpu.memory_space<vmem>>, vector<1000x128xf32>
    %get3A_41 = arith.constant 0 : index
    %get3A_42 = arith.constant 0 : index
    %get3A_43 = vector.load %arg4[%get3A_41, %get3A_42] : memref<1000x128xf32, #tpu.memory_space<vmem>>, vector<1000x128xf32>
    %add3A_44 = arith.addf %get3A_40, %get3A_43 : vector<1000x128xf32>
    %sub3A_45 = arith.subf %div3A_37, %add3A_44 : vector<1000x128xf32>
    %mul3A = arith.mulf %sub3A_45, %sub3A_45 : vector<1000x128xf32>
    %reduce_sum3A = arith.constant dense<0.000000e+00> : vector<1000xf32>
    %reduce_sum3A_46 = vector.multi_reduction <add>, %mul3A, %reduce_sum3A [1] : vector<1000x128xf32> to vector<1000xf32>
    %sqrt3A = math.sqrt %reduce_sum3A_46 : vector<1000xf32>
    %get3A_47 = arith.constant 0 : index
    %get3A_48 = memref.load %arg6[%get3A_47] : memref<2xf32, #tpu.memory_space<smem>>
    %jit3A = arith.constant 0.000000e+00 : f32
    %broadcast_in_dim3A_49 = vector.broadcast %jit3A : f32 to vector<1000xf32>
    %select_n3A = arith.select %gt3A_34, %sqrt3A, %broadcast_in_dim3A_49 : vector<1000xi1>, vector<1000xf32>
    %reduce_sum3A_50 = vector.shape_cast %select_n3A : vector<1000xf32> to vector<1x1000xf32>
    %reduce_sum3A_51 = arith.constant dense<0.000000e+00> : vector<1xf32>
    %reduce_sum3A_52 = vector.multi_reduction <add>, %reduce_sum3A_50, %reduce_sum3A_51 [1] : vector<1x1000xf32> to vector<1xf32>
    %reduce_sum3A_53 = vector.shape_cast %reduce_sum3A_52 : vector<1xf32> to vector<1x1xf32>
    %reduce_sum3A_54 = vector.extract %reduce_sum3A_53[0, 0] : f32 from vector<1x1xf32>
    %add3A_55 = arith.addf %get3A_48, %reduce_sum3A_54 : f32
    %swap3A = arith.constant 0 : index
    %swap3A_56 = memref.load %arg6[%swap3A] : memref<2xf32, #tpu.memory_space<smem>>
    memref.store %add3A_55, %arg6[%swap3A] : memref<2xf32, #tpu.memory_space<smem>>
    %get3A_57 = arith.constant 1 : index
    %get3A_58 = memref.load %arg6[%get3A_57] : memref<2xf32, #tpu.memory_space<smem>>
    %convert_element_type3A_59 = arith.extui %gt3A_34 : vector<1000xi1> to vector<1000xi32>
    %convert_element_type3A_60 = arith.sitofp %convert_element_type3A_59 : vector<1000xi32> to vector<1000xf32>
    %reduce_sum3A_61 = vector.shape_cast %convert_element_type3A_60 : vector<1000xf32> to vector<1x1000xf32>
    %reduce_sum3A_62 = arith.constant dense<0.000000e+00> : vector<1xf32>
    %reduce_sum3A_63 = vector.multi_reduction <add>, %reduce_sum3A_61, %reduce_sum3A_62 [1] : vector<1x1000xf32> to vector<1xf32>
    %reduce_sum3A_64 = vector.shape_cast %reduce_sum3A_63 : vector<1xf32> to vector<1x1xf32>
    %reduce_sum3A_65 = vector.extract %reduce_sum3A_64[0, 0] : f32 from vector<1x1xf32>
    %add3A_66 = arith.addf %get3A_58, %reduce_sum3A_65 : f32
    %swap3A_67 = arith.constant 1 : index
    %swap3A_68 = memref.load %arg6[%swap3A_67] : memref<2xf32, #tpu.memory_space<smem>>
    memref.store %add3A_66, %arg6[%swap3A_67] : memref<2xf32, #tpu.memory_space<smem>>
    %eq3A_69 = arith.constant 9 : i32
    %eq3A_70 = arith.cmpi eq, %arg0, %eq3A_69 : i32
    %convert_element_type3A_71 = arith.extui %eq3A_70 : i1 to i32
    %cond3A_72 = arith.constant 0 : i32
    %cond3A_73 = arith.cmpi ne, %convert_element_type3A_71, %cond3A_72 : i32
    scf.if %cond3A_73 {
      %get3A_74 = arith.constant 0 : index
      %get3A_75 = memref.load %arg6[%get3A_74] : memref<2xf32, #tpu.memory_space<smem>>
      %get3A_76 = arith.constant 1 : index
      %get3A_77 = memref.load %arg6[%get3A_76] : memref<2xf32, #tpu.memory_space<smem>>
      %max3A_78 = arith.constant 1.000000e+00 : f32
      %max3A_79 = arith.maximumf %get3A_77, %max3A_78 : f32
      %div3A_80 = arith.divf %get3A_75, %max3A_79 : f32
      %broadcast_in_dim3A_81 = vector.broadcast %div3A_80 : f32 to vector<1x1xf32>
      %swap3A_82 = arith.constant 0 : index
      %swap3A_83 = arith.constant 0 : index
      %swap3A_84 = vector.load %arg5[%swap3A_82, %swap3A_83] : memref<1x1xf32, #tpu.memory_space<vmem>>, vector<1x1xf32>
      tpu.vector_store %arg5[%swap3A_82, %swap3A_83], %broadcast_in_dim3A_81 {strides = array<i32>} : memref<1x1xf32, #tpu.memory_space<vmem>>, vector<1x1xf32>,
    } else {
    }
    return
  }
  func.func @transform_0(%arg0: i32) -> (i32, i32, i32) {
    %c0_i32 = arith.constant 0 : i32
    %c0_i32_0 = arith.constant 0 : i32
    %c0_i32_1 = arith.constant 0 : i32
    return %c0_i32, %arg0, %c0_i32_0 : i32, i32, i32
  }
  func.func @transform_1(%arg0: i32) -> (i32, i32, i32) {
    %c0_i32 = arith.constant 0 : i32
    %c0_i32_0 = arith.constant 0 : i32
    %c0_i32_1 = arith.constant 0 : i32
    return %c0_i32, %arg0, %c0_i32_0 : i32, i32, i32
  }
  func.func @transform_2(%arg0: i32) -> (i32, i32) {
    %c0_i32 = arith.constant 0 : i32
    %c0_i32_0 = arith.constant 0 : i32
    return %arg0, %c0_i32 : i32, i32
  }
  func.func @transform_3(%arg0: i32) -> (i32, i32) {
    %c0_i32 = arith.constant 0 : i32
    %c0_i32_0 = arith.constant 0 : i32
    return %arg0, %c0_i32 : i32, i32
  }
  func.func @transform_4(%arg0: i32) -> (i32, i32) {
    %c0_i32 = arith.constant 0 : i32
    %c0_i32_0 = arith.constant 0 : i32
    %c0_i32_1 = arith.constant 0 : i32
    return %c0_i32, %c0_i32_0 : i32, i32
  }
}

</mosaic_0001>

<sc_bundles>
// kernel: kernel.4.cloned.1.call-start
scs
__scs_entry_jumppad:
0x0: {  	(pc) =	sbr.rel $0x88, $3  }
0x1: {  	(tag) =	ssettag $0x0;
	lr =	simm.s32 $0x1  }
0x2: {  	[smem:$0x3F9D] =	sst lr;
	_ =	strace $0xD0000000  }
0x3: {  	_ = 	snop  }
0x4: {  	_ = 	snop  }
0x5: {  	_ = 	snop  }
0x6: {  	_ = 	snop  }
0x7: {  	_ = 	snop  }
__scs_overlays_trampoline_lowered:
0x8: {  	[smem:$0x3FAC] =	sst s0  }
0x9: {  	[smem:$0x3FAD] =	sst s1  }
0xa: {  	[smem:$0x3FAE] =	sst s2  }
0xb: {  	[smem:$0x3FAF] =	sst s3  }
0xc: {  	[smem:$0x3FB0] =	sst s4  }
0xd: {  	[smem:$0x3FB1] =	sst s5  }
0xe: {  	[smem:$0x3FB2] =	sst s6  }
0xf: {  	[smem:$0x3FB3] =	sst s7  }
0x10: {  	[smem:$0x3FB4] =	sst s8  }
0x11: {  	[smem:$0x3FB5] =	sst s9;
	s0 =	simm.s32 @!p0 $0x0  }
0x12: {  	s1 =	sld [smem:$0x3F9B];
	s0 =	simm.s32 @p0 $0x1  }
0x13: {  	[smem:$0x3FB6] =	sst s0;
	s0 =	simm.s32 @!p1 $0x0  }
0x14: {  	s2 =	sld [smem:$0x3F9A];
	s0 =	simm.s32 @p1 $0x1  }
0x15: {  	[smem:$0x3FB7] =	sst s0;
	s0 =	simm.s32 @!p2 $0x0  }
0x16: {  	s3 =	sld [smem:$0x3FDB];
	s0 =	simm.s32 @p2 $0x1  }
0x17: {  	s4 =	simm.s32 $0x1BF5;
	[smem:$0x3FB9] =	sst s0  }
0x18: {  	s0 =	sld [smem:$0x3F9C];
	_ =	swait.ge [sflag:s4], $0x0  }
0x19: {  	s7 =	sld [smem:$0x3F9D]  }
0x1a: {  	s8 =	sadd.s32 $0xFFFFE003, lr  }
0x1b: {  	s9 =	sadd.s32 $0xFFFFFEF7, lr;
	s5 =	simm.s32 $0xFFFFFFFF;
	p2 =	slt.u32 s8, $0xFFFFF086  }
0x1c: {  	p1 =	slt.u32 s9, $0xF7A;
	s5 =	simm.s32 @!p2 $0x0  }
0x1d: {  	s5 =	simm.s32 @p1 $0x1;
	p0 =	seq.s32 s7, s2  }
0x1e: {  	s7 =	smul.u32 @!p0 $0xF7A, s2;
	p2 =	seq.s32 @!p0 s5, $0x0  }
0x1f: {  	s9 =	smul.u32 $0xF7A, s1;
	s8 =	simm.s32 @!p0 $0x1BF5;
	p2 =	por !p2, p0  }
0x20: {  	[sflag:s8] =	ssyncset.s32 @!p0 $0xFFFFF086;
	s6 =	sadd.s32 @!p0 s3, s7;
	s7 =	simm.s32 @!p0 $0x108  }
0x21: {  	s3 =	sadd.s32 s3, s9;
	s6 =	sadd.s32 @!p0 $0x88, s6;
	s7 =	simm.s32 @p2 $0x1082  }
0x22: {  	[simem:s7], [sflag:s8] =	dma.local @!p0 [hbm:s6], $0xF7A  }
0x23: {  	s9 =	sor.u32 $0xD0000000, s2;
	s6 =	simm.s32 $0x108;
	_ =	swait.ge @!p0 [sflag:s8], $0x0  }
0x24: {  	s3 =	sadd.s32 $0x88, s3;
	s6 =	simm.s32 @!p1 $0x1082;
	[sflag:s4] =	ssyncset.s32 $0xFFFFF086  }
0x25: {  	[simem:s6], [sflag:s4] =	dma.local [hbm:s3], $0xF7A  }
0x26: {  	[smem:$0x3F9D] =	sst s1;
	(tag) =	ssettag s2;
	_ =	strace s9  }
0x27: {  	s1 =	sld [smem:$0x3FAD]  }
0x28: {  	s2 =	sld [smem:$0x3FAE]  }
0x29: {  	s4 =	sld [smem:$0x3FB0]  }
0x2a: {  	p0 =	seq.s32 s5, $0x0;
	s5 =	sld [smem:$0x3FB1]  }
0x2b: {  	s6 =	sld [smem:$0x3FB2]  }
0x2c: {  	s7 =	sld [smem:$0x3FB3]  }
0x2d: {  	s3 =	simm.s32 $0x108;
	s8 =	sld [smem:$0x3FB4]  }
0x2e: {  	s3 =	simm.s32 @!p0 $0x1082;
	s9 =	sld [smem:$0x3FB5]  }
0x2f: {  	lr =	sadd.s32 s0, s3;
	s0 =	sld [smem:$0x3FAC]  }
0x30: {  	s3 =	sld [smem:$0x3FAF]  }
0x31: {  	[smem:$0x3FB8] =	sst s10  }
0x32: {  	s10 =	sld [smem:$0x3FB6];
	_ =	sdelay $0x3  }
0x33: {  	p0 =	seq.s32 s10, $0x1;
	s10 =	sld [smem:$0x3FB8];
	_ =	sdelay $0x3  }
0x34: {  	[smem:$0x3FB8] =	sst s10  }
0x35: {  	s10 =	sld [smem:$0x3FB7];
	_ =	sdelay $0x3  }
0x36: {  	p1 =	seq.s32 s10, $0x1;
	s10 =	sld [smem:$0x3FB8];
	_ =	sdelay $0x3  }
0x37: {  	[smem:$0x3FB8] =	sst s10  }
0x38: {  	s10 =	sld [smem:$0x3FB9]  }
0x39: {  	_ = 	snop;
	(pc) =	sbr.ind lr, $3  }
0x3a: {  	_ = 	snop  }
0x3b: {  	_ = 	snop  }
0x3c: {  	p2 =	seq.s32 s10, $0x1;
	s10 =	sld [smem:$0x3FB8]  }
0x3d: {  	_ =	shalt  }
0x3e: {  	_ =	shalt  }
0x3f: {  	_ =	shalt  }
0x40: {  	_ =	shalt  }
0x41: {  	_ =	shalt  }
0x42: {  	_ =	shalt  }
0x43: {  	_ =	shalt  }
0x44: {  	_ =	shalt  }
0x45: {  	_ =	shalt  }
0x46: {  	_ =	shalt  }
0x47: {  	_ =	shalt  }
0x48: {  	_ =	shalt  }
0x49: {  	_ =	shalt  }
0x4a: {  	_ =	shalt  }
0x4b: {  	_ =	shalt  }
0x4c: {  	_ =	shalt  }
0x4d: {  	_ =	shalt  }
0x4e: {  	_ =	shalt  }
0x4f: {  	_ =	shalt  }
0x50: {  	_ =	shalt  }
0x51: {  	_ =	shalt  }
0x52: {  	_ =	shalt  }
0x53: {  	_ =	shalt  }
0x54: {  	_ =	shalt  }
0x55: {  	_ =	shalt  }
0x56: {  	_ =	shalt  }
0x57: {  	_ =	shalt  }
0x58: {  	_ =	shalt  }
0x59: {  	_ =	shalt  }
0x5a: {  	_ =	shalt  }
0x5b: {  	_ =	shalt  }
0x5c: {  	_ =	shalt  }
0x5d: {  	_ =	shalt  }
0x5e: {  	_ =	shalt  }
0x5f: {  	_ =	shalt  }
0x60: {  	_ =	shalt  }
0x61: {  	_ =	shalt  }
0x62: {  	_ =	shalt  }
0x63: {  	_ =	shalt  }
0x64: {  	_ =	shalt  }
0x65: {  	_ =	shalt  }
0x66: {  	_ =	shalt  }
0x67: {  	_ =	shalt  }
0x68: {  	_ =	shalt  }
0x69: {  	_ =	shalt  }
0x6a: {  	_ =	shalt  }
0x6b: {  	_ =	shalt  }
0x6c: {  	_ =	shalt  }
0x6d: {  	_ =	shalt  }
0x6e: {  	_ =	shalt  }
0x6f: {  	_ =	shalt  }
0x70: {  	_ =	shalt  }
0x71: {  	_ =	shalt  }
0x72: {  	_ =	shalt  }
0x73: {  	_ =	shalt  }
0x74: {  	_ =	shalt  }
0x75: {  	_ =	shalt  }
0x76: {  	_ =	shalt  }
0x77: {  	_ =	shalt  }
0x78: {  	_ =	shalt  }
0x79: {  	_ =	shalt  }
0x7a: {  	_ =	shalt  }
0x7b: {  	_ =	shalt  }
0x7c: {  	_ =	shalt  }
0x7d: {  	_ =	shalt  }
0x7e: {  	_ =	shalt  }
0x7f: {  	_ =	shalt  }
0x80: {  	_ =	shalt  }
0x81: {  	_ =	shalt  }
0x82: {  	_ =	shalt  }
0x83: {  	_ =	shalt  }
0x84: {  	_ =	shalt  }
0x85: {  	_ =	shalt  }
0x86: {  	_ =	shalt  }
0x87: {  	_ =	shalt  }
.Lfunc_end0:
.L_simem_size_0:
called_computation_lowered:
.L_overlay_start_0:
0x88: {  	s2 =	sld [smem:$0x3FD9]  }
0x89: {  	s3 =	sld [smem:$0x3FFE];
	_ =	sdelay $0x1  }
0x8a: {  	s1 =	srdreg.scid  }
0x8b: {  	s0 =	sand.u32 $0x1, s1  }
0x8c: {  	s17 =	sshll.u32 s0, $0xA;
	s2 =	sadd.s32 s3, s2  }
0x8d: {  	s2 =	sadd.s32 s2, s17  }
0x8e: {  	[smem:$0x3FC4] =	sst s2  }
0x8f: {  	_ = 	snop  }
0x90: {  	s2 =	sld [smem:$0x3FC9];
	(tm) =	ssettm $0x1  }
0x91: {  	s18 =	sld [smem:$0x3FFB];
	_ =	sdelay $0x3  }
0x92: {  	_ =	strace s18  }
0x93: {  	s3 =	sld [smem:$0x3FFC];
	_ =	sdelay $0x3  }
0x94: {  	_ =	strace s3  }
0x95: {  	s3 =	sld [smem:$0x3FFD];
	_ =	sdelay $0x3  }
0x96: {  	_ =	strace s3  }
0x97: {  	_ =	strace $0x8FFFFFFF  }
0x98: {  	s19 =	sld [smem:$0x3FDB];
	_ =	sdelay $0x1  }
0x99: {  	s4 =	simm.s32 $_scs_section_size  }
0x9a: {  	s5 =	simm.s32 $_size__tile_overlayer_lowered;
	s6 =	simm.s32 $_tile_overlayer_lowered  }
0x9b: {  	s22 =	simm.s32 $0x1BFF;
	s21 =	sshll.u32 s6, $0x1;
	s3 =	sadd.s32 s4, s19  }
0x9c: {  	s7 =	simm.s32 $0x0;
	s20 =	sshll.u32 s5, $0x1;
	s5 =	sadd.s32 s21, s3  }
0x9d: {  	[timem:s7], [sflag:s22] =	dma.local [hbm:s5], s20  }
0x9e: {  	_ =	swait.ge [sflag:s22], s20  }
0x9f: {  	s4 =	ssub.s32 $0x0, s20;
	[sflag:s22] =	ssyncset.done $0x0  }
0xa0: {  	[sflag:s22] =	ssyncadd.s32 s4;
	_ =	sdelay $0x1  }
0xa1: {  	s23 =	simm.s32 $0x1B8B  }
0xa2: {  	_ =	swait.ge [sflag:s23], $0x1  }
0xa3: {  	[sflag:s23] =	ssyncset.done $0x0  }
0xa4: {  	s25 =	simm.s32 $0x1B8E;
	s24 =	sld [smem:$0x3FFE];
	[sflag:s23] =	ssyncadd.s32 $0xFFFFFFFF  }
0xa5: {  	s26 =	simm.s32 $execute0_lowered;
	[smem:$0x3FD2] =	sst s25  }
0xa6: {  	s5 =	sshll.u32 s26, $0x1;
	_ =	strace $0x80000046;
	[dreg:$0x1] =	wrdreg $0xFFFFFFFF  }
0xa7: {  	s28 =	simm.s32 $_size_execute0_lowered;
	s3 =	sadd.s32 s3, s5;
	[dreg:$0x0] =	wrdreg $0x0  }
0xa8: {  	s5 =	sshll.u32 s28, $0x1;
	[dreg:$0x2] =	wrdreg s3  }
0xa9: {  	[dreg:$0x3] =	wrdreg s5  }
0xaa: {  	[dreg:$0x4] =	wrdreg $0xC0  }
0xab: {  	_ =	task [dreg:s7], $0x5FFFF  }
0xac: {  	[dreg:$0x1] =	wrdreg $0xFFFFFFFF  }
0xad: {  	[dreg:$0x0] =	wrdreg $0x60  }
0xae: {  	[dreg:$0x2] =	wrdreg s2  }
0xaf: {  	[dreg:$0x3] =	wrdreg s24  }
0xb0: {  	[dreg:$0x4] =	wrdreg $0x60000  }
0xb1: {  	[dreg:$0x5] =	wrdreg $0x9  }
0xb2: {  	_ =	task.clear_ibuf [dreg:s7], $0x6FFFF;
	_ =	strace $0x90000046  }
0xb3: {  	s29 =	simm.s32 $0x9;
	_ =	strace $0x80000048  }
0xb4: {  	_ =	swait.ge [sflag:s29], $0x1  }
0xb5: {  	[sflag:s29] =	ssyncadd.s32 $0xFFFFFFFF  }
0xb6: {  	_ =	strace $0x90000048  }
0xb7: {  	_ =	sfence  }
0xb8: {  	s30 =	sld [smem:$0x0];
	_ =	sdelay $0x2  }
0xb9: {  	s31 =	sshll.u32 s1, $0xD;
	s1 =	sshrl.u32 s1, $0x2  }
0xba: {  	s3 =	sand.u32 $0x4000, s31;
	s1 =	sadd.s32 s1, s30  }
0xbb: {  	s0 =	sor.u32 s3, s0;
	s1 =	sshll.u32 s1, $0x11  }
0xbc: {  	s0 =	sor.u32 s1, s0  }
0xbd: {  	s0 =	sadd.s32 $0x8F2B, s0  }
0xbe: {  	[sflag:s0] =	ssyncadd.remote.s32 $0x1  }
0xbf: {  	_ =	sfence.sel $0xFFFF  }
0xc0: {  	[dreg:$0x0] =	wrdreg $0xFFFFFFFF;
	(pc) =	sbr.abs _section_cstart, $3  }
0xc1: {  	[dreg:$0x1] =	wrdreg $0xFFFFFFFF  }
0xc2: {  	_ =	task.clear_ibuf [dreg:s7], $0x2FFFF;
	_ =	strace $0x9FFFFFFF  }
0xc3: {  	(tm) =	ssettm $0x7FFFFFFF  }
tec
execute0_lowered:
.L_overlay_start_1:
0x0: {  	(tag) =	ssettag $0x1  }
0x1: {  	s0 =	srdreg.scid  }
0x2: {  	s1 =	stileid.u32;
	s12 =	sand.u32 $0x1, s0  }
0x3: {  	s0 =	rddreg [dreg:$0x1];
	s11 =	smul.u32 $0x13800, s1;
	s2 =	ssub.s32 $0x2, s12  }
0x4: {  	s13 =	sadd.s32 $0x9200, s0;
	s15 =	smul.u32 $0x138800, s12;
	s3 =	sshrl.u32 s2, $0x1  }
0x5: {  	s4 =	sadd.s32 $0x6000, s11;
	s5 =	sadd.s32 $0x8000, s11;
	s7 =	sadd.s32 $0xA000, s11  }
0x6: {  	s8 =	sadd.s32 $0xC000, s11;
	s9 =	sadd.s32 $0xE000, s11;
	s10 =	sadd.s32 $0x10000, s11  }
0x7: {  	s6 =	ssub.s32 s2, s3;
	s2 =	sadd.s32 $0x2000, s11;
	s3 =	sadd.s32 $0x4000, s11  }
0x8: {  	s16 =	sadd.s32 s11, s15;
	s11 =	sadd.s32 $0x12000, s11;
	s19 =	sadd.s32 s15, s4  }
0x9: {  	s20 =	sadd.s32 s15, s5;
	s21 =	sadd.s32 s15, s7;
	s22 =	sadd.s32 s15, s8  }
0xa: {  	s23 =	sadd.s32 s15, s9;
	s24 =	sadd.s32 s15, s10;
	s17 =	sadd.s32 s15, s2  }
0xb: {  	s16 =	sshrl.u32 s16, $0x3;
	s18 =	sadd.s32 s15, s3;
	s19 =	sshrl.u32 s19, $0x3  }
0xc: {  	s20 =	sshrl.u32 s20, $0x3;
	s17 =	sshrl.u32 s17, $0x3;
	s26 =	sadd.s32 s13, s16  }
0xd: {  	s18 =	sshrl.u32 s18, $0x3;
	[dreg:$0x4] =	wrdreg s26;
	s26 =	sadd.s32 s13, s17  }
0xe: {  	s21 =	sshrl.u32 s21, $0x3;
	[dreg:$0x5] =	wrdreg s26;
	s26 =	sadd.s32 s13, s18  }
0xf: {  	s22 =	sshrl.u32 s22, $0x3;
	[dreg:$0x6] =	wrdreg s26;
	s26 =	sadd.s32 s13, s19  }
0x10: {  	s23 =	sshrl.u32 s23, $0x3;
	[dreg:$0x7] =	wrdreg s26;
	s26 =	sadd.s32 s13, s20  }
0x11: {  	s25 =	sadd.s32 s15, s11;
	[dreg:$0x8] =	wrdreg s26;
	s26 =	sadd.s32 s13, s21  }
0x12: {  	s15 =	sshrl.u32 s15, $0x3;
	[dreg:$0x9] =	wrdreg s26;
	s26 =	sadd.s32 s13, s22  }
0x13: {  	s24 =	sshrl.u32 s24, $0x3;
	[dreg:$0xa] =	wrdreg s26;
	s26 =	sadd.s32 s13, s23  }
0x14: {  	s25 =	sshrl.u32 s25, $0x3;
	[dreg:$0xb] =	wrdreg s26;
	s26 =	sadd.s32 s13, s24  }
0x15: {  	s15 =	sadd.s32 $0x27000, s15;
	[dreg:$0xc] =	wrdreg s26;
	s26 =	sadd.s32 s13, s25  }
0x16: {  	s14 =	sadd.s32 $0x57400, s0;
	s13 =	sadd.s32 s13, s15;
	[dreg:$0xd] =	wrdreg s26  }
0x17: {  	[dreg:$0xe] =	wrdreg s13;
	s26 =	sadd.s32 s14, s16  }
0x18: {  	s16 =	sadd.s32 s14, s17;
	[dreg:$0xf] =	wrdreg s26  }
0x19: {  	s17 =	sadd.s32 s14, s18;
	[dreg:$0x10] =	wrdreg s16  }
0x1a: {  	s18 =	sadd.s32 s14, s19;
	[dreg:$0x11] =	wrdreg s17  }
0x1b: {  	s19 =	sadd.s32 s14, s20;
	[dreg:$0x12] =	wrdreg s18  }
0x1c: {  	s20 =	sadd.s32 s14, s21;
	[dreg:$0x13] =	wrdreg s19  }
0x1d: {  	s21 =	sadd.s32 s14, s22;
	[dreg:$0x14] =	wrdreg s20  }
0x1e: {  	s22 =	sadd.s32 s14, s23;
	[dreg:$0x15] =	wrdreg s21  }
0x1f: {  	p0 =	sne.s32 s1, $0x0;
	s23 =	sadd.s32 s14, s24;
	[dreg:$0x16] =	wrdreg s22  }
0x20: {  	s6 =	smax.u32 s6, $0x1;
	s24 =	sshll.u32 s1, $0x1;
	[dreg:$0x17] =	wrdreg s23  }
0x21: {  	s26 =	sadd.s32 s14, s25;
	s14 =	sadd.s32 s14, s15;
	s17 =	rddreg [dreg:$0x0]  }
0x22: {  	s13 =	sor.u32 s12, s24;
	s22 =	simm.s32 $0x0;
	s25 =	rddreg [dreg:$0x2]  }
0x23: {  	s19 =	sshll.u32 s1, $0x11;
	s12 =	sshll.u32 s12, $0x10;
	[dreg:$0x18] =	wrdreg s26  }
0x24: {  	s20 =	smul.u32 $0x4E000, s1;
	s15 =	simm.s32 $0x40;
	[dreg:$0x19] =	wrdreg s14  }
0x25: {  	s16 =	simm.s32 $0x0;
	s18 =	sshll.u32 s13, $0x10;
	[smem:$0x7FF] =	sst s22  }
0x26: {  	s14 =	sadd.s32 s19, s17;
	s21 =	sshll.u32 s13, $0xA;
	s26 =	sadd.s32 $0x8E00, s0  }
0x27: {  	s29 =	sadd.s32 s2, s25;
	s30 =	sadd.s32 s3, s25;
	s31 =	sadd.s32 s4, s25  }
0x28: {  	s1 =	sadd.s32 s8, s25;
	s2 =	sadd.s32 s9, s25;
	s3 =	sadd.s32 s10, s25  }
0x29: {  	s4 =	sadd.s32 s11, s25;
	s8 =	sadd.s32 $0x138000, s25;
	s10 =	simm.s32 $0x2000  }
0x2a: {  	s11 =	simm.s32 $0x3;
	s23 =	sadd.s32 s17, s18;
	s12 =	sadd.s32 s12, s14  }
0x2b: {  	_ =	strace $0x80000047;
	s13 =	sadd.s32 s21, s0;
	s24 =	sshrl.u32 s20, $0x2  }
0x2c: {  	s0 =	sadd.s32 s7, s25;
	s14 =	simm.s32 $0x1;
	s28 =	sadd.s32 s24, s25  }
0x2d: {  	s24 =	sadd.s32 s5, s25;
	s5 =	sadd.s32 $0xE00, s13;
	s7 =	sadd.s32 $0x800, s12  }
0x2e: {  	v0 =	vimm.f32 $1.000000000e+00;
	s9 =	sadd.s32 $0xFC00, s23;
	s12 =	simm.s32 $0x2;
	s13 =	simm.s32 $0x4000  }
.LBB2_1:
0x2f: {  	[tilespmem:s10], [sflag:$0x3] =	stream.linear.gather [hbm4b:s26+s22], $0x2000, $0x38;
	[tilespmem:$0x19880] =	vst v63  }
0x30: {  	_ =	swait.ge [sflag:s11], $0x2000  }
0x31: {  	[sflag:s11] =	ssyncset.done $0x0  }
0x32: {  	[sflag:s11] =	ssyncadd.s32 $0xFFFFE000  }
0x33: {  	[spmem:s28] =	stream.linear.scatter [tilespmem:s10], [sflag:$0x2], $0x2000, $0x38;
	[tilespmem:$0x19880] =	vst v63  }
0x34: {  	_ = 	snop  }
0x35: {  	[spmem:s29] =	stream.linear.scatter [tilespmem:s10], [sflag:$0x2], $0x2000, $0x38;
	[tilespmem:$0x19880] =	vst v63  }
0x36: {  	_ = 	snop  }
0x37: {  	[spmem:s30] =	stream.linear.scatter [tilespmem:s10], [sflag:$0x2], $0x2000, $0x38;
	[tilespmem:$0x19880] =	vst v63  }
0x38: {  	_ = 	snop  }
0x39: {  	[spmem:s31] =	stream.linear.scatter [tilespmem:s10], [sflag:$0x2], $0x2000, $0x38;
	[tilespmem:$0x19880] =	vst v63  }
0x3a: {  	_ = 	snop  }
0x3b: {  	[spmem:s24] =	stream.linear.scatter [tilespmem:s10], [sflag:$0x2], $0x2000, $0x38;
	[tilespmem:$0x19880] =	vst v63  }
0x3c: {  	_ = 	snop  }
0x3d: {  	[spmem:s0] =	stream.linear.scatter [tilespmem:s10], [sflag:$0x2], $0x2000, $0x38;
	[tilespmem:$0x19880] =	vst v63  }
0x3e: {  	_ = 	snop  }
0x3f: {  	[spmem:s1] =	stream.linear.scatter [tilespmem:s10], [sflag:$0x2], $0x2000, $0x38;
	[tilespmem:$0x19880] =	vst v63  }
0x40: {  	_ = 	snop  }
0x41: {  	[spmem:s2] =	stream.linear.scatter [tilespmem:s10], [sflag:$0x2], $0x2000, $0x38;
	[tilespmem:$0x19880] =	vst v63  }
0x42: {  	_ = 	snop  }
0x43: {  	[spmem:s3] =	stream.linear.scatter [tilespmem:s10], [sflag:$0x2], $0x2000, $0x38;
	[tilespmem:$0x19880] =	vst v63  }
0x44: {  	_ = 	snop  }
0x45: {  	[spmem:s4] =	stream.linear.scatter [tilespmem:s10], [sflag:$0x2], $0x1800, $0x38;
	[tilespmem:$0x19880] =	vst v63  }
0x46: {  	s17 =	simm.s32 @!p0 $0x2000  }
0x47: {  	[spmem:s8] =	stream.linear.scatter @!p0 [tilespmem:s17], [sflag:$0x2], $0x800, $0x38;
	[tilespmem:$0x19880] =	vst v63  }
0x48: {  	_ = 	snop  }
0x49: {  	[tilespmem:s22], [sflag:$0x3] =	stream.linear.gather [hbm4b:s5+s22], $0x2000, $0x38;
	[tilespmem:$0x19880] =	vst v63  }
0x4a: {  	_ =	swait.ge [sflag:s11], $0x2000  }
0x4b: {  	[sflag:s11] =	ssyncset.done $0x0  }
0x4c: {  	[sflag:s11] =	ssyncadd.s32 $0xFFFFE000  }
0x4d: {  	_ =	swait.ge [sflag:s12], $0x2000  }
0x4e: {  	[sflag:s12] =	ssyncset.done $0x0  }
0x4f: {  	[sflag:s12] =	ssyncadd.s32 $0xFFFFE000  }
0x50: {  	_ =	swait.ge [sflag:s12], $0x2000  }
0x51: {  	[sflag:s12] =	ssyncset.done $0x0  }
0x52: {  	[sflag:s12] =	ssyncadd.s32 $0xFFFFE000  }
0x53: {  	_ =	swait.ge [sflag:s12], $0x2000  }
0x54: {  	[sflag:s12] =	ssyncset.done $0x0  }
0x55: {  	[sflag:s12] =	ssyncadd.s32 $0xFFFFE000  }
0x56: {  	_ =	swait.ge [sflag:s12], $0x2000  }
0x57: {  	[sflag:s12] =	ssyncset.done $0x0  }
0x58: {  	[sflag:s12] =	ssyncadd.s32 $0xFFFFE000  }
0x59: {  	_ =	swait.ge [sflag:s12], $0x2000  }
0x5a: {  	[sflag:s12] =	ssyncset.done $0x0  }
0x5b: {  	[sflag:s12] =	ssyncadd.s32 $0xFFFFE000  }
0x5c: {  	_ =	swait.ge [sflag:s12], $0x2000  }
0x5d: {  	[sflag:s12] =	ssyncset.done $0x0  }
0x5e: {  	[sflag:s12] =	ssyncadd.s32 $0xFFFFE000  }
0x5f: {  	_ =	swait.ge [sflag:s12], $0x2000  }
0x60: {  	[sflag:s12] =	ssyncset.done $0x0  }
0x61: {  	[sflag:s12] =	ssyncadd.s32 $0xFFFFE000  }
0x62: {  	_ =	swait.ge [sflag:s12], $0x2000  }
0x63: {  	[sflag:s12] =	ssyncset.done $0x0  }
0x64: {  	[sflag:s12] =	ssyncadd.s32 $0xFFFFE000  }
0x65: {  	_ =	swait.ge [sflag:s12], $0x2000  }
0x66: {  	[sflag:s12] =	ssyncset.done $0x0  }
0x67: {  	[sflag:s12] =	ssyncadd.s32 $0xFFFFE000  }
0x68: {  	_ =	swait.ge [sflag:s12], $0x1800  }
0x69: {  	[sflag:s12] =	ssyncset.done $0x0  }
0x6a: {  	s17 =	simm.s32 @!p0 $0x2;
	[sflag:s12] =	ssyncadd.s32 $0xFFFFE800  }
0x6b: {  	_ =	swait.ge @!p0 [sflag:s17], $0x800  }
0x6c: {  	[sflag:s17] =	ssyncset.done @!p0 $0x0  }
0x6d: {  	[sflag:s17] =	ssyncadd.s32 @!p0 $0xFFFFF800  }
0x6e: {  	[bflag:$0x0] =	sbarrier.arrive $0xFFFF  }
0x6f: {  	[tilespmem:s10], [sflag:$0x1] =	stream.linear.gather [hbm4b:s23+s22], $0x2000, $0x38;
	[tilespmem:$0x19880] =	vst v63  }
0x70: {  	s19 =	sadd.s32 $0xFFFFFC00, s7  }
0x71: {  	[tilespmem:s13], [sflag:$0x2] =	stream.linear.gather [hbm4b:s19+s22], $0x2000, $0x38;
	[tilespmem:$0x19880] =	vst v63  }
0x72: {  	_ =	swait.ge [sflag:s14], $0x2000  }
0x73: {  	[sflag:s14] =	ssyncset.done $0x0  }
0x74: {  	s20 =	simm.s32 $0x0;
	[sflag:s14] =	ssyncadd.s32 $0xFFFFE000  }
0x75: {  	[spmem:s25] =	stream.indirect.scatter.add.f32 [tilespmem:s10], [sflag:$0x3], $0x80, s20, s15, $0xb8;
	[tilespmem:$0x19880] =	vst v63  }
0x76: {  	_ =	swait.ge [sflag:s11], $0x2000  }
0x77: {  	[sflag:s11] =	ssyncset.done $0x0  }
0x78: {  	[sflag:s11] =	ssyncadd.s32 $0xFFFFE000  }
0x79: {  	[tilespmem:s10], [sflag:$0x1] =	stream.linear.gather [hbm4b:s7+s22], $0x2000, $0x38;
	[tilespmem:$0x19880] =	vst v63  }
0x7a: {  	_ =	swait.ge [sflag:s12], $0x2000  }
0x7b: {  	[sflag:s12] =	ssyncset.done $0x0  }
0x7c: {  	s21 =	simm.s32 $0x80;
	[sflag:s12] =	ssyncadd.s32 $0xFFFFE000  }
0x7d: {  	[spmem:s25] =	stream.indirect.scatter.add.f32 [tilespmem:s13], [sflag:$0x3], $0x80, s21, s15, $0xb8;
	[tilespmem:$0x19880] =	vst v63  }
0x7e: {  	s18 =	simm.s32 $0x400;
	_ =	swait.ge [sflag:s11], $0x2000  }
0x7f: {  	s17 =	sadd.s32 $0x800, s7;
	s19 =	simm.s32 $0x800;
	[sflag:s11] =	ssyncset.done $0x0  }
.LBB2_2:
0x80: {  	p1 =	sne.s32 s19, $0x7800;
	s20 =	sadd.s32 $0xFFFFFC00, s17;
	[sflag:s11] =	ssyncadd.s32 $0xFFFFE000  }
0x81: {  	[tilespmem:s13], [sflag:$0x2] =	stream.linear.gather [hbm4b:s20+s22], $0x2000, $0x38;
	[tilespmem:$0x19880] =	vst v63  }
0x82: {  	s20 =	smov.u32 s19;
	s19 =	sadd.s32 $0x400, s19;
	_ =	swait.ge [sflag:s14], $0x2000  }
0x83: {  	[sflag:s14] =	ssyncset.done $0x0  }
0x84: {  	s21 =	sshra.s32 s18, $0x2;
	s18 =	smov.u32 s20;
	[sflag:s14] =	ssyncadd.s32 $0xFFFFE000  }
0x85: {  	[spmem:s25] =	stream.indirect.scatter.add.f32 [tilespmem:s10], [sflag:$0x3], $0x80, s21, s15, $0xb8;
	[tilespmem:$0x19880] =	vst v63  }
0x86: {  	_ =	swait.ge [sflag:s11], $0x2000  }
0x87: {  	[sflag:s11] =	ssyncset.done $0x0  }
0x88: {  	[sflag:s11] =	ssyncadd.s32 $0xFFFFE000  }
0x89: {  	[tilespmem:s10], [sflag:$0x1] =	stream.linear.gather [hbm4b:s17+s22], $0x2000, $0x38;
	[tilespmem:$0x19880] =	vst v63  }
0x8a: {  	_ =	swait.ge [sflag:s12], $0x2000  }
.Ltmp0:
0x8b: {  	[sflag:s12] =	ssyncset.done $0x0;
	(pc) =	sbr.rel @p1 .LBB2_2-.Ltmp0, $4  }
0x8c: {  	s20 =	sadd.s32 $0x80, s21;
	[sflag:s12] =	ssyncadd.s32 $0xFFFFE000  }
0x8d: {  	[spmem:s25] =	stream.indirect.scatter.add.f32 [tilespmem:s13], [sflag:$0x3], $0x80, s20, s15, $0xb8;
	[tilespmem:$0x19880] =	vst v63  }
0x8e: {  	_ =	swait.ge [sflag:s11], $0x2000  }
0x8f: {  	s17 =	sadd.s32 $0x800, s17;
	[sflag:s11] =	ssyncset.done $0x0  }
0x90: {  	s19 =	sadd.s32 $0xFFFFFC00, s17;
	[sflag:s11] =	ssyncadd.s32 $0xFFFFE000  }
0x91: {  	[tilespmem:s13], [sflag:$0x2] =	stream.linear.gather [hbm4b:s19+s22], $0x2000, $0x38;
	[tilespmem:$0x19880] =	vst v63  }
0x92: {  	_ =	swait.ge [sflag:s14], $0x2000  }
0x93: {  	[sflag:s14] =	ssyncset.done $0x0  }
0x94: {  	s18 =	sshra.s32 s18, $0x2;
	[sflag:s14] =	ssyncadd.s32 $0xFFFFE000  }
0x95: {  	[spmem:s25] =	stream.indirect.scatter.add.f32 [tilespmem:s10], [sflag:$0x3], $0x80, s18, s15, $0xb8;
	[tilespmem:$0x19880] =	vst v63  }
0x96: {  	_ =	swait.ge [sflag:s11], $0x2000  }
0x97: {  	[sflag:s11] =	ssyncset.done $0x0  }
0x98: {  	[sflag:s11] =	ssyncadd.s32 $0xFFFFE000  }
0x99: {  	[tilespmem:s10], [sflag:$0x1] =	stream.linear.gather [hbm4b:s17+s22], $0x2000, $0x38;
	[tilespmem:$0x19880] =	vst v63  }
0x9a: {  	_ =	swait.ge [sflag:s12], $0x2000  }
0x9b: {  	[sflag:s12] =	ssyncset.done $0x0  }
0x9c: {  	s21 =	sadd.s32 $0x80, s18;
	[sflag:s12] =	ssyncadd.s32 $0xFFFFE000  }
0x9d: {  	[spmem:s25] =	stream.indirect.scatter.add.f32 [tilespmem:s13], [sflag:$0x3], $0x80, s21, s15, $0xb8;
	[tilespmem:$0x19880] =	vst v63  }
0x9e: {  	_ =	swait.ge [sflag:s11], $0x2000  }
0x9f: {  	[sflag:s11] =	ssyncset.done $0x0  }
0xa0: {  	[sflag:s11] =	ssyncadd.s32 $0xFFFFE000  }
0xa1: {  	[tilespmem:s13], [sflag:$0x2] =	stream.linear.gather [hbm4b:s9+s22], $0x2000, $0x38;
	[tilespmem:$0x19880] =	vst v63  }
0xa2: {  	_ =	swait.ge [sflag:s14], $0x2000  }
0xa3: {  	[sflag:s14] =	ssyncset.done $0x0  }
0xa4: {  	s18 =	simm.s32 $0x1F00;
	[sflag:s14] =	ssyncadd.s32 $0xFFFFE000  }
0xa5: {  	[spmem:s25] =	stream.indirect.scatter.add.f32 [tilespmem:s10], [sflag:$0x3], $0x80, s18, s15, $0xb8;
	[tilespmem:$0x19880] =	vst v63  }
0xa6: {  	_ =	swait.ge [sflag:s11], $0x2000  }
0xa7: {  	[sflag:s11] =	ssyncset.done $0x0  }
0xa8: {  	[sflag:s11] =	ssyncadd.s32 $0xFFFFE000  }
0xa9: {  	_ =	swait.ge [sflag:s12], $0x2000  }
0xaa: {  	[sflag:s12] =	ssyncset.done $0x0  }
0xab: {  	s19 =	simm.s32 $0x1F80;
	[sflag:s12] =	ssyncadd.s32 $0xFFFFE000  }
0xac: {  	[spmem:s25] =	stream.indirect.scatter.add.f32 [tilespmem:s13], [sflag:$0x3], $0x80, s19, s15, $0xb8;
	[tilespmem:$0x19880] =	vst v63  }
0xad: {  	_ =	swait.ge [sflag:s11], $0x2000  }
0xae: {  	[sflag:s11] =	ssyncset.done $0x0  }
0xaf: {  	[sflag:s11] =	ssyncadd.s32 $0xFFFFE000  }
0xb0: {  	[bflag:$0x0] =	sbarrier.arrive $0xFFFF  }
0xb1: {  	[tilespmem:s10], [sflag:$0x3] =	stream.linear.gather [spmem:s28], $0x2000, $0x38;
	[tilespmem:$0x19880] =	vst v63  }
0xb2: {  	_ =	swait.ge [sflag:s11], $0x2000  }
0xb3: {  	[sflag:s11] =	ssyncset.done $0x0  }
0xb4: {  	s20 =	rddreg [dreg:$0x4];
	[sflag:s11] =	ssyncadd.s32 $0xFFFFE000  }
0xb5: {  	[hbm4b:s20+s22] =	stream.linear.scatter [tilespmem:s10], [sflag:$0x1], $0x2000, $0x38;
	[tilespmem:$0x19880] =	vst v63  }
0xb6: {  	_ = 	snop  }
0xb7: {  	[tilespmem:s13], [sflag:$0x3] =	stream.linear.gather [spmem:s29], $0x2000, $0x38;
	[tilespmem:$0x19880] =	vst v63  }
0xb8: {  	_ =	swait.ge [sflag:s11], $0x2000  }
0xb9: {  	[sflag:s11] =	ssyncset.done $0x0  }
0xba: {  	s21 =	rddreg [dreg:$0x5];
	[sflag:s11] =	ssyncadd.s32 $0xFFFFE000  }
0xbb: {  	[hbm4b:s21+s22] =	stream.linear.scatter [tilespmem:s13], [sflag:$0x2], $0x2000, $0x38;
	[tilespmem:$0x19880] =	vst v63  }
0xbc: {  	_ =	swait.ge [sflag:s14], $0x2000  }
0xbd: {  	[sflag:s14] =	ssyncset.done $0x0  }
0xbe: {  	[sflag:s14] =	ssyncadd.s32 $0xFFFFE000  }
0xbf: {  	[tilespmem:s10], [sflag:$0x3] =	stream.linear.gather [spmem:s30], $0x2000, $0x38;
	[tilespmem:$0x19880] =	vst v63  }
0xc0: {  	_ =	swait.ge [sflag:s11], $0x2000  }
0xc1: {  	[sflag:s11] =	ssyncset.done $0x0  }
0xc2: {  	s18 =	rddreg [dreg:$0x6];
	[sflag:s11] =	ssyncadd.s32 $0xFFFFE000  }
0xc3: {  	[hbm4b:s18+s22] =	stream.linear.scatter [tilespmem:s10], [sflag:$0x1], $0x2000, $0x38;
	[tilespmem:$0x19880] =	vst v63  }
0xc4: {  	_ =	swait.ge [sflag:s12], $0x2000  }
0xc5: {  	[sflag:s12] =	ssyncset.done $0x0  }
0xc6: {  	[sflag:s12] =	ssyncadd.s32 $0xFFFFE000  }
0xc7: {  	[tilespmem:s13], [sflag:$0x3] =	stream.linear.gather [spmem:s31], $0x2000, $0x38;
	[tilespmem:$0x19880] =	vst v63  }
0xc8: {  	_ =	swait.ge [sflag:s11], $0x2000  }
0xc9: {  	[sflag:s11] =	ssyncset.done $0x0  }
0xca: {  	s19 =	rddreg [dreg:$0x7];
	[sflag:s11] =	ssyncadd.s32 $0xFFFFE000  }
0xcb: {  	[hbm4b:s19+s22] =	stream.linear.scatter [tilespmem:s13], [sflag:$0x2], $0x2000, $0x38;
	[tilespmem:$0x19880] =	vst v63  }
0xcc: {  	_ =	swait.ge [sflag:s14], $0x2000  }
0xcd: {  	[sflag:s14] =	ssyncset.done $0x0  }
0xce: {  	[sflag:s14] =	ssyncadd.s32 $0xFFFFE000  }
0xcf: {  	[tilespmem:s10], [sflag:$0x3] =	stream.linear.gather [spmem:s24], $0x2000, $0x38;
	[tilespmem:$0x19880] =	vst v63  }
0xd0: {  	_ =	swait.ge [sflag:s11], $0x2000  }
0xd1: {  	[sflag:s11] =	ssyncset.done $0x0  }
0xd2: {  	s20 =	rddreg [dreg:$0x8];
	[sflag:s11] =	ssyncadd.s32 $0xFFFFE000  }
0xd3: {  	[hbm4b:s20+s22] =	stream.linear.scatter [tilespmem:s10], [sflag:$0x1], $0x2000, $0x38;
	[tilespmem:$0x19880] =	vst v63  }
0xd4: {  	_ =	swait.ge [sflag:s12], $0x2000  }
0xd5: {  	[sflag:s12] =	ssyncset.done $0x0  }
0xd6: {  	[sflag:s12] =	ssyncadd.s32 $0xFFFFE000  }
0xd7: {  	[tilespmem:s13], [sflag:$0x3] =	stream.linear.gather [spmem:s0], $0x2000, $0x38;
	[tilespmem:$0x19880] =	vst v63  }
0xd8: {  	_ =	swait.ge [sflag:s11], $0x2000  }
0xd9: {  	[sflag:s11] =	ssyncset.done $0x0  }
0xda: {  	s21 =	rddreg [dreg:$0x9];
	[sflag:s11] =	ssyncadd.s32 $0xFFFFE000  }
0xdb: {  	[hbm4b:s21+s22] =	stream.linear.scatter [tilespmem:s13], [sflag:$0x2], $0x2000, $0x38;
	[tilespmem:$0x19880] =	vst v63  }
0xdc: {  	_ =	swait.ge [sflag:s14], $0x2000  }
0xdd: {  	[sflag:s14] =	ssyncset.done $0x0  }
0xde: {  	[sflag:s14] =	ssyncadd.s32 $0xFFFFE000  }
0xdf: {  	[tilespmem:s10], [sflag:$0x3] =	stream.linear.gather [spmem:s1], $0x2000, $0x38;
	[tilespmem:$0x19880] =	vst v63  }
0xe0: {  	_ =	swait.ge [sflag:s11], $0x2000  }
0xe1: {  	[sflag:s11] =	ssyncset.done $0x0  }
0xe2: {  	s18 =	rddreg [dreg:$0xa];
	[sflag:s11] =	ssyncadd.s32 $0xFFFFE000  }
0xe3: {  	[hbm4b:s18+s22] =	stream.linear.scatter [tilespmem:s10], [sflag:$0x1], $0x2000, $0x38;
	[tilespmem:$0x19880] =	vst v63  }
0xe4: {  	_ =	swait.ge [sflag:s12], $0x2000  }
0xe5: {  	[sflag:s12] =	ssyncset.done $0x0  }
0xe6: {  	[sflag:s12] =	ssyncadd.s32 $0xFFFFE000  }
0xe7: {  	[tilespmem:s13], [sflag:$0x3] =	stream.linear.gather [spmem:s2], $0x2000, $0x38;
	[tilespmem:$0x19880] =	vst v63  }
0xe8: {  	_ =	swait.ge [sflag:s11], $0x2000  }
0xe9: {  	[sflag:s11] =	ssyncset.done $0x0  }
0xea: {  	s19 =	rddreg [dreg:$0xb];
	[sflag:s11] =	ssyncadd.s32 $0xFFFFE000  }
0xeb: {  	[hbm4b:s19+s22] =	stream.linear.scatter [tilespmem:s13], [sflag:$0x2], $0x2000, $0x38;
	[tilespmem:$0x19880] =	vst v63  }
0xec: {  	_ =	swait.ge [sflag:s14], $0x2000  }
0xed: {  	[sflag:s14] =	ssyncset.done $0x0  }
0xee: {  	[sflag:s14] =	ssyncadd.s32 $0xFFFFE000  }
0xef: {  	[tilespmem:s10], [sflag:$0x3] =	stream.linear.gather [spmem:s3], $0x2000, $0x38;
	[tilespmem:$0x19880] =	vst v63  }
0xf0: {  	_ =	swait.ge [sflag:s11], $0x2000  }
0xf1: {  	[sflag:s11] =	ssyncset.done $0x0  }
0xf2: {  	s20 =	rddreg [dreg:$0xc];
	[sflag:s11] =	ssyncadd.s32 $0xFFFFE000  }
0xf3: {  	[hbm4b:s20+s22] =	stream.linear.scatter [tilespmem:s10], [sflag:$0x1], $0x2000, $0x38;
	[tilespmem:$0x19880] =	vst v63  }
0xf4: {  	_ =	swait.ge [sflag:s12], $0x2000  }
0xf5: {  	[sflag:s12] =	ssyncset.done $0x0  }
0xf6: {  	[sflag:s12] =	ssyncadd.s32 $0xFFFFE000  }
0xf7: {  	[tilespmem:s13], [sflag:$0x3] =	stream.linear.gather [spmem:s4], $0x1800, $0x38;
	[tilespmem:$0x19880] =	vst v63  }
0xf8: {  	_ =	swait.ge [sflag:s11], $0x1800  }
0xf9: {  	[sflag:s11] =	ssyncset.done $0x0  }
0xfa: {  	s21 =	rddreg [dreg:$0xd];
	[sflag:s11] =	ssyncadd.s32 $0xFFFFE800  }
0xfb: {  	[hbm4b:s21+s22] =	stream.linear.scatter [tilespmem:s13], [sflag:$0x2], $0x1800, $0x38;
	[tilespmem:$0x19880] =	vst v63  }
0xfc: {  	_ =	swait.ge [sflag:s14], $0x2000  }
0xfd: {  	[sflag:s14] =	ssyncset.done $0x0  }
0xfe: {  	[sflag:s14] =	ssyncadd.s32 $0xFFFFE000  }
0xff: {  	_ =	swait.ge [sflag:s12], $0x1800  }
0x100: {  	[sflag:s12] =	ssyncset.done $0x0  }
0x101: {  	s17 =	simm.s32 @!p0 $0x2000;
	s18 =	simm.s32 @!p0 $0x3;
	[sflag:s12] =	ssyncadd.s32 $0xFFFFE800  }
0x102: {  	[tilespmem:s17], [sflag:$0x3] =	stream.linear.gather @!p0 [spmem:s8], $0x800, $0x38;
	[tilespmem:$0x19880] =	vst v63  }
0x103: {  	_ =	swait.ge @!p0 [sflag:s18], $0x800  }
0x104: {  	[sflag:s18] =	ssyncset.done @!p0 $0x0  }
0x105: {  	s19 =	simm.s32 @!p0 $0x0;
	s20 =	rddreg [dreg:$0xe];
	[sflag:s18] =	ssyncadd.s32 @!p0 $0xFFFFF800  }
0x106: {  	[hbm4b:s20+s19] =	stream.linear.scatter @!p0 [tilespmem:s17], [sflag:$0x3], $0x800, $0x38;
	[tilespmem:$0x19880] =	vst v63  }
0x107: {  	_ =	swait.ge @!p0 [sflag:s18], $0x800  }
0x108: {  	[sflag:s18] =	ssyncset.done @!p0 $0x0  }
0x109: {  	[sflag:s18] =	ssyncadd.s32 @!p0 $0xFFFFF800  }
0x10a: {  	s17 =	simm.s32 $0x0;
	s18 =	simm.s32 $0x200;
	[bflag:$0x0] =	sbarrier.arrive $0xFFFF  }
.LBB2_4:
0x10b: {  	p1 =	sne.s32 s18, $0x7E00;
	[tilespmem:s17+$0x2070] =	vst v0  }
0x10c: {  	[tilespmem:s17+$0x2000] =	vst v0  }
0x10d: {  	[tilespmem:s17+$0x2010] =	vst v0  }
.Ltmp1:
0x10e: {  	[tilespmem:s17+$0x2020] =	vst v0;
	(pc) =	sbr.rel @p1 .LBB2_4-.Ltmp1, $4  }
0x10f: {  	[tilespmem:s17+$0x2030] =	vst v0  }
0x110: {  	[tilespmem:s17+$0x2040] =	vst v0  }
0x111: {  	[tilespmem:s17+$0x2050] =	vst v0  }
0x112: {  	[tilespmem:s17+$0x2060] =	vst v0;
	s17 =	sshra.s32 s18, $0x2;
	s18 =	sadd.s32 $0x200, s18  }
0x113: {  	[tilespmem:s17+$0x2070] =	vst v0  }
0x114: {  	[tilespmem:s17+$0x2000] =	vst v0  }
0x115: {  	[tilespmem:s17+$0x2010] =	vst v0  }
0x116: {  	[tilespmem:s17+$0x2020] =	vst v0  }
0x117: {  	[tilespmem:s17+$0x2030] =	vst v0  }
0x118: {  	[tilespmem:s17+$0x2040] =	vst v0  }
0x119: {  	[tilespmem:s17+$0x2050] =	vst v0  }
0x11a: {  	[tilespmem:s17+$0x2060] =	vst v0;
	s17 =	simm.s32 $0x200;
	s19 =	simm.s32 $0x0;
	s18 =	simm.s32 $0x40  }
.LBB2_6:
0x11b: {  	[spmem:s25] =	stream.indirect.scatter.add.f32 [tilespmem:s10], [sflag:$0x1], $0x80, s19, s18, $0xb8;
	[tilespmem:$0x19880] =	vst v63  }
0x11c: {  	s19 =	smov.u32 s17;
	p1 =	sne.s32 s17, $0x7E00  }
.Ltmp2:
0x11d: {  	s17 =	sadd.s32 $0x200, s17;
	(pc) =	sbr.rel @p1 .LBB2_6-.Ltmp2, $2  }
0x11e: {  	_ =	sdelay $0x2  }
0x11f: {  	s19 =	sshra.s32 s19, $0x2  }
0x120: {  	[spmem:s25] =	stream.indirect.scatter.add.f32 [tilespmem:s10], [sflag:$0x1], $0x80, s19, s18, $0xb8;
	[tilespmem:$0x19880] =	vst v63  }
0x121: {  	_ =	swait.ge [sflag:s14], $0x2000  }
0x122: {  	s17 =	simm.s32 $0x3F;
	[sflag:s14] =	ssyncset.done $0x0  }
.LBB2_8:
0x123: {  	p1 =	sne.s32 s17, $0x1;
	s17 =	sadd.s32 $0xFFFFFFFF, s17;
	[sflag:s14] =	ssyncadd.s32 $0xFFFFE000  }
.Ltmp3:
0x124: {  	(pc) =	sbr.rel @p1 .LBB2_8-.Ltmp3, $3  }
0x125: {  	_ =	sdelay $0x1  }
0x126: {  	_ =	swait.ge [sflag:s14], $0x2000  }
0x127: {  	[sflag:s14] =	ssyncset.done $0x0  }
0x128: {  	[sflag:s14] =	ssyncadd.s32 $0xFFFFE000  }
0x129: {  	[bflag:$0x0] =	sbarrier.arrive $0xFFFF  }
0x12a: {  	[tilespmem:s10], [sflag:$0x3] =	stream.linear.gather [spmem:s28], $0x2000, $0x38;
	[tilespmem:$0x19880] =	vst v63  }
0x12b: {  	_ =	swait.ge [sflag:s11], $0x2000  }
0x12c: {  	[sflag:s11] =	ssyncset.done $0x0  }
0x12d: {  	s17 =	rddreg [dreg:$0xf];
	[sflag:s11] =	ssyncadd.s32 $0xFFFFE000  }
0x12e: {  	[hbm4b:s17+s22] =	stream.linear.scatter [tilespmem:s10], [sflag:$0x1], $0x2000, $0x38;
	[tilespmem:$0x19880] =	vst v63  }
0x12f: {  	_ = 	snop  }
0x130: {  	[tilespmem:s13], [sflag:$0x3] =	stream.linear.gather [spmem:s29], $0x2000, $0x38;
	[tilespmem:$0x19880] =	vst v63  }
0x131: {  	_ =	swait.ge [sflag:s11], $0x2000  }
0x132: {  	[sflag:s11] =	ssyncset.done $0x0  }
0x133: {  	s21 =	rddreg [dreg:$0x10];
	[sflag:s11] =	ssyncadd.s32 $0xFFFFE000  }
0x134: {  	[hbm4b:s21+s22] =	stream.linear.scatter [tilespmem:s13], [sflag:$0x2], $0x2000, $0x38;
	[tilespmem:$0x19880] =	vst v63  }
0x135: {  	_ =	swait.ge [sflag:s14], $0x2000  }
0x136: {  	[sflag:s14] =	ssyncset.done $0x0  }
0x137: {  	[sflag:s14] =	ssyncadd.s32 $0xFFFFE000  }
0x138: {  	[tilespmem:s10], [sflag:$0x3] =	stream.linear.gather [spmem:s30], $0x2000, $0x38;
	[tilespmem:$0x19880] =	vst v63  }
0x139: {  	_ =	swait.ge [sflag:s11], $0x2000  }
0x13a: {  	[sflag:s11] =	ssyncset.done $0x0  }
0x13b: {  	s18 =	rddreg [dreg:$0x11];
	[sflag:s11] =	ssyncadd.s32 $0xFFFFE000  }
0x13c: {  	[hbm4b:s18+s22] =	stream.linear.scatter [tilespmem:s10], [sflag:$0x1], $0x2000, $0x38;
	[tilespmem:$0x19880] =	vst v63  }
0x13d: {  	_ =	swait.ge [sflag:s12], $0x2000  }
0x13e: {  	[sflag:s12] =	ssyncset.done $0x0  }
0x13f: {  	[sflag:s12] =	ssyncadd.s32 $0xFFFFE000  }
0x140: {  	[tilespmem:s13], [sflag:$0x3] =	stream.linear.gather [spmem:s31], $0x2000, $0x38;
	[tilespmem:$0x19880] =	vst v63  }
0x141: {  	_ =	swait.ge [sflag:s11], $0x2000  }
0x142: {  	[sflag:s11] =	ssyncset.done $0x0  }
0x143: {  	s19 =	rddreg [dreg:$0x12];
	[sflag:s11] =	ssyncadd.s32 $0xFFFFE000  }
0x144: {  	[hbm4b:s19+s22] =	stream.linear.scatter [tilespmem:s13], [sflag:$0x2], $0x2000, $0x38;
	[tilespmem:$0x19880] =	vst v63  }
0x145: {  	_ =	swait.ge [sflag:s14], $0x2000  }
0x146: {  	[sflag:s14] =	ssyncset.done $0x0  }
0x147: {  	[sflag:s14] =	ssyncadd.s32 $0xFFFFE000  }
0x148: {  	[tilespmem:s10], [sflag:$0x3] =	stream.linear.gather [spmem:s24], $0x2000, $0x38;
	[tilespmem:$0x19880] =	vst v63  }
0x149: {  	_ =	swait.ge [sflag:s11], $0x2000  }
0x14a: {  	[sflag:s11] =	ssyncset.done $0x0  }
0x14b: {  	s20 =	rddreg [dreg:$0x13];
	[sflag:s11] =	ssyncadd.s32 $0xFFFFE000  }
0x14c: {  	[hbm4b:s20+s22] =	stream.linear.scatter [tilespmem:s10], [sflag:$0x1], $0x2000, $0x38;
	[tilespmem:$0x19880] =	vst v63  }
0x14d: {  	_ =	swait.ge [sflag:s12], $0x2000  }
0x14e: {  	[sflag:s12] =	ssyncset.done $0x0  }
0x14f: {  	[sflag:s12] =	ssyncadd.s32 $0xFFFFE000  }
0x150: {  	[tilespmem:s13], [sflag:$0x3] =	stream.linear.gather [spmem:s0], $0x2000, $0x38;
	[tilespmem:$0x19880] =	vst v63  }
0x151: {  	_ =	swait.ge [sflag:s11], $0x2000  }
0x152: {  	[sflag:s11] =	ssyncset.done $0x0  }
0x153: {  	s21 =	rddreg [dreg:$0x14];
	[sflag:s11] =	ssyncadd.s32 $0xFFFFE000  }
0x154: {  	[hbm4b:s21+s22] =	stream.linear.scatter [tilespmem:s13], [sflag:$0x2], $0x2000, $0x38;
	[tilespmem:$0x19880] =	vst v63  }
0x155: {  	_ =	swait.ge [sflag:s14], $0x2000  }
0x156: {  	[sflag:s14] =	ssyncset.done $0x0  }
0x157: {  	[sflag:s14] =	ssyncadd.s32 $0xFFFFE000  }
0x158: {  	[tilespmem:s10], [sflag:$0x3] =	stream.linear.gather [spmem:s1], $0x2000, $0x38;
	[tilespmem:$0x19880] =	vst v63  }
0x159: {  	_ =	swait.ge [sflag:s11], $0x2000  }
0x15a: {  	[sflag:s11] =	ssyncset.done $0x0  }
0x15b: {  	s18 =	rddreg [dreg:$0x15];
	[sflag:s11] =	ssyncadd.s32 $0xFFFFE000  }
0x15c: {  	[hbm4b:s18+s22] =	stream.linear.scatter [tilespmem:s10], [sflag:$0x1], $0x2000, $0x38;
	[tilespmem:$0x19880] =	vst v63  }
0x15d: {  	_ =	swait.ge [sflag:s12], $0x2000  }
0x15e: {  	[sflag:s12] =	ssyncset.done $0x0  }
0x15f: {  	[sflag:s12] =	ssyncadd.s32 $0xFFFFE000  }
0x160: {  	[tilespmem:s13], [sflag:$0x3] =	stream.linear.gather [spmem:s2], $0x2000, $0x38;
	[tilespmem:$0x19880] =	vst v63  }
0x161: {  	_ =	swait.ge [sflag:s11], $0x2000  }
0x162: {  	[sflag:s11] =	ssyncset.done $0x0  }
0x163: {  	s19 =	rddreg [dreg:$0x16];
	[sflag:s11] =	ssyncadd.s32 $0xFFFFE000  }
0x164: {  	[hbm4b:s19+s22] =	stream.linear.scatter [tilespmem:s13], [sflag:$0x2], $0x2000, $0x38;
	[tilespmem:$0x19880] =	vst v63  }
0x165: {  	_ =	swait.ge [sflag:s14], $0x2000  }
0x166: {  	[sflag:s14] =	ssyncset.done $0x0  }
0x167: {  	[sflag:s14] =	ssyncadd.s32 $0xFFFFE000  }
0x168: {  	[tilespmem:s10], [sflag:$0x3] =	stream.linear.gather [spmem:s3], $0x2000, $0x38;
	[tilespmem:$0x19880] =	vst v63  }
0x169: {  	_ =	swait.ge [sflag:s11], $0x2000  }
0x16a: {  	[sflag:s11] =	ssyncset.done $0x0  }
0x16b: {  	s20 =	rddreg [dreg:$0x17];
	[sflag:s11] =	ssyncadd.s32 $0xFFFFE000  }
0x16c: {  	[hbm4b:s20+s22] =	stream.linear.scatter [tilespmem:s10], [sflag:$0x1], $0x2000, $0x38;
	[tilespmem:$0x19880] =	vst v63  }
0x16d: {  	_ =	swait.ge [sflag:s12], $0x2000  }
0x16e: {  	[sflag:s12] =	ssyncset.done $0x0  }
0x16f: {  	[sflag:s12] =	ssyncadd.s32 $0xFFFFE000  }
0x170: {  	[tilespmem:s13], [sflag:$0x3] =	stream.linear.gather [spmem:s4], $0x1800, $0x38;
	[tilespmem:$0x19880] =	vst v63  }
0x171: {  	_ =	swait.ge [sflag:s11], $0x1800  }
0x172: {  	[sflag:s11] =	ssyncset.done $0x0  }
0x173: {  	s21 =	rddreg [dreg:$0x18];
	[sflag:s11] =	ssyncadd.s32 $0xFFFFE800  }
0x174: {  	[hbm4b:s21+s22] =	stream.linear.scatter [tilespmem:s13], [sflag:$0x2], $0x1800, $0x38;
	[tilespmem:$0x19880] =	vst v63  }
0x175: {  	_ =	swait.ge [sflag:s14], $0x2000  }
0x176: {  	[sflag:s14] =	ssyncset.done $0x0  }
0x177: {  	[sflag:s14] =	ssyncadd.s32 $0xFFFFE000  }
0x178: {  	_ =	swait.ge [sflag:s12], $0x1800  }
0x179: {  	[sflag:s12] =	ssyncset.done $0x0  }
0x17a: {  	s17 =	simm.s32 @!p0 $0x2000;
	s18 =	simm.s32 @!p0 $0x3;
	[sflag:s12] =	ssyncadd.s32 $0xFFFFE800  }
0x17b: {  	[tilespmem:s17], [sflag:$0x3] =	stream.linear.gather @!p0 [spmem:s8], $0x800, $0x38;
	[tilespmem:$0x19880] =	vst v63  }
0x17c: {  	s16 =	sadd.s32 $0x1, s16;
	_ =	swait.ge @!p0 [sflag:s18], $0x800  }
0x17d: {  	p1 =	sne.s32 s16, s6;
	s19 =	simm.s32 @!p0 $0x0;
	[sflag:s18] =	ssyncset.done @!p0 $0x0  }
.Ltmp4:
0x17e: {  	s20 =	rddreg [dreg:$0x19];
	[sflag:s18] =	ssyncadd.s32 @!p0 $0xFFFFF800;
	(pc) =	sbr.rel @p1 .LBB2_1-.Ltmp4, $4  }
0x17f: {  	[hbm4b:s20+s19] =	stream.linear.scatter @!p0 [tilespmem:s17], [sflag:$0x3], $0x800, $0x38;
	[tilespmem:$0x19880] =	vst v63  }
0x180: {  	_ =	swait.ge @!p0 [sflag:s18], $0x800  }
0x181: {  	[sflag:s18] =	ssyncset.done @!p0 $0x0  }
0x182: {  	[sflag:s18] =	ssyncadd.s32 @!p0 $0xFFFFF800  }
0x183: {  	_ =	sfence.sel $0x180000  }
0x184: {  	[bflag:$0x0] =	sbarrier.arrive $0xFFFF  }
0x185: {  	_ =	strace $0x90000047  }
0x186: {  	[bflag:$0x2] =	sbarrier.arrive $0xFFFF  }
0x187: {  	s0 =	rddreg [dreg:$0x3]  }
0x188: {  	s0 =	sadd.s32 @!p0 $0x100000, s0  }
0x189: {  	[sflag:s0] =	ssyncadd.tile.s32 @!p0 $0x1;
	_ =	shalt  }
.Lfunc_end2:
_tile_overlayer_lowered:
.L_overlay_start_2:
0x18a: {  	(tag) =	ssettag $0x2  }
0x18b: {  	s0 =	rddreg [dreg:$0x0];
	s2 =	stileid.u32  }
0x18c: {  	s1 =	rddreg [dreg:$0x1];
	p0 =	sne.s32 s2, $0x0  }
0x18d: {  	s3 =	rddreg [dreg:$0x2];
	[bflag:$0x3] =	sbarrier.arrive $0xFFFF;
	s2 =	simm.s32 @!p0 $0x1C03  }
0x18e: {  	[timem:s3], [sflag:s2] =	dma.local @!p0 [hbm:s0], s1  }
0x18f: {  	s0 =	simm.s32 @!p0 $0x3  }
0x190: {  	_ =	swait.ge @!p0 [sflag:s0], s1  }
0x191: {  	s1 =	ssub.s32 @!p0 $0x0, s1;
	[sflag:s0] =	ssyncset.done @!p0 $0x0  }
0x192: {  	[sflag:s0] =	ssyncadd.s32 @!p0 s1  }
0x193: {  	[bflag:$0x3] =	sbarrier.arrive $0xFFFF  }
0x194: {  	_ =	shalt  }

</sc_bundles>
